<compile_context>
chip_gen: v7x
topology: tpu7x:2x2x1
jax: 0.10.2.dev20260603
libtpu: 0.0.44.dev20260713+nightly
codegen_flags: <defaults>
</compile_context>

<pallas_src>
import jax
import jax.numpy as jnp
from jax import lax
from jax.experimental import pallas as pl
from jax.experimental.pallas import tpu as pltpu
from jax.experimental.pallas import tpu_sc as plsc

VOCAB = 1000000
EMB_DIM = 64
BATCH = 4096
HIST = 200

NC = 2
NS = 16
NW = NC * NS
ROWS_PER_W = BATCH // NW

HA = 128
HB = HIST - HA
NFULL = HIST // 16
NTAIL = HIST % 16


def _encoder_body(x_hbm, emb_hbm, inv_hbm, out_hbm,
                  idx_slab, rows0, rows1, out_slab, inv_v, sem0, sem1):
    wid = lax.axis_index("s") * NC + lax.axis_index("c")
    base = wid * ROWS_PER_W

    pltpu.sync_copy(inv_hbm, inv_v)
    pltpu.sync_copy(x_hbm.at[pl.ds(base, ROWS_PER_W)], idx_slab)

    zf = jnp.zeros((16,), jnp.float32)
    lane = lax.iota(jnp.int32, 16)

    def issue(r, rows, sem):
        pltpu.async_copy(
            emb_hbm.at[idx_slab.at[r, pl.ds(0, HA)]],
            rows.at[pl.ds(0, HA)], sem)
        pltpu.async_copy(
            emb_hbm.at[idx_slab.at[r, pl.ds(HA, HB)]],
            rows.at[pl.ds(HA, HB)], sem)

    def drain(rows, sem):
        pltpu.make_async_copy(emb_hbm.at[pl.ds(0, HIST)], rows, sem).wait()

    def reduce(r, rows):
        def red(i, carry):
            a0, a1, a2, a3, cnt = carry
            for j in range(16):
                rr = i * 16 + j
                a0 = a0 + rows[rr, pl.ds(0, 16)]
                a1 = a1 + rows[rr, pl.ds(16, 16)]
                a2 = a2 + rows[rr, pl.ds(32, 16)]
                a3 = a3 + rows[rr, pl.ds(48, 16)]
            ch = idx_slab[r, pl.ds(i * 16, 16)]
            cnt = cnt + jnp.where(ch != 0, 1, 0).astype(jnp.int32)
            return a0, a1, a2, a3, cnt

        init = (zf, zf, zf, zf, jnp.zeros((16,), jnp.int32))
        a0, a1, a2, a3, cnt_v = lax.fori_loop(0, NFULL, red, init)

        for rr in range(HIST - NTAIL, HIST):
            a0 = a0 + rows[rr, pl.ds(0, 16)]
            a1 = a1 + rows[rr, pl.ds(16, 16)]
            a2 = a2 + rows[rr, pl.ds(32, 16)]
            a3 = a3 + rows[rr, pl.ds(48, 16)]
        ch = idx_slab[r, pl.ds(HIST - 16, 16)]
        tail_valid = (ch != 0) & (lane >= 16 - NTAIL)
        cnt_v = cnt_v + jnp.where(tail_valid, 1, 0).astype(jnp.int32)

        cnt = cnt_v[0]
        for l in range(1, 16):
            cnt = cnt + cnt_v[l]
        cnt_splat = jnp.full((16,), cnt, jnp.int32)
        inv = plsc.load_gather(inv_v, [cnt_splat])

        out_slab[r, pl.ds(0, 16)] = a0 * inv
        out_slab[r, pl.ds(16, 16)] = a1 * inv
        out_slab[r, pl.ds(32, 16)] = a2 * inv
        out_slab[r, pl.ds(48, 16)] = a3 * inv

    issue(0, rows0, sem0)

    def pair_body(i, _):
        r = 2 * i
        issue(r + 1, rows1, sem1)
        drain(rows0, sem0)
        reduce(r, rows0)
        issue(r + 2, rows0, sem0)
        drain(rows1, sem1)
        reduce(r + 1, rows1)
        return 0

    lax.fori_loop(0, ROWS_PER_W // 2 - 1, pair_body, 0)

    issue(ROWS_PER_W - 1, rows1, sem1)
    drain(rows0, sem0)
    reduce(ROWS_PER_W - 2, rows0)
    drain(rows1, sem1)
    reduce(ROWS_PER_W - 1, rows1)

    pltpu.sync_copy(out_slab, out_hbm.at[pl.ds(base, ROWS_PER_W)])


@jax.jit
def _encoder(x, emb, inv_table):
    mesh = plsc.VectorSubcoreMesh(
        core_axis_name="c", subcore_axis_name="s", num_cores=NC, num_subcores=NS
    )
    f = pl.kernel(
        _encoder_body,
        out_type=jax.ShapeDtypeStruct((BATCH, EMB_DIM), jnp.float32),
        mesh=mesh,
        scratch_types=[
            pltpu.VMEM((ROWS_PER_W, HIST), jnp.int32),
            pltpu.VMEM((HIST, EMB_DIM), jnp.float32),
            pltpu.VMEM((HIST, EMB_DIM), jnp.float32),
            pltpu.VMEM((ROWS_PER_W, EMB_DIM), jnp.float32),
            pltpu.VMEM((HIST + 8,), jnp.float32),
            pltpu.SemaphoreType.DMA,
            pltpu.SemaphoreType.DMA,
        ],
        compiler_params=pltpu.CompilerParams(
            needs_layout_passes=False, use_tc_tiling_on_sc=False),
    )
    return f(x, emb, inv_table)


def kernel(x, emb):
    x = x.astype(jnp.int32)
    counts = jnp.maximum(jnp.arange(HIST + 8, dtype=jnp.float32), 1.0)
    inv_table = 1.0 / counts
    return _encoder(x, emb, inv_table)

# --- scband reference (transcript-rebuilt; emitter-appended) ---
"""Pipeline reference for scband-encoder-38276748542670 (READ-ONLY COPY).

The authoritative reference and input builder live on the scoring server;
editing this copy changes nothing except your own understanding.
"""

import jax, jax.numpy as jnp
import numpy as np

VOCAB = 1000000
EMB_DIM = 64
BATCH = 4096
HIST = 200

def setup_inputs(seed: int = 0) -> dict:
    key = jax.random.key(seed)
    k1, k2 = jax.random.split(key)
    x = jax.random.randint(k1, (BATCH, HIST), 0, VOCAB, dtype=jnp.int64) if jax.config.jax_enable_x64 else jax.random.randint(k1, (BATCH, HIST), 0, VOCAB, dtype=jnp.int32)
    emb = jax.random.normal(k2, (VOCAB, EMB_DIM), dtype=jnp.float32) * 0.02
    # padding_idx=0 row is zero in nn.Embedding
    emb = emb.at[0].set(0.0)
    return {"x": x, "emb": emb}

def reference(x, emb):
    # mask = (x != 0).unsqueeze(-1)
    mask = (x != 0)[..., None].astype(emb.dtype)          # [B, L, 1]
    # gather: emb(x) -> [B, L, D]
    gathered = jnp.take(emb, x, axis=0)
    summed = (gathered * mask).sum(axis=1)                 # [B, D]
    lens = jnp.clip(mask.sum(axis=1), 1e-06, None)         # [B, 1]
    return summed / lens

if __name__ == "__main__":
    import jax
    _d = setup_inputs()
    print(jax.jit(kernel)(*tuple(_d.values())))

</pallas_src>

<mosaic_0001>
#map = affine_map<(d0, d1) -> (0, 0)>
#map1 = affine_map<(d0, d1) -> (0)>
module attributes {stable_mosaic.version = 14 : i64} {
  func.func @_encoder_body(%arg0: i32, %arg1: i32, %arg2: memref<4096x200xi32, #tpu.memory_space<hbm>>, %arg3: memref<1000000x64xf32, #tpu.memory_space<hbm>>, %arg4: memref<208xf32, #tpu.memory_space<hbm>>, %arg5: memref<4096x64xf32, #tpu.memory_space<hbm>>, %arg6: memref<128x200xi32, #tpu.memory_space<vmem>>, %arg7: memref<200x64xf32, #tpu.memory_space<vmem>>, %arg8: memref<200x64xf32, #tpu.memory_space<vmem>>, %arg9: memref<128x64xf32, #tpu.memory_space<vmem>>, %arg10: memref<208xf32, #tpu.memory_space<vmem>>, %arg11: memref<!tpu.dma_semaphore, #tpu.memory_space<semaphore_mem>>, %arg12: memref<!tpu.dma_semaphore, #tpu.memory_space<semaphore_mem>>) attributes {dimension_semantics = [#tpu.dimension_semantics<core_parallel>, #tpu.dimension_semantics<subcore_parallel>], iteration_bounds = array<i64: 2, 16>, scalar_prefetch = 0 : i64, scratch_operands = 7 : i64, tpu.core_type = #tpu.core_type<sc_vector_subcore>, window_params = [{transform_indices = #map}, {transform_indices = #map}, {transform_indices = #map1}, {transform_indices = #map}]} {
    %mul3A = arith.constant 2 : i32
    %mul3A_0 = arith.muli %arg1, %mul3A : i32
    %add3A = arith.addi %mul3A_0, %arg0 : i32
    %mul3A_1 = arith.constant 128 : i32
    %mul3A_2 = arith.muli %add3A, %mul3A_1 : i32
    "tpu.region"() ({
      %run_scoped3A = tpu.sem_alloc : memref<!tpu.dma_semaphore, #tpu.memory_space<semaphore_mem>>
      tpu.enqueue_dma source(%arg4 : memref<208xf32, #tpu.memory_space<hbm>>) target(%arg10 : memref<208xf32, #tpu.memory_space<vmem>>) target_semaphore(%run_scoped3A : memref<!tpu.dma_semaphore, #tpu.memory_space<semaphore_mem>>)
      tpu.wait_dma2 semaphore(%run_scoped3A : memref<!tpu.dma_semaphore, #tpu.memory_space<semaphore_mem>>) src(%arg4 : memref<208xf32, #tpu.memory_space<hbm>>) dst(%arg10 : memref<208xf32, #tpu.memory_space<vmem>>)
      tpu.yield
    }) : () -> ()
    "tpu.region"() ({
      %run_scoped3A = tpu.sem_alloc : memref<!tpu.dma_semaphore, #tpu.memory_space<semaphore_mem>>
      %dma_start3A_558 = arith.constant 0 : i32
      %dma_start3A_559 = tpu.memref_slice %arg2[%mul3A_2, %dma_start3A_558] : memref<4096x200xi32, #tpu.memory_space<hbm>> -> memref<128x200xi32, #tpu.memory_space<hbm>>
      %dma_start3A_560 = arith.constant 0 : i32
      %dma_start3A_561 = tpu.memref_slice %arg2[%mul3A_2, %dma_start3A_560] : memref<4096x200xi32, #tpu.memory_space<hbm>> -> memref<128x200xi32, #tpu.memory_space<hbm>>
      tpu.enqueue_dma source(%dma_start3A_561 : memref<128x200xi32, #tpu.memory_space<hbm>>) target(%arg6 : memref<128x200xi32, #tpu.memory_space<vmem>>) target_semaphore(%run_scoped3A : memref<!tpu.dma_semaphore, #tpu.memory_space<semaphore_mem>>)
      %dma_wait3A_562 = arith.constant 0 : i32
      %dma_wait3A_563 = tpu.memref_slice %arg2[%mul3A_2, %dma_wait3A_562] : memref<4096x200xi32, #tpu.memory_space<hbm>> -> memref<128x200xi32, #tpu.memory_space<hbm>>
      %dma_wait3A_564 = arith.constant 0 : i32
      %dma_wait3A_565 = tpu.memref_slice %arg2[%mul3A_2, %dma_wait3A_564] : memref<4096x200xi32, #tpu.memory_space<hbm>> -> memref<128x200xi32, #tpu.memory_space<hbm>>
      tpu.wait_dma2 semaphore(%run_scoped3A : memref<!tpu.dma_semaphore, #tpu.memory_space<semaphore_mem>>) src(%dma_wait3A_565 : memref<128x200xi32, #tpu.memory_space<hbm>>) dst(%arg6 : memref<128x200xi32, #tpu.memory_space<vmem>>)
      tpu.yield
    }) : () -> ()
    %broadcast_in_dim3A = arith.constant 0.000000e+00 : f32
    %broadcast_in_dim3A_3 = vector.broadcast %broadcast_in_dim3A : f32 to vector<16xf32>
    %iota3A = tpu.iota {dimensions = array<i32: 0>} : vector<16xi32>
    %dma_start3A = arith.constant 0 : i32
    %dma_start3A_4 = arith.constant 0 : i32
    %dma_start3A_5 = arith.constant 0 : i32
    %dma_start3A_6 = tpu.memref_slice %arg7[%dma_start3A_4, %dma_start3A_5] : memref<200x64xf32, #tpu.memory_space<vmem>> -> memref<128x64xf32, #tpu.memory_space<vmem>>
    %dma_start3A_7 = arith.constant 0 : i32
    %dma_start3A_8 = tpu.memref_slice %arg6[%dma_start3A, %dma_start3A_7] : memref<128x200xi32, #tpu.memory_space<vmem>> -> memref<1x128xi32, #tpu.memory_space<vmem>>
    %dma_start3A_9 = tpu.memref_squeeze %dma_start3A_8 : memref<1x128xi32, #tpu.memory_space<vmem>> -> memref<128xi32, #tpu.memory_space<vmem>>
    %dma_start3A_10 = arith.constant 0 : i32
    %dma_start3A_11 = arith.constant 0 : i32
    %dma_start3A_12 = tpu.memref_slice %arg3[%dma_start3A_10, %dma_start3A_11] : memref<1000000x64xf32, #tpu.memory_space<hbm>> -> memref<1000000x64xf32, #tpu.memory_space<hbm>>
    tpu.enqueue_indirect_dma source(%dma_start3A_12 : memref<1000000x64xf32, #tpu.memory_space<hbm>>) target(%dma_start3A_6 : memref<128x64xf32, #tpu.memory_space<vmem>>) offsets(%dma_start3A_9 : memref<128xi32, #tpu.memory_space<vmem>>) semaphore(%arg11 : memref<!tpu.dma_semaphore, #tpu.memory_space<semaphore_mem>>)
    %dma_start3A_13 = arith.constant 0 : i32
    %dma_start3A_14 = arith.constant 128 : i32
    %dma_start3A_15 = arith.constant 0 : i32
    %dma_start3A_16 = tpu.memref_slice %arg7[%dma_start3A_14, %dma_start3A_15] : memref<200x64xf32, #tpu.memory_space<vmem>> -> memref<72x64xf32, #tpu.memory_space<vmem>>
    %dma_start3A_17 = arith.constant 128 : i32
    %dma_start3A_18 = tpu.memref_slice %arg6[%dma_start3A_13, %dma_start3A_17] : memref<128x200xi32, #tpu.memory_space<vmem>> -> memref<1x72xi32, #tpu.memory_space<vmem>>
    %dma_start3A_19 = tpu.memref_squeeze %dma_start3A_18 : memref<1x72xi32, #tpu.memory_space<vmem>> -> memref<72xi32, #tpu.memory_space<vmem>>
    %dma_start3A_20 = arith.constant 0 : i32
    %dma_start3A_21 = arith.constant 0 : i32
    %dma_start3A_22 = tpu.memref_slice %arg3[%dma_start3A_20, %dma_start3A_21] : memref<1000000x64xf32, #tpu.memory_space<hbm>> -> memref<1000000x64xf32, #tpu.memory_space<hbm>>
    tpu.enqueue_indirect_dma source(%dma_start3A_22 : memref<1000000x64xf32, #tpu.memory_space<hbm>>) target(%dma_start3A_16 : memref<72x64xf32, #tpu.memory_space<vmem>>) offsets(%dma_start3A_19 : memref<72xi32, #tpu.memory_space<vmem>>) semaphore(%arg11 : memref<!tpu.dma_semaphore, #tpu.memory_space<semaphore_mem>>)
    %scan3A = arith.constant 0 : i32
    %scan3A_23 = arith.constant 0 : i32
    %scan3A_24 = arith.constant 63 : i32
    %scan3A_25 = arith.addi %scan3A_23, %scan3A_24 : i32
    %scan3A_26 = arith.constant 1 : i32
    %scan3A_27 = scf.for %scan3A_558 = %scan3A_23 to %scan3A_25 step %scan3A_26 iter_args(%scan3A_559 = %scan3A) -> (i32)  : i32 {
      %mul3A_560 = arith.constant 2 : i32
      %mul3A_561 = arith.muli %mul3A_560, %scan3A_558 : i32
      %add3A_562 = arith.constant 1 : i32
      %add3A_563 = arith.addi %mul3A_561, %add3A_562 : i32
      %dma_start3A_564 = arith.constant 0 : i32
      %dma_start3A_565 = arith.constant 0 : i32
      %dma_start3A_566 = tpu.memref_slice %arg8[%dma_start3A_564, %dma_start3A_565] : memref<200x64xf32, #tpu.memory_space<vmem>> -> memref<128x64xf32, #tpu.memory_space<vmem>>
      %dma_start3A_567 = arith.constant 0 : i32
      %dma_start3A_568 = tpu.memref_slice %arg6[%add3A_563, %dma_start3A_567] : memref<128x200xi32, #tpu.memory_space<vmem>> -> memref<1x128xi32, #tpu.memory_space<vmem>>
      %dma_start3A_569 = tpu.memref_squeeze %dma_start3A_568 : memref<1x128xi32, #tpu.memory_space<vmem>> -> memref<128xi32, #tpu.memory_space<vmem>>
      %dma_start3A_570 = arith.constant 0 : i32
      %dma_start3A_571 = arith.constant 0 : i32
      %dma_start3A_572 = tpu.memref_slice %arg3[%dma_start3A_570, %dma_start3A_571] : memref<1000000x64xf32, #tpu.memory_space<hbm>> -> memref<1000000x64xf32, #tpu.memory_space<hbm>>
      tpu.enqueue_indirect_dma source(%dma_start3A_572 : memref<1000000x64xf32, #tpu.memory_space<hbm>>) target(%dma_start3A_566 : memref<128x64xf32, #tpu.memory_space<vmem>>) offsets(%dma_start3A_569 : memref<128xi32, #tpu.memory_space<vmem>>) semaphore(%arg12 : memref<!tpu.dma_semaphore, #tpu.memory_space<semaphore_mem>>)
      %dma_start3A_573 = arith.constant 128 : i32
      %dma_start3A_574 = arith.constant 0 : i32
      %dma_start3A_575 = tpu.memref_slice %arg8[%dma_start3A_573, %dma_start3A_574] : memref<200x64xf32, #tpu.memory_space<vmem>> -> memref<72x64xf32, #tpu.memory_space<vmem>>
      %dma_start3A_576 = arith.constant 128 : i32
      %dma_start3A_577 = tpu.memref_slice %arg6[%add3A_563, %dma_start3A_576] : memref<128x200xi32, #tpu.memory_space<vmem>> -> memref<1x72xi32, #tpu.memory_space<vmem>>
      %dma_start3A_578 = tpu.memref_squeeze %dma_start3A_577 : memref<1x72xi32, #tpu.memory_space<vmem>> -> memref<72xi32, #tpu.memory_space<vmem>>
      %dma_start3A_579 = arith.constant 0 : i32
      %dma_start3A_580 = arith.constant 0 : i32
      %dma_start3A_581 = tpu.memref_slice %arg3[%dma_start3A_579, %dma_start3A_580] : memref<1000000x64xf32, #tpu.memory_space<hbm>> -> memref<1000000x64xf32, #tpu.memory_space<hbm>>
      tpu.enqueue_indirect_dma source(%dma_start3A_581 : memref<1000000x64xf32, #tpu.memory_space<hbm>>) target(%dma_start3A_575 : memref<72x64xf32, #tpu.memory_space<vmem>>) offsets(%dma_start3A_578 : memref<72xi32, #tpu.memory_space<vmem>>) semaphore(%arg12 : memref<!tpu.dma_semaphore, #tpu.memory_space<semaphore_mem>>)
      %dma_wait3A_582 = arith.constant 0 : i32
      %dma_wait3A_583 = arith.constant 0 : i32
      %dma_wait3A_584 = tpu.memref_slice %arg3[%dma_wait3A_582, %dma_wait3A_583] : memref<1000000x64xf32, #tpu.memory_space<hbm>> -> memref<200x64xf32, #tpu.memory_space<hbm>>
      %dma_wait3A_585 = arith.constant 0 : i32
      %dma_wait3A_586 = arith.constant 0 : i32
      %dma_wait3A_587 = tpu.memref_slice %arg3[%dma_wait3A_585, %dma_wait3A_586] : memref<1000000x64xf32, #tpu.memory_space<hbm>> -> memref<200x64xf32, #tpu.memory_space<hbm>>
      tpu.wait_dma2 semaphore(%arg11 : memref<!tpu.dma_semaphore, #tpu.memory_space<semaphore_mem>>) src(%dma_wait3A_587 : memref<200x64xf32, #tpu.memory_space<hbm>>) dst(%arg7 : memref<200x64xf32, #tpu.memory_space<vmem>>)
      %broadcast_in_dim3A_588 = arith.constant 0 : i32
      %broadcast_in_dim3A_589 = vector.broadcast %broadcast_in_dim3A_588 : i32 to vector<16xi32>
      %scan3A_590 = arith.constant 0 : i32
      %scan3A_591 = arith.constant 12 : i32
      %scan3A_592 = arith.addi %scan3A_590, %scan3A_591 : i32
      %scan3A_593 = arith.constant 1 : i32
      %scan3A_594:5 = scf.for %scan3A_1115 = %scan3A_590 to %scan3A_592 step %scan3A_593 iter_args(%scan3A_1116 = %broadcast_in_dim3A_3, %scan3A_1117 = %broadcast_in_dim3A_3, %scan3A_1118 = %broadcast_in_dim3A_3, %scan3A_1119 = %broadcast_in_dim3A_3, %scan3A_1120 = %broadcast_in_dim3A_589) -> (vector<16xf32>, vector<16xf32>, vector<16xf32>, vector<16xf32>, vector<16xi32>)  : i32 {
        %mul3A_1121 = arith.constant 16 : i32
        %mul3A_1122 = arith.muli %scan3A_1115, %mul3A_1121 : i32
        %add3A_1123 = arith.constant 0 : i32
        %add3A_1124 = arith.addi %mul3A_1122, %add3A_1123 : i32
        %get3A_1125 = arith.index_cast %add3A_1124 : i32 to index
        %get3A_1126 = arith.constant 0 : index
        %get3A_1127 = tpu.vector_load %arg7[%get3A_1125, %get3A_1126] {strides = array<i32>} : memref<200x64xf32, #tpu.memory_space<vmem>>, vector<16xf32>,
        %add3A_1128 = arith.addf %scan3A_1116, %get3A_1127 : vector<16xf32>
        %get3A_1129 = arith.index_cast %add3A_1124 : i32 to index
        %get3A_1130 = arith.constant 16 : index
        %get3A_1131 = tpu.vector_load %arg7[%get3A_1129, %get3A_1130] {strides = array<i32>} : memref<200x64xf32, #tpu.memory_space<vmem>>, vector<16xf32>,
        %add3A_1132 = arith.addf %scan3A_1117, %get3A_1131 : vector<16xf32>
        %get3A_1133 = arith.index_cast %add3A_1124 : i32 to index
        %get3A_1134 = arith.constant 32 : index
        %get3A_1135 = tpu.vector_load %arg7[%get3A_1133, %get3A_1134] {strides = array<i32>} : memref<200x64xf32, #tpu.memory_space<vmem>>, vector<16xf32>,
        %add3A_1136 = arith.addf %scan3A_1118, %get3A_1135 : vector<16xf32>
        %get3A_1137 = arith.index_cast %add3A_1124 : i32 to index
        %get3A_1138 = arith.constant 48 : index
        %get3A_1139 = tpu.vector_load %arg7[%get3A_1137, %get3A_1138] {strides = array<i32>} : memref<200x64xf32, #tpu.memory_space<vmem>>, vector<16xf32>,
        %add3A_1140 = arith.addf %scan3A_1119, %get3A_1139 : vector<16xf32>
        %mul3A_1141 = arith.constant 16 : i32
        %mul3A_1142 = arith.muli %scan3A_1115, %mul3A_1141 : i32
        %add3A_1143 = arith.constant 1 : i32
        %add3A_1144 = arith.addi %mul3A_1142, %add3A_1143 : i32
        %get3A_1145 = arith.index_cast %add3A_1144 : i32 to index
        %get3A_1146 = arith.constant 0 : index
        %get3A_1147 = tpu.vector_load %arg7[%get3A_1145, %get3A_1146] {strides = array<i32>} : memref<200x64xf32, #tpu.memory_space<vmem>>, vector<16xf32>,
        %add3A_1148 = arith.addf %add3A_1128, %get3A_1147 : vector<16xf32>
        %get3A_1149 = arith.index_cast %add3A_1144 : i32 to index
        %get3A_1150 = arith.constant 16 : index
        %get3A_1151 = tpu.vector_load %arg7[%get3A_1149, %get3A_1150] {strides = array<i32>} : memref<200x64xf32, #tpu.memory_space<vmem>>, vector<16xf32>,
        %add3A_1152 = arith.addf %add3A_1132, %get3A_1151 : vector<16xf32>
        %get3A_1153 = arith.index_cast %add3A_1144 : i32 to index
        %get3A_1154 = arith.constant 32 : index
        %get3A_1155 = tpu.vector_load %arg7[%get3A_1153, %get3A_1154] {strides = array<i32>} : memref<200x64xf32, #tpu.memory_space<vmem>>, vector<16xf32>,
        %add3A_1156 = arith.addf %add3A_1136, %get3A_1155 : vector<16xf32>
        %get3A_1157 = arith.index_cast %add3A_1144 : i32 to index
        %get3A_1158 = arith.constant 48 : index
        %get3A_1159 = tpu.vector_load %arg7[%get3A_1157, %get3A_1158] {strides = array<i32>} : memref<200x64xf32, #tpu.memory_space<vmem>>, vector<16xf32>,
        %add3A_1160 = arith.addf %add3A_1140, %get3A_1159 : vector<16xf32>
        %mul3A_1161 = arith.constant 16 : i32
        %mul3A_1162 = arith.muli %scan3A_1115, %mul3A_1161 : i32
        %add3A_1163 = arith.constant 2 : i32
        %add3A_1164 = arith.addi %mul3A_1162, %add3A_1163 : i32
        %get3A_1165 = arith.index_cast %add3A_1164 : i32 to index
        %get3A_1166 = arith.constant 0 : index
        %get3A_1167 = tpu.vector_load %arg7[%get3A_1165, %get3A_1166] {strides = array<i32>} : memref<200x64xf32, #tpu.memory_space<vmem>>, vector<16xf32>,
        %add3A_1168 = arith.addf %add3A_1148, %get3A_1167 : vector<16xf32>
        %get3A_1169 = arith.index_cast %add3A_1164 : i32 to index
        %get3A_1170 = arith.constant 16 : index
        %get3A_1171 = tpu.vector_load %arg7[%get3A_1169, %get3A_1170] {strides = array<i32>} : memref<200x64xf32, #tpu.memory_space<vmem>>, vector<16xf32>,
        %add3A_1172 = arith.addf %add3A_1152, %get3A_1171 : vector<16xf32>
        %get3A_1173 = arith.index_cast %add3A_1164 : i32 to index
        %get3A_1174 = arith.constant 32 : index
        %get3A_1175 = tpu.vector_load %arg7[%get3A_1173, %get3A_1174] {strides = array<i32>} : memref<200x64xf32, #tpu.memory_space<vmem>>, vector<16xf32>,
        %add3A_1176 = arith.addf %add3A_1156, %get3A_1175 : vector<16xf32>
        %get3A_1177 = arith.index_cast %add3A_1164 : i32 to index
        %get3A_1178 = arith.constant 48 : index
        %get3A_1179 = tpu.vector_load %arg7[%get3A_1177, %get3A_1178] {strides = array<i32>} : memref<200x64xf32, #tpu.memory_space<vmem>>, vector<16xf32>,
        %add3A_1180 = arith.addf %add3A_1160, %get3A_1179 : vector<16xf32>
        %mul3A_1181 = arith.constant 16 : i32
        %mul3A_1182 = arith.muli %scan3A_1115, %mul3A_1181 : i32
        %add3A_1183 = arith.constant 3 : i32
        %add3A_1184 = arith.addi %mul3A_1182, %add3A_1183 : i32
        %get3A_1185 = arith.index_cast %add3A_1184 : i32 to index
        %get3A_1186 = arith.constant 0 : index
        %get3A_1187 = tpu.vector_load %arg7[%get3A_1185, %get3A_1186] {strides = array<i32>} : memref<200x64xf32, #tpu.memory_space<vmem>>, vector<16xf32>,
        %add3A_1188 = arith.addf %add3A_1168, %get3A_1187 : vector<16xf32>
        %get3A_1189 = arith.index_cast %add3A_1184 : i32 to index
        %get3A_1190 = arith.constant 16 : index
        %get3A_1191 = tpu.vector_load %arg7[%get3A_1189, %get3A_1190] {strides = array<i32>} : memref<200x64xf32, #tpu.memory_space<vmem>>, vector<16xf32>,
        %add3A_1192 = arith.addf %add3A_1172, %get3A_1191 : vector<16xf32>
        %get3A_1193 = arith.index_cast %add3A_1184 : i32 to index
        %get3A_1194 = arith.constant 32 : index
        %get3A_1195 = tpu.vector_load %arg7[%get3A_1193, %get3A_1194] {strides = array<i32>} : memref<200x64xf32, #tpu.memory_space<vmem>>, vector<16xf32>,
        %add3A_1196 = arith.addf %add3A_1176, %get3A_1195 : vector<16xf32>
        %get3A_1197 = arith.index_cast %add3A_1184 : i32 to index
        %get3A_1198 = arith.constant 48 : index
        %get3A_1199 = tpu.vector_load %arg7[%get3A_1197, %get3A_1198] {strides = array<i32>} : memref<200x64xf32, #tpu.memory_space<vmem>>, vector<16xf32>,
        %add3A_1200 = arith.addf %add3A_1180, %get3A_1199 : vector<16xf32>
        %mul3A_1201 = arith.constant 16 : i32
        %mul3A_1202 = arith.muli %scan3A_1115, %mul3A_1201 : i32
        %add3A_1203 = arith.constant 4 : i32
        %add3A_1204 = arith.addi %mul3A_1202, %add3A_1203 : i32
        %get3A_1205 = arith.index_cast %add3A_1204 : i32 to index
        %get3A_1206 = arith.constant 0 : index
        %get3A_1207 = tpu.vector_load %arg7[%get3A_1205, %get3A_1206] {strides = array<i32>} : memref<200x64xf32, #tpu.memory_space<vmem>>, vector<16xf32>,
        %add3A_1208 = arith.addf %add3A_1188, %get3A_1207 : vector<16xf32>
        %get3A_1209 = arith.index_cast %add3A_1204 : i32 to index
        %get3A_1210 = arith.constant 16 : index
        %get3A_1211 = tpu.vector_load %arg7[%get3A_1209, %get3A_1210] {strides = array<i32>} : memref<200x64xf32, #tpu.memory_space<vmem>>, vector<16xf32>,
        %add3A_1212 = arith.addf %add3A_1192, %get3A_1211 : vector<16xf32>
        %get3A_1213 = arith.index_cast %add3A_1204 : i32 to index
        %get3A_1214 = arith.constant 32 : index
        %get3A_1215 = tpu.vector_load %arg7[%get3A_1213, %get3A_1214] {strides = array<i32>} : memref<200x64xf32, #tpu.memory_space<vmem>>, vector<16xf32>,
        %add3A_1216 = arith.addf %add3A_1196, %get3A_1215 : vector<16xf32>
        %get3A_1217 = arith.index_cast %add3A_1204 : i32 to index
        %get3A_1218 = arith.constant 48 : index
        %get3A_1219 = tpu.vector_load %arg7[%get3A_1217, %get3A_1218] {strides = array<i32>} : memref<200x64xf32, #tpu.memory_space<vmem>>, vector<16xf32>,
        %add3A_1220 = arith.addf %add3A_1200, %get3A_1219 : vector<16xf32>
        %mul3A_1221 = arith.constant 16 : i32
        %mul3A_1222 = arith.muli %scan3A_1115, %mul3A_1221 : i32
        %add3A_1223 = arith.constant 5 : i32
        %add3A_1224 = arith.addi %mul3A_1222, %add3A_1223 : i32
        %get3A_1225 = arith.index_cast %add3A_1224 : i32 to index
        %get3A_1226 = arith.constant 0 : index
        %get3A_1227 = tpu.vector_load %arg7[%get3A_1225, %get3A_1226] {strides = array<i32>} : memref<200x64xf32, #tpu.memory_space<vmem>>, vector<16xf32>,
        %add3A_1228 = arith.addf %add3A_1208, %get3A_1227 : vector<16xf32>
        %get3A_1229 = arith.index_cast %add3A_1224 : i32 to index
        %get3A_1230 = arith.constant 16 : index
        %get3A_1231 = tpu.vector_load %arg7[%get3A_1229, %get3A_1230] {strides = array<i32>} : memref<200x64xf32, #tpu.memory_space<vmem>>, vector<16xf32>,
        %add3A_1232 = arith.addf %add3A_1212, %get3A_1231 : vector<16xf32>
        %get3A_1233 = arith.index_cast %add3A_1224 : i32 to index
        %get3A_1234 = arith.constant 32 : index
        %get3A_1235 = tpu.vector_load %arg7[%get3A_1233, %get3A_1234] {strides = array<i32>} : memref<200x64xf32, #tpu.memory_space<vmem>>, vector<16xf32>,
        %add3A_1236 = arith.addf %add3A_1216, %get3A_1235 : vector<16xf32>
        %get3A_1237 = arith.index_cast %add3A_1224 : i32 to index
        %get3A_1238 = arith.constant 48 : index
        %get3A_1239 = tpu.vector_load %arg7[%get3A_1237, %get3A_1238] {strides = array<i32>} : memref<200x64xf32, #tpu.memory_space<vmem>>, vector<16xf32>,
        %add3A_1240 = arith.addf %add3A_1220, %get3A_1239 : vector<16xf32>
        %mul3A_1241 = arith.constant 16 : i32
        %mul3A_1242 = arith.muli %scan3A_1115, %mul3A_1241 : i32
        %add3A_1243 = arith.constant 6 : i32
        %add3A_1244 = arith.addi %mul3A_1242, %add3A_1243 : i32
        %get3A_1245 = arith.index_cast %add3A_1244 : i32 to index
        %get3A_1246 = arith.constant 0 : index
        %get3A_1247 = tpu.vector_load %arg7[%get3A_1245, %get3A_1246] {strides = array<i32>} : memref<200x64xf32, #tpu.memory_space<vmem>>, vector<16xf32>,
        %add3A_1248 = arith.addf %add3A_1228, %get3A_1247 : vector<16xf32>
        %get3A_1249 = arith.index_cast %add3A_1244 : i32 to index
        %get3A_1250 = arith.constant 16 : index
        %get3A_1251 = tpu.vector_load %arg7[%get3A_1249, %get3A_1250] {strides = array<i32>} : memref<200x64xf32, #tpu.memory_space<vmem>>, vector<16xf32>,
        %add3A_1252 = arith.addf %add3A_1232, %get3A_1251 : vector<16xf32>
        %get3A_1253 = arith.index_cast %add3A_1244 : i32 to index
        %get3A_1254 = arith.constant 32 : index
        %get3A_1255 = tpu.vector_load %arg7[%get3A_1253, %get3A_1254] {strides = array<i32>} : memref<200x64xf32, #tpu.memory_space<vmem>>, vector<16xf32>,
        %add3A_1256 = arith.addf %add3A_1236, %get3A_1255 : vector<16xf32>
        %get3A_1257 = arith.index_cast %add3A_1244 : i32 to index
        %get3A_1258 = arith.constant 48 : index
        %get3A_1259 = tpu.vector_load %arg7[%get3A_1257, %get3A_1258] {strides = array<i32>} : memref<200x64xf32, #tpu.memory_space<vmem>>, vector<16xf32>,
        %add3A_1260 = arith.addf %add3A_1240, %get3A_1259 : vector<16xf32>
        %mul3A_1261 = arith.constant 16 : i32
        %mul3A_1262 = arith.muli %scan3A_1115, %mul3A_1261 : i32
        %add3A_1263 = arith.constant 7 : i32
        %add3A_1264 = arith.addi %mul3A_1262, %add3A_1263 : i32
        %get3A_1265 = arith.index_cast %add3A_1264 : i32 to index
        %get3A_1266 = arith.constant 0 : index
        %get3A_1267 = tpu.vector_load %arg7[%get3A_1265, %get3A_1266] {strides = array<i32>} : memref<200x64xf32, #tpu.memory_space<vmem>>, vector<16xf32>,
        %add3A_1268 = arith.addf %add3A_1248, %get3A_1267 : vector<16xf32>
        %get3A_1269 = arith.index_cast %add3A_1264 : i32 to index
        %get3A_1270 = arith.constant 16 : index
        %get3A_1271 = tpu.vector_load %arg7[%get3A_1269, %get3A_1270] {strides = array<i32>} : memref<200x64xf32, #tpu.memory_space<vmem>>, vector<16xf32>,
        %add3A_1272 = arith.addf %add3A_1252, %get3A_1271 : vector<16xf32>
        %get3A_1273 = arith.index_cast %add3A_1264 : i32 to index
        %get3A_1274 = arith.constant 32 : index
        %get3A_1275 = tpu.vector_load %arg7[%get3A_1273, %get3A_1274] {strides = array<i32>} : memref<200x64xf32, #tpu.memory_space<vmem>>, vector<16xf32>,
        %add3A_1276 = arith.addf %add3A_1256, %get3A_1275 : vector<16xf32>
        %get3A_1277 = arith.index_cast %add3A_1264 : i32 to index
        %get3A_1278 = arith.constant 48 : index
        %get3A_1279 = tpu.vector_load %arg7[%get3A_1277, %get3A_1278] {strides = array<i32>} : memref<200x64xf32, #tpu.memory_space<vmem>>, vector<16xf32>,
        %add3A_1280 = arith.addf %add3A_1260, %get3A_1279 : vector<16xf32>
        %mul3A_1281 = arith.constant 16 : i32
        %mul3A_1282 = arith.muli %scan3A_1115, %mul3A_1281 : i32
        %add3A_1283 = arith.constant 8 : i32
        %add3A_1284 = arith.addi %mul3A_1282, %add3A_1283 : i32
        %get3A_1285 = arith.index_cast %add3A_1284 : i32 to index
        %get3A_1286 = arith.constant 0 : index
        %get3A_1287 = tpu.vector_load %arg7[%get3A_1285, %get3A_1286] {strides = array<i32>} : memref<200x64xf32, #tpu.memory_space<vmem>>, vector<16xf32>,
        %add3A_1288 = arith.addf %add3A_1268, %get3A_1287 : vector<16xf32>
        %get3A_1289 = arith.index_cast %add3A_1284 : i32 to index
        %get3A_1290 = arith.constant 16 : index
        %get3A_1291 = tpu.vector_load %arg7[%get3A_1289, %get3A_1290] {strides = array<i32>} : memref<200x64xf32, #tpu.memory_space<vmem>>, vector<16xf32>,
        %add3A_1292 = arith.addf %add3A_1272, %get3A_1291 : vector<16xf32>
        %get3A_1293 = arith.index_cast %add3A_1284 : i32 to index
        %get3A_1294 = arith.constant 32 : index
        %get3A_1295 = tpu.vector_load %arg7[%get3A_1293, %get3A_1294] {strides = array<i32>} : memref<200x64xf32, #tpu.memory_space<vmem>>, vector<16xf32>,
        %add3A_1296 = arith.addf %add3A_1276, %get3A_1295 : vector<16xf32>
        %get3A_1297 = arith.index_cast %add3A_1284 : i32 to index
        %get3A_1298 = arith.constant 48 : index
        %get3A_1299 = tpu.vector_load %arg7[%get3A_1297, %get3A_1298] {strides = array<i32>} : memref<200x64xf32, #tpu.memory_space<vmem>>, vector<16xf32>,
        %add3A_1300 = arith.addf %add3A_1280, %get3A_1299 : vector<16xf32>
        %mul3A_1301 = arith.constant 16 : i32
        %mul3A_1302 = arith.muli %scan3A_1115, %mul3A_1301 : i32
        %add3A_1303 = arith.constant 9 : i32
        %add3A_1304 = arith.addi %mul3A_1302, %add3A_1303 : i32
        %get3A_1305 = arith.index_cast %add3A_1304 : i32 to index
        %get3A_1306 = arith.constant 0 : index
        %get3A_1307 = tpu.vector_load %arg7[%get3A_1305, %get3A_1306] {strides = array<i32>} : memref<200x64xf32, #tpu.memory_space<vmem>>, vector<16xf32>,
        %add3A_1308 = arith.addf %add3A_1288, %get3A_1307 : vector<16xf32>
        %get3A_1309 = arith.index_cast %add3A_1304 : i32 to index
        %get3A_1310 = arith.constant 16 : index
        %get3A_1311 = tpu.vector_load %arg7[%get3A_1309, %get3A_1310] {strides = array<i32>} : memref<200x64xf32, #tpu.memory_space<vmem>>, vector<16xf32>,
        %add3A_1312 = arith.addf %add3A_1292, %get3A_1311 : vector<16xf32>
        %get3A_1313 = arith.index_cast %add3A_1304 : i32 to index
        %get3A_1314 = arith.constant 32 : index
        %get3A_1315 = tpu.vector_load %arg7[%get3A_1313, %get3A_1314] {strides = array<i32>} : memref<200x64xf32, #tpu.memory_space<vmem>>, vector<16xf32>,
        %add3A_1316 = arith.addf %add3A_1296, %get3A_1315 : vector<16xf32>
        %get3A_1317 = arith.index_cast %add3A_1304 : i32 to index
        %get3A_1318 = arith.constant 48 : index
        %get3A_1319 = tpu.vector_load %arg7[%get3A_1317, %get3A_1318] {strides = array<i32>} : memref<200x64xf32, #tpu.memory_space<vmem>>, vector<16xf32>,
        %add3A_1320 = arith.addf %add3A_1300, %get3A_1319 : vector<16xf32>
        %mul3A_1321 = arith.constant 16 : i32
        %mul3A_1322 = arith.muli %scan3A_1115, %mul3A_1321 : i32
        %add3A_1323 = arith.constant 10 : i32
        %add3A_1324 = arith.addi %mul3A_1322, %add3A_1323 : i32
        %get3A_1325 = arith.index_cast %add3A_1324 : i32 to index
        %get3A_1326 = arith.constant 0 : index
        %get3A_1327 = tpu.vector_load %arg7[%get3A_1325, %get3A_1326] {strides = array<i32>} : memref<200x64xf32, #tpu.memory_space<vmem>>, vector<16xf32>,
        %add3A_1328 = arith.addf %add3A_1308, %get3A_1327 : vector<16xf32>
        %get3A_1329 = arith.index_cast %add3A_1324 : i32 to index
        %get3A_1330 = arith.constant 16 : index
        %get3A_1331 = tpu.vector_load %arg7[%get3A_1329, %get3A_1330] {strides = array<i32>} : memref<200x64xf32, #tpu.memory_space<vmem>>, vector<16xf32>,
        %add3A_1332 = arith.addf %add3A_1312, %get3A_1331 : vector<16xf32>
        %get3A_1333 = arith.index_cast %add3A_1324 : i32 to index
        %get3A_1334 = arith.constant 32 : index
        %get3A_1335 = tpu.vector_load %arg7[%get3A_1333, %get3A_1334] {strides = array<i32>} : memref<200x64xf32, #tpu.memory_space<vmem>>, vector<16xf32>,
        %add3A_1336 = arith.addf %add3A_1316, %get3A_1335 : vector<16xf32>
        %get3A_1337 = arith.index_cast %add3A_1324 : i32 to index
        %get3A_1338 = arith.constant 48 : index
        %get3A_1339 = tpu.vector_load %arg7[%get3A_1337, %get3A_1338] {strides = array<i32>} : memref<200x64xf32, #tpu.memory_space<vmem>>, vector<16xf32>,
        %add3A_1340 = arith.addf %add3A_1320, %get3A_1339 : vector<16xf32>
        %mul3A_1341 = arith.constant 16 : i32
        %mul3A_1342 = arith.muli %scan3A_1115, %mul3A_1341 : i32
        %add3A_1343 = arith.constant 11 : i32
        %add3A_1344 = arith.addi %mul3A_1342, %add3A_1343 : i32
        %get3A_1345 = arith.index_cast %add3A_1344 : i32 to index
        %get3A_1346 = arith.constant 0 : index
        %get3A_1347 = tpu.vector_load %arg7[%get3A_1345, %get3A_1346] {strides = array<i32>} : memref<200x64xf32, #tpu.memory_space<vmem>>, vector<16xf32>,
        %add3A_1348 = arith.addf %add3A_1328, %get3A_1347 : vector<16xf32>
        %get3A_1349 = arith.index_cast %add3A_1344 : i32 to index
        %get3A_1350 = arith.constant 16 : index
        %get3A_1351 = tpu.vector_load %arg7[%get3A_1349, %get3A_1350] {strides = array<i32>} : memref<200x64xf32, #tpu.memory_space<vmem>>, vector<16xf32>,
        %add3A_1352 = arith.addf %add3A_1332, %get3A_1351 : vector<16xf32>
        %get3A_1353 = arith.index_cast %add3A_1344 : i32 to index
        %get3A_1354 = arith.constant 32 : index
        %get3A_1355 = tpu.vector_load %arg7[%get3A_1353, %get3A_1354] {strides = array<i32>} : memref<200x64xf32, #tpu.memory_space<vmem>>, vector<16xf32>,
        %add3A_1356 = arith.addf %add3A_1336, %get3A_1355 : vector<16xf32>
        %get3A_1357 = arith.index_cast %add3A_1344 : i32 to index
        %get3A_1358 = arith.constant 48 : index
        %get3A_1359 = tpu.vector_load %arg7[%get3A_1357, %get3A_1358] {strides = array<i32>} : memref<200x64xf32, #tpu.memory_space<vmem>>, vector<16xf32>,
        %add3A_1360 = arith.addf %add3A_1340, %get3A_1359 : vector<16xf32>
        %mul3A_1361 = arith.constant 16 : i32
        %mul3A_1362 = arith.muli %scan3A_1115, %mul3A_1361 : i32
        %add3A_1363 = arith.constant 12 : i32
        %add3A_1364 = arith.addi %mul3A_1362, %add3A_1363 : i32
        %get3A_1365 = arith.index_cast %add3A_1364 : i32 to index
        %get3A_1366 = arith.constant 0 : index
        %get3A_1367 = tpu.vector_load %arg7[%get3A_1365, %get3A_1366] {strides = array<i32>} : memref<200x64xf32, #tpu.memory_space<vmem>>, vector<16xf32>,
        %add3A_1368 = arith.addf %add3A_1348, %get3A_1367 : vector<16xf32>
        %get3A_1369 = arith.index_cast %add3A_1364 : i32 to index
        %get3A_1370 = arith.constant 16 : index
        %get3A_1371 = tpu.vector_load %arg7[%get3A_1369, %get3A_1370] {strides = array<i32>} : memref<200x64xf32, #tpu.memory_space<vmem>>, vector<16xf32>,
        %add3A_1372 = arith.addf %add3A_1352, %get3A_1371 : vector<16xf32>
        %get3A_1373 = arith.index_cast %add3A_1364 : i32 to index
        %get3A_1374 = arith.constant 32 : index
        %get3A_1375 = tpu.vector_load %arg7[%get3A_1373, %get3A_1374] {strides = array<i32>} : memref<200x64xf32, #tpu.memory_space<vmem>>, vector<16xf32>,
        %add3A_1376 = arith.addf %add3A_1356, %get3A_1375 : vector<16xf32>
        %get3A_1377 = arith.index_cast %add3A_1364 : i32 to index
        %get3A_1378 = arith.constant 48 : index
        %get3A_1379 = tpu.vector_load %arg7[%get3A_1377, %get3A_1378] {strides = array<i32>} : memref<200x64xf32, #tpu.memory_space<vmem>>, vector<16xf32>,
        %add3A_1380 = arith.addf %add3A_1360, %get3A_1379 : vector<16xf32>
        %mul3A_1381 = arith.constant 16 : i32
        %mul3A_1382 = arith.muli %scan3A_1115, %mul3A_1381 : i32
        %add3A_1383 = arith.constant 13 : i32
        %add3A_1384 = arith.addi %mul3A_1382, %add3A_1383 : i32
        %get3A_1385 = arith.index_cast %add3A_1384 : i32 to index
        %get3A_1386 = arith.constant 0 : index
        %get3A_1387 = tpu.vector_load %arg7[%get3A_1385, %get3A_1386] {strides = array<i32>} : memref<200x64xf32, #tpu.memory_space<vmem>>, vector<16xf32>,
        %add3A_1388 = arith.addf %add3A_1368, %get3A_1387 : vector<16xf32>
        %get3A_1389 = arith.index_cast %add3A_1384 : i32 to index
        %get3A_1390 = arith.constant 16 : index
        %get3A_1391 = tpu.vector_load %arg7[%get3A_1389, %get3A_1390] {strides = array<i32>} : memref<200x64xf32, #tpu.memory_space<vmem>>, vector<16xf32>,
        %add3A_1392 = arith.addf %add3A_1372, %get3A_1391 : vector<16xf32>
        %get3A_1393 = arith.index_cast %add3A_1384 : i32 to index
        %get3A_1394 = arith.constant 32 : index
        %get3A_1395 = tpu.vector_load %arg7[%get3A_1393, %get3A_1394] {strides = array<i32>} : memref<200x64xf32, #tpu.memory_space<vmem>>, vector<16xf32>,
        %add3A_1396 = arith.addf %add3A_1376, %get3A_1395 : vector<16xf32>
        %get3A_1397 = arith.index_cast %add3A_1384 : i32 to index
        %get3A_1398 = arith.constant 48 : index
        %get3A_1399 = tpu.vector_load %arg7[%get3A_1397, %get3A_1398] {strides = array<i32>} : memref<200x64xf32, #tpu.memory_space<vmem>>, vector<16xf32>,
        %add3A_1400 = arith.addf %add3A_1380, %get3A_1399 : vector<16xf32>
        %mul3A_1401 = arith.constant 16 : i32
        %mul3A_1402 = arith.muli %scan3A_1115, %mul3A_1401 : i32
        %add3A_1403 = arith.constant 14 : i32
        %add3A_1404 = arith.addi %mul3A_1402, %add3A_1403 : i32
        %get3A_1405 = arith.index_cast %add3A_1404 : i32 to index
        %get3A_1406 = arith.constant 0 : index
        %get3A_1407 = tpu.vector_load %arg7[%get3A_1405, %get3A_1406] {strides = array<i32>} : memref<200x64xf32, #tpu.memory_space<vmem>>, vector<16xf32>,
        %add3A_1408 = arith.addf %add3A_1388, %get3A_1407 : vector<16xf32>
        %get3A_1409 = arith.index_cast %add3A_1404 : i32 to index
        %get3A_1410 = arith.constant 16 : index
        %get3A_1411 = tpu.vector_load %arg7[%get3A_1409, %get3A_1410] {strides = array<i32>} : memref<200x64xf32, #tpu.memory_space<vmem>>, vector<16xf32>,
        %add3A_1412 = arith.addf %add3A_1392, %get3A_1411 : vector<16xf32>
        %get3A_1413 = arith.index_cast %add3A_1404 : i32 to index
        %get3A_1414 = arith.constant 32 : index
        %get3A_1415 = tpu.vector_load %arg7[%get3A_1413, %get3A_1414] {strides = array<i32>} : memref<200x64xf32, #tpu.memory_space<vmem>>, vector<16xf32>,
        %add3A_1416 = arith.addf %add3A_1396, %get3A_1415 : vector<16xf32>
        %get3A_1417 = arith.index_cast %add3A_1404 : i32 to index
        %get3A_1418 = arith.constant 48 : index
        %get3A_1419 = tpu.vector_load %arg7[%get3A_1417, %get3A_1418] {strides = array<i32>} : memref<200x64xf32, #tpu.memory_space<vmem>>, vector<16xf32>,
        %add3A_1420 = arith.addf %add3A_1400, %get3A_1419 : vector<16xf32>
        %mul3A_1421 = arith.constant 16 : i32
        %mul3A_1422 = arith.muli %scan3A_1115, %mul3A_1421 : i32
        %add3A_1423 = arith.constant 15 : i32
        %add3A_1424 = arith.addi %mul3A_1422, %add3A_1423 : i32
        %get3A_1425 = arith.index_cast %add3A_1424 : i32 to index
        %get3A_1426 = arith.constant 0 : index
        %get3A_1427 = tpu.vector_load %arg7[%get3A_1425, %get3A_1426] {strides = array<i32>} : memref<200x64xf32, #tpu.memory_space<vmem>>, vector<16xf32>,
        %add3A_1428 = arith.addf %add3A_1408, %get3A_1427 : vector<16xf32>
        %get3A_1429 = arith.index_cast %add3A_1424 : i32 to index
        %get3A_1430 = arith.constant 16 : index
        %get3A_1431 = tpu.vector_load %arg7[%get3A_1429, %get3A_1430] {strides = array<i32>} : memref<200x64xf32, #tpu.memory_space<vmem>>, vector<16xf32>,
        %add3A_1432 = arith.addf %add3A_1412, %get3A_1431 : vector<16xf32>
        %get3A_1433 = arith.index_cast %add3A_1424 : i32 to index
        %get3A_1434 = arith.constant 32 : index
        %get3A_1435 = tpu.vector_load %arg7[%get3A_1433, %get3A_1434] {strides = array<i32>} : memref<200x64xf32, #tpu.memory_space<vmem>>, vector<16xf32>,
        %add3A_1436 = arith.addf %add3A_1416, %get3A_1435 : vector<16xf32>
        %get3A_1437 = arith.index_cast %add3A_1424 : i32 to index
        %get3A_1438 = arith.constant 48 : index
        %get3A_1439 = tpu.vector_load %arg7[%get3A_1437, %get3A_1438] {strides = array<i32>} : memref<200x64xf32, #tpu.memory_space<vmem>>, vector<16xf32>,
        %add3A_1440 = arith.addf %add3A_1420, %get3A_1439 : vector<16xf32>
        %mul3A_1441 = arith.constant 16 : i32
        %mul3A_1442 = arith.muli %scan3A_1115, %mul3A_1441 : i32
        %get3A_1443 = arith.index_cast %mul3A_561 : i32 to index
        %get3A_1444 = arith.index_cast %mul3A_1442 : i32 to index
        %get3A_1445 = tpu.vector_load %arg6[%get3A_1443, %get3A_1444] {strides = array<i32>} : memref<128x200xi32, #tpu.memory_space<vmem>>, vector<16xi32>,
        %ne3A_1446 = arith.constant 0 : i32
        %ne3A_1447 = vector.broadcast %ne3A_1446 : i32 to vector<16xi32>
        %ne3A_1448 = arith.cmpi ne, %get3A_1445, %ne3A_1447 : vector<16xi32>
        %jit3A_1449 = arith.constant 1 : i32
        %jit3A_1450 = arith.constant 0 : i32
        %broadcast_in_dim3A_1451 = vector.broadcast %jit3A_1449 : i32 to vector<16xi32>
        %broadcast_in_dim3A_1452 = vector.broadcast %jit3A_1450 : i32 to vector<16xi32>
        %select_n3A_1453 = arith.select %ne3A_1448, %broadcast_in_dim3A_1451, %broadcast_in_dim3A_1452 : vector<16xi1>, vector<16xi32>
        %add3A_1454 = arith.addi %scan3A_1120, %select_n3A_1453 : vector<16xi32>
        scf.yield %add3A_1428, %add3A_1432, %add3A_1436, %add3A_1440, %add3A_1454 : vector<16xf32>, vector<16xf32>, vector<16xf32>, vector<16xf32>, vector<16xi32>
      }
      %scan3A_595 = arith.constant 12 : i32
      %get3A_596 = arith.constant 192 : i32
      %get3A_597 = arith.index_cast %get3A_596 : i32 to index
      %get3A_598 = arith.constant 0 : index
      %get3A_599 = tpu.vector_load %arg7[%get3A_597, %get3A_598] {strides = array<i32>} : memref<200x64xf32, #tpu.memory_space<vmem>>, vector<16xf32>,
      %add3A_600 = arith.addf %scan3A_594#0, %get3A_599 : vector<16xf32>
      %get3A_601 = arith.constant 192 : i32
      %get3A_602 = arith.index_cast %get3A_601 : i32 to index
      %get3A_603 = arith.constant 16 : index
      %get3A_604 = tpu.vector_load %arg7[%get3A_602, %get3A_603] {strides = array<i32>} : memref<200x64xf32, #tpu.memory_space<vmem>>, vector<16xf32>,
      %add3A_605 = arith.addf %scan3A_594#1, %get3A_604 : vector<16xf32>
      %get3A_606 = arith.constant 192 : i32
      %get3A_607 = arith.index_cast %get3A_606 : i32 to index
      %get3A_608 = arith.constant 32 : index
      %get3A_609 = tpu.vector_load %arg7[%get3A_607, %get3A_608] {strides = array<i32>} : memref<200x64xf32, #tpu.memory_space<vmem>>, vector<16xf32>,
      %add3A_610 = arith.addf %scan3A_594#2, %get3A_609 : vector<16xf32>
      %get3A_611 = arith.constant 192 : i32
      %get3A_612 = arith.index_cast %get3A_611 : i32 to index
      %get3A_613 = arith.constant 48 : index
      %get3A_614 = tpu.vector_load %arg7[%get3A_612, %get3A_613] {strides = array<i32>} : memref<200x64xf32, #tpu.memory_space<vmem>>, vector<16xf32>,
      %add3A_615 = arith.addf %scan3A_594#3, %get3A_614 : vector<16xf32>
      %get3A_616 = arith.constant 193 : i32
      %get3A_617 = arith.index_cast %get3A_616 : i32 to index
      %get3A_618 = arith.constant 0 : index
      %get3A_619 = tpu.vector_load %arg7[%get3A_617, %get3A_618] {strides = array<i32>} : memref<200x64xf32, #tpu.memory_space<vmem>>, vector<16xf32>,
      %add3A_620 = arith.addf %add3A_600, %get3A_619 : vector<16xf32>
      %get3A_621 = arith.constant 193 : i32
      %get3A_622 = arith.index_cast %get3A_621 : i32 to index
      %get3A_623 = arith.constant 16 : index
      %get3A_624 = tpu.vector_load %arg7[%get3A_622, %get3A_623] {strides = array<i32>} : memref<200x64xf32, #tpu.memory_space<vmem>>, vector<16xf32>,
      %add3A_625 = arith.addf %add3A_605, %get3A_624 : vector<16xf32>
      %get3A_626 = arith.constant 193 : i32
      %get3A_627 = arith.index_cast %get3A_626 : i32 to index
      %get3A_628 = arith.constant 32 : index
      %get3A_629 = tpu.vector_load %arg7[%get3A_627, %get3A_628] {strides = array<i32>} : memref<200x64xf32, #tpu.memory_space<vmem>>, vector<16xf32>,
      %add3A_630 = arith.addf %add3A_610, %get3A_629 : vector<16xf32>
      %get3A_631 = arith.constant 193 : i32
      %get3A_632 = arith.index_cast %get3A_631 : i32 to index
      %get3A_633 = arith.constant 48 : index
      %get3A_634 = tpu.vector_load %arg7[%get3A_632, %get3A_633] {strides = array<i32>} : memref<200x64xf32, #tpu.memory_space<vmem>>, vector<16xf32>,
      %add3A_635 = arith.addf %add3A_615, %get3A_634 : vector<16xf32>
      %get3A_636 = arith.constant 194 : i32
      %get3A_637 = arith.index_cast %get3A_636 : i32 to index
      %get3A_638 = arith.constant 0 : index
      %get3A_639 = tpu.vector_load %arg7[%get3A_637, %get3A_638] {strides = array<i32>} : memref<200x64xf32, #tpu.memory_space<vmem>>, vector<16xf32>,
      %add3A_640 = arith.addf %add3A_620, %get3A_639 : vector<16xf32>
      %get3A_641 = arith.constant 194 : i32
      %get3A_642 = arith.index_cast %get3A_641 : i32 to index
      %get3A_643 = arith.constant 16 : index
      %get3A_644 = tpu.vector_load %arg7[%get3A_642, %get3A_643] {strides = array<i32>} : memref<200x64xf32, #tpu.memory_space<vmem>>, vector<16xf32>,
      %add3A_645 = arith.addf %add3A_625, %get3A_644 : vector<16xf32>
      %get3A_646 = arith.constant 194 : i32
      %get3A_647 = arith.index_cast %get3A_646 : i32 to index
      %get3A_648 = arith.constant 32 : index
      %get3A_649 = tpu.vector_load %arg7[%get3A_647, %get3A_648] {strides = array<i32>} : memref<200x64xf32, #tpu.memory_space<vmem>>, vector<16xf32>,
      %add3A_650 = arith.addf %add3A_630, %get3A_649 : vector<16xf32>
      %get3A_651 = arith.constant 194 : i32
      %get3A_652 = arith.index_cast %get3A_651 : i32 to index
      %get3A_653 = arith.constant 48 : index
      %get3A_654 = tpu.vector_load %arg7[%get3A_652, %get3A_653] {strides = array<i32>} : memref<200x64xf32, #tpu.memory_space<vmem>>, vector<16xf32>,
      %add3A_655 = arith.addf %add3A_635, %get3A_654 : vector<16xf32>
      %get3A_656 = arith.constant 195 : i32
      %get3A_657 = arith.index_cast %get3A_656 : i32 to index
      %get3A_658 = arith.constant 0 : index
      %get3A_659 = tpu.vector_load %arg7[%get3A_657, %get3A_658] {strides = array<i32>} : memref<200x64xf32, #tpu.memory_space<vmem>>, vector<16xf32>,
      %add3A_660 = arith.addf %add3A_640, %get3A_659 : vector<16xf32>
      %get3A_661 = arith.constant 195 : i32
      %get3A_662 = arith.index_cast %get3A_661 : i32 to index
      %get3A_663 = arith.constant 16 : index
      %get3A_664 = tpu.vector_load %arg7[%get3A_662, %get3A_663] {strides = array<i32>} : memref<200x64xf32, #tpu.memory_space<vmem>>, vector<16xf32>,
      %add3A_665 = arith.addf %add3A_645, %get3A_664 : vector<16xf32>
      %get3A_666 = arith.constant 195 : i32
      %get3A_667 = arith.index_cast %get3A_666 : i32 to index
      %get3A_668 = arith.constant 32 : index
      %get3A_669 = tpu.vector_load %arg7[%get3A_667, %get3A_668] {strides = array<i32>} : memref<200x64xf32, #tpu.memory_space<vmem>>, vector<16xf32>,
      %add3A_670 = arith.addf %add3A_650, %get3A_669 : vector<16xf32>
      %get3A_671 = arith.constant 195 : i32
      %get3A_672 = arith.index_cast %get3A_671 : i32 to index
      %get3A_673 = arith.constant 48 : index
      %get3A_674 = tpu.vector_load %arg7[%get3A_672, %get3A_673] {strides = array<i32>} : memref<200x64xf32, #tpu.memory_space<vmem>>, vector<16xf32>,
      %add3A_675 = arith.addf %add3A_655, %get3A_674 : vector<16xf32>
      %get3A_676 = arith.constant 196 : i32
      %get3A_677 = arith.index_cast %get3A_676 : i32 to index
      %get3A_678 = arith.constant 0 : index
      %get3A_679 = tpu.vector_load %arg7[%get3A_677, %get3A_678] {strides = array<i32>} : memref<200x64xf32, #tpu.memory_space<vmem>>, vector<16xf32>,
      %add3A_680 = arith.addf %add3A_660, %get3A_679 : vector<16xf32>
      %get3A_681 = arith.constant 196 : i32
      %get3A_682 = arith.index_cast %get3A_681 : i32 to index
      %get3A_683 = arith.constant 16 : index
      %get3A_684 = tpu.vector_load %arg7[%get3A_682, %get3A_683] {strides = array<i32>} : memref<200x64xf32, #tpu.memory_space<vmem>>, vector<16xf32>,
      %add3A_685 = arith.addf %add3A_665, %get3A_684 : vector<16xf32>
      %get3A_686 = arith.constant 196 : i32
      %get3A_687 = arith.index_cast %get3A_686 : i32 to index
      %get3A_688 = arith.constant 32 : index
      %get3A_689 = tpu.vector_load %arg7[%get3A_687, %get3A_688] {strides = array<i32>} : memref<200x64xf32, #tpu.memory_space<vmem>>, vector<16xf32>,
      %add3A_690 = arith.addf %add3A_670, %get3A_689 : vector<16xf32>
      %get3A_691 = arith.constant 196 : i32
      %get3A_692 = arith.index_cast %get3A_691 : i32 to index
      %get3A_693 = arith.constant 48 : index
      %get3A_694 = tpu.vector_load %arg7[%get3A_692, %get3A_693] {strides = array<i32>} : memref<200x64xf32, #tpu.memory_space<vmem>>, vector<16xf32>,
      %add3A_695 = arith.addf %add3A_675, %get3A_694 : vector<16xf32>
      %get3A_696 = arith.constant 197 : i32
      %get3A_697 = arith.index_cast %get3A_696 : i32 to index
      %get3A_698 = arith.constant 0 : index
      %get3A_699 = tpu.vector_load %arg7[%get3A_697, %get3A_698] {strides = array<i32>} : memref<200x64xf32, #tpu.memory_space<vmem>>, vector<16xf32>,
      %add3A_700 = arith.addf %add3A_680, %get3A_699 : vector<16xf32>
      %get3A_701 = arith.constant 197 : i32
      %get3A_702 = arith.index_cast %get3A_701 : i32 to index
      %get3A_703 = arith.constant 16 : index
      %get3A_704 = tpu.vector_load %arg7[%get3A_702, %get3A_703] {strides = array<i32>} : memref<200x64xf32, #tpu.memory_space<vmem>>, vector<16xf32>,
      %add3A_705 = arith.addf %add3A_685, %get3A_704 : vector<16xf32>
      %get3A_706 = arith.constant 197 : i32
      %get3A_707 = arith.index_cast %get3A_706 : i32 to index
      %get3A_708 = arith.constant 32 : index
      %get3A_709 = tpu.vector_load %arg7[%get3A_707, %get3A_708] {strides = array<i32>} : memref<200x64xf32, #tpu.memory_space<vmem>>, vector<16xf32>,
      %add3A_710 = arith.addf %add3A_690, %get3A_709 : vector<16xf32>
      %get3A_711 = arith.constant 197 : i32
      %get3A_712 = arith.index_cast %get3A_711 : i32 to index
      %get3A_713 = arith.constant 48 : index
      %get3A_714 = tpu.vector_load %arg7[%get3A_712, %get3A_713] {strides = array<i32>} : memref<200x64xf32, #tpu.memory_space<vmem>>, vector<16xf32>,
      %add3A_715 = arith.addf %add3A_695, %get3A_714 : vector<16xf32>
      %get3A_716 = arith.constant 198 : i32
      %get3A_717 = arith.index_cast %get3A_716 : i32 to index
      %get3A_718 = arith.constant 0 : index
      %get3A_719 = tpu.vector_load %arg7[%get3A_717, %get3A_718] {strides = array<i32>} : memref<200x64xf32, #tpu.memory_space<vmem>>, vector<16xf32>,
      %add3A_720 = arith.addf %add3A_700, %get3A_719 : vector<16xf32>
      %get3A_721 = arith.constant 198 : i32
      %get3A_722 = arith.index_cast %get3A_721 : i32 to index
      %get3A_723 = arith.constant 16 : index
      %get3A_724 = tpu.vector_load %arg7[%get3A_722, %get3A_723] {strides = array<i32>} : memref<200x64xf32, #tpu.memory_space<vmem>>, vector<16xf32>,
      %add3A_725 = arith.addf %add3A_705, %get3A_724 : vector<16xf32>
      %get3A_726 = arith.constant 198 : i32
      %get3A_727 = arith.index_cast %get3A_726 : i32 to index
      %get3A_728 = arith.constant 32 : index
      %get3A_729 = tpu.vector_load %arg7[%get3A_727, %get3A_728] {strides = array<i32>} : memref<200x64xf32, #tpu.memory_space<vmem>>, vector<16xf32>,
      %add3A_730 = arith.addf %add3A_710, %get3A_729 : vector<16xf32>
      %get3A_731 = arith.constant 198 : i32
      %get3A_732 = arith.index_cast %get3A_731 : i32 to index
      %get3A_733 = arith.constant 48 : index
      %get3A_734 = tpu.vector_load %arg7[%get3A_732, %get3A_733] {strides = array<i32>} : memref<200x64xf32, #tpu.memory_space<vmem>>, vector<16xf32>,
      %add3A_735 = arith.addf %add3A_715, %get3A_734 : vector<16xf32>
      %get3A_736 = arith.constant 199 : i32
      %get3A_737 = arith.index_cast %get3A_736 : i32 to index
      %get3A_738 = arith.constant 0 : index
      %get3A_739 = tpu.vector_load %arg7[%get3A_737, %get3A_738] {strides = array<i32>} : memref<200x64xf32, #tpu.memory_space<vmem>>, vector<16xf32>,
      %add3A_740 = arith.addf %add3A_720, %get3A_739 : vector<16xf32>
      %get3A_741 = arith.constant 199 : i32
      %get3A_742 = arith.index_cast %get3A_741 : i32 to index
      %get3A_743 = arith.constant 16 : index
      %get3A_744 = tpu.vector_load %arg7[%get3A_742, %get3A_743] {strides = array<i32>} : memref<200x64xf32, #tpu.memory_space<vmem>>, vector<16xf32>,
      %add3A_745 = arith.addf %add3A_725, %get3A_744 : vector<16xf32>
      %get3A_746 = arith.constant 199 : i32
      %get3A_747 = arith.index_cast %get3A_746 : i32 to index
      %get3A_748 = arith.constant 32 : index
      %get3A_749 = tpu.vector_load %arg7[%get3A_747, %get3A_748] {strides = array<i32>} : memref<200x64xf32, #tpu.memory_space<vmem>>, vector<16xf32>,
      %add3A_750 = arith.addf %add3A_730, %get3A_749 : vector<16xf32>
      %get3A_751 = arith.constant 199 : i32
      %get3A_752 = arith.index_cast %get3A_751 : i32 to index
      %get3A_753 = arith.constant 48 : index
      %get3A_754 = tpu.vector_load %arg7[%get3A_752, %get3A_753] {strides = array<i32>} : memref<200x64xf32, #tpu.memory_space<vmem>>, vector<16xf32>,
      %add3A_755 = arith.addf %add3A_735, %get3A_754 : vector<16xf32>
      %get3A_756 = arith.index_cast %mul3A_561 : i32 to index
      %get3A_757 = arith.constant 184 : index
      %get3A_758 = tpu.vector_load %arg6[%get3A_756, %get3A_757] {strides = array<i32>} : memref<128x200xi32, #tpu.memory_space<vmem>>, vector<16xi32>,
      %ne3A_759 = arith.constant 0 : i32
      %ne3A_760 = vector.broadcast %ne3A_759 : i32 to vector<16xi32>
      %ne3A_761 = arith.cmpi ne, %get3A_758, %ne3A_760 : vector<16xi32>
      %ge3A_762 = arith.constant 8 : i32
      %ge3A_763 = vector.broadcast %ge3A_762 : i32 to vector<16xi32>
      %ge3A_764 = arith.cmpi sge, %iota3A, %ge3A_763 : vector<16xi32>
      %and3A_765 = arith.andi %ne3A_761, %ge3A_764 : vector<16xi1>
      %jit3A_766 = arith.constant 1 : i32
      %jit3A_767 = arith.constant 0 : i32
      %broadcast_in_dim3A_768 = vector.broadcast %jit3A_766 : i32 to vector<16xi32>
      %broadcast_in_dim3A_769 = vector.broadcast %jit3A_767 : i32 to vector<16xi32>
      %select_n3A_770 = arith.select %and3A_765, %broadcast_in_dim3A_768, %broadcast_in_dim3A_769 : vector<16xi1>, vector<16xi32>
      %add3A_771 = arith.addi %scan3A_594#4, %select_n3A_770 : vector<16xi32>
      %slice3A_772 = vector.extract_strided_slice %add3A_771 {offsets = [0], sizes = [1], strides = [1]} : vector<16xi32> to vector<1xi32>
      %squeeze3A_773 = vector.extract %slice3A_772[0] : i32 from vector<1xi32>
      %slice3A_774 = vector.extract_strided_slice %add3A_771 {offsets = [1], sizes = [1], strides = [1]} : vector<16xi32> to vector<1xi32>
      %squeeze3A_775 = vector.extract %slice3A_774[0] : i32 from vector<1xi32>
      %add3A_776 = arith.addi %squeeze3A_773, %squeeze3A_775 : i32
      %slice3A_777 = vector.extract_strided_slice %add3A_771 {offsets = [2], sizes = [1], strides = [1]} : vector<16xi32> to vector<1xi32>
      %squeeze3A_778 = vector.extract %slice3A_777[0] : i32 from vector<1xi32>
      %add3A_779 = arith.addi %add3A_776, %squeeze3A_778 : i32
      %slice3A_780 = vector.extract_strided_slice %add3A_771 {offsets = [3], sizes = [1], strides = [1]} : vector<16xi32> to vector<1xi32>
      %squeeze3A_781 = vector.extract %slice3A_780[0] : i32 from vector<1xi32>
      %add3A_782 = arith.addi %add3A_779, %squeeze3A_781 : i32
      %slice3A_783 = vector.extract_strided_slice %add3A_771 {offsets = [4], sizes = [1], strides = [1]} : vector<16xi32> to vector<1xi32>
      %squeeze3A_784 = vector.extract %slice3A_783[0] : i32 from vector<1xi32>
      %add3A_785 = arith.addi %add3A_782, %squeeze3A_784 : i32
      %slice3A_786 = vector.extract_strided_slice %add3A_771 {offsets = [5], sizes = [1], strides = [1]} : vector<16xi32> to vector<1xi32>
      %squeeze3A_787 = vector.extract %slice3A_786[0] : i32 from vector<1xi32>
      %add3A_788 = arith.addi %add3A_785, %squeeze3A_787 : i32
      %slice3A_789 = vector.extract_strided_slice %add3A_771 {offsets = [6], sizes = [1], strides = [1]} : vector<16xi32> to vector<1xi32>
      %squeeze3A_790 = vector.extract %slice3A_789[0] : i32 from vector<1xi32>
      %add3A_791 = arith.addi %add3A_788, %squeeze3A_790 : i32
      %slice3A_792 = vector.extract_strided_slice %add3A_771 {offsets = [7], sizes = [1], strides = [1]} : vector<16xi32> to vector<1xi32>
      %squeeze3A_793 = vector.extract %slice3A_792[0] : i32 from vector<1xi32>
      %add3A_794 = arith.addi %add3A_791, %squeeze3A_793 : i32
      %slice3A_795 = vector.extract_strided_slice %add3A_771 {offsets = [8], sizes = [1], strides = [1]} : vector<16xi32> to vector<1xi32>
      %squeeze3A_796 = vector.extract %slice3A_795[0] : i32 from vector<1xi32>
      %add3A_797 = arith.addi %add3A_794, %squeeze3A_796 : i32
      %slice3A_798 = vector.extract_strided_slice %add3A_771 {offsets = [9], sizes = [1], strides = [1]} : vector<16xi32> to vector<1xi32>
      %squeeze3A_799 = vector.extract %slice3A_798[0] : i32 from vector<1xi32>
      %add3A_800 = arith.addi %add3A_797, %squeeze3A_799 : i32
      %slice3A_801 = vector.extract_strided_slice %add3A_771 {offsets = [10], sizes = [1], strides = [1]} : vector<16xi32> to vector<1xi32>
      %squeeze3A_802 = vector.extract %slice3A_801[0] : i32 from vector<1xi32>
      %add3A_803 = arith.addi %add3A_800, %squeeze3A_802 : i32
      %slice3A_804 = vector.extract_strided_slice %add3A_771 {offsets = [11], sizes = [1], strides = [1]} : vector<16xi32> to vector<1xi32>
      %squeeze3A_805 = vector.extract %slice3A_804[0] : i32 from vector<1xi32>
      %add3A_806 = arith.addi %add3A_803, %squeeze3A_805 : i32
      %slice3A_807 = vector.extract_strided_slice %add3A_771 {offsets = [12], sizes = [1], strides = [1]} : vector<16xi32> to vector<1xi32>
      %squeeze3A_808 = vector.extract %slice3A_807[0] : i32 from vector<1xi32>
      %add3A_809 = arith.addi %add3A_806, %squeeze3A_808 : i32
      %slice3A_810 = vector.extract_strided_slice %add3A_771 {offsets = [13], sizes = [1], strides = [1]} : vector<16xi32> to vector<1xi32>
      %squeeze3A_811 = vector.extract %slice3A_810[0] : i32 from vector<1xi32>
      %add3A_812 = arith.addi %add3A_809, %squeeze3A_811 : i32
      %slice3A_813 = vector.extract_strided_slice %add3A_771 {offsets = [14], sizes = [1], strides = [1]} : vector<16xi32> to vector<1xi32>
      %squeeze3A_814 = vector.extract %slice3A_813[0] : i32 from vector<1xi32>
      %add3A_815 = arith.addi %add3A_812, %squeeze3A_814 : i32
      %slice3A_816 = vector.extract_strided_slice %add3A_771 {offsets = [15], sizes = [1], strides = [1]} : vector<16xi32> to vector<1xi32>
      %squeeze3A_817 = vector.extract %slice3A_816[0] : i32 from vector<1xi32>
      %add3A_818 = arith.addi %add3A_815, %squeeze3A_817 : i32
      %broadcast_in_dim3A_819 = vector.broadcast %add3A_818 : i32 to vector<16xi32>
      %gather3A_820 = tpu.vector_load_idx %arg10[%broadcast_in_dim3A_819] : memref<208xf32, #tpu.memory_space<vmem>>[vector<16xi32>], vector<16xf32>,
      %mul3A_821 = arith.mulf %add3A_740, %gather3A_820 : vector<16xf32>
      %swap3A_822 = arith.index_cast %mul3A_561 : i32 to index
      %swap3A_823 = arith.constant 0 : index
      %swap3A_824 = tpu.vector_load %arg9[%swap3A_822, %swap3A_823] {strides = array<i32>} : memref<128x64xf32, #tpu.memory_space<vmem>>, vector<16xf32>,
      tpu.vector_store %arg9[%swap3A_822, %swap3A_823], %mul3A_821 {strides = array<i32>} : memref<128x64xf32, #tpu.memory_space<vmem>>, vector<16xf32>,
      %mul3A_825 = arith.mulf %add3A_745, %gather3A_820 : vector<16xf32>
      %swap3A_826 = arith.index_cast %mul3A_561 : i32 to index
      %swap3A_827 = arith.constant 16 : index
      %swap3A_828 = tpu.vector_load %arg9[%swap3A_826, %swap3A_827] {strides = array<i32>} : memref<128x64xf32, #tpu.memory_space<vmem>>, vector<16xf32>,
      tpu.vector_store %arg9[%swap3A_826, %swap3A_827], %mul3A_825 {strides = array<i32>} : memref<128x64xf32, #tpu.memory_space<vmem>>, vector<16xf32>,
      %mul3A_829 = arith.mulf %add3A_750, %gather3A_820 : vector<16xf32>
      %swap3A_830 = arith.index_cast %mul3A_561 : i32 to index
      %swap3A_831 = arith.constant 32 : index
      %swap3A_832 = tpu.vector_load %arg9[%swap3A_830, %swap3A_831] {strides = array<i32>} : memref<128x64xf32, #tpu.memory_space<vmem>>, vector<16xf32>,
      tpu.vector_store %arg9[%swap3A_830, %swap3A_831], %mul3A_829 {strides = array<i32>} : memref<128x64xf32, #tpu.memory_space<vmem>>, vector<16xf32>,
      %mul3A_833 = arith.mulf %add3A_755, %gather3A_820 : vector<16xf32>
      %swap3A_834 = arith.index_cast %mul3A_561 : i32 to index
      %swap3A_835 = arith.constant 48 : index
      %swap3A_836 = tpu.vector_load %arg9[%swap3A_834, %swap3A_835] {strides = array<i32>} : memref<128x64xf32, #tpu.memory_space<vmem>>, vector<16xf32>,
      tpu.vector_store %arg9[%swap3A_834, %swap3A_835], %mul3A_833 {strides = array<i32>} : memref<128x64xf32, #tpu.memory_space<vmem>>, vector<16xf32>,
      %add3A_837 = arith.constant 2 : i32
      %add3A_838 = arith.addi %mul3A_561, %add3A_837 : i32
      %dma_start3A_839 = arith.constant 0 : i32
      %dma_start3A_840 = arith.constant 0 : i32
      %dma_start3A_841 = tpu.memref_slice %arg7[%dma_start3A_839, %dma_start3A_840] : memref<200x64xf32, #tpu.memory_space<vmem>> -> memref<128x64xf32, #tpu.memory_space<vmem>>
      %dma_start3A_842 = arith.constant 0 : i32
      %dma_start3A_843 = tpu.memref_slice %arg6[%add3A_838, %dma_start3A_842] : memref<128x200xi32, #tpu.memory_space<vmem>> -> memref<1x128xi32, #tpu.memory_space<vmem>>
      %dma_start3A_844 = tpu.memref_squeeze %dma_start3A_843 : memref<1x128xi32, #tpu.memory_space<vmem>> -> memref<128xi32, #tpu.memory_space<vmem>>
      %dma_start3A_845 = arith.constant 0 : i32
      %dma_start3A_846 = arith.constant 0 : i32
      %dma_start3A_847 = tpu.memref_slice %arg3[%dma_start3A_845, %dma_start3A_846] : memref<1000000x64xf32, #tpu.memory_space<hbm>> -> memref<1000000x64xf32, #tpu.memory_space<hbm>>
      tpu.enqueue_indirect_dma source(%dma_start3A_847 : memref<1000000x64xf32, #tpu.memory_space<hbm>>) target(%dma_start3A_841 : memref<128x64xf32, #tpu.memory_space<vmem>>) offsets(%dma_start3A_844 : memref<128xi32, #tpu.memory_space<vmem>>) semaphore(%arg11 : memref<!tpu.dma_semaphore, #tpu.memory_space<semaphore_mem>>)
      %dma_start3A_848 = arith.constant 128 : i32
      %dma_start3A_849 = arith.constant 0 : i32
      %dma_start3A_850 = tpu.memref_slice %arg7[%dma_start3A_848, %dma_start3A_849] : memref<200x64xf32, #tpu.memory_space<vmem>> -> memref<72x64xf32, #tpu.memory_space<vmem>>
      %dma_start3A_851 = arith.constant 128 : i32
      %dma_start3A_852 = tpu.memref_slice %arg6[%add3A_838, %dma_start3A_851] : memref<128x200xi32, #tpu.memory_space<vmem>> -> memref<1x72xi32, #tpu.memory_space<vmem>>
      %dma_start3A_853 = tpu.memref_squeeze %dma_start3A_852 : memref<1x72xi32, #tpu.memory_space<vmem>> -> memref<72xi32, #tpu.memory_space<vmem>>
      %dma_start3A_854 = arith.constant 0 : i32
      %dma_start3A_855 = arith.constant 0 : i32
      %dma_start3A_856 = tpu.memref_slice %arg3[%dma_start3A_854, %dma_start3A_855] : memref<1000000x64xf32, #tpu.memory_space<hbm>> -> memref<1000000x64xf32, #tpu.memory_space<hbm>>
      tpu.enqueue_indirect_dma source(%dma_start3A_856 : memref<1000000x64xf32, #tpu.memory_space<hbm>>) target(%dma_start3A_850 : memref<72x64xf32, #tpu.memory_space<vmem>>) offsets(%dma_start3A_853 : memref<72xi32, #tpu.memory_space<vmem>>) semaphore(%arg11 : memref<!tpu.dma_semaphore, #tpu.memory_space<semaphore_mem>>)
      %dma_wait3A_857 = arith.constant 0 : i32
      %dma_wait3A_858 = arith.constant 0 : i32
      %dma_wait3A_859 = tpu.memref_slice %arg3[%dma_wait3A_857, %dma_wait3A_858] : memref<1000000x64xf32, #tpu.memory_space<hbm>> -> memref<200x64xf32, #tpu.memory_space<hbm>>
      %dma_wait3A_860 = arith.constant 0 : i32
      %dma_wait3A_861 = arith.constant 0 : i32
      %dma_wait3A_862 = tpu.memref_slice %arg3[%dma_wait3A_860, %dma_wait3A_861] : memref<1000000x64xf32, #tpu.memory_space<hbm>> -> memref<200x64xf32, #tpu.memory_space<hbm>>
      tpu.wait_dma2 semaphore(%arg12 : memref<!tpu.dma_semaphore, #tpu.memory_space<semaphore_mem>>) src(%dma_wait3A_862 : memref<200x64xf32, #tpu.memory_space<hbm>>) dst(%arg8 : memref<200x64xf32, #tpu.memory_space<vmem>>)
      %add3A_863 = arith.constant 1 : i32
      %add3A_864 = arith.addi %mul3A_561, %add3A_863 : i32
      %broadcast_in_dim3A_865 = arith.constant 0 : i32
      %broadcast_in_dim3A_866 = vector.broadcast %broadcast_in_dim3A_865 : i32 to vector<16xi32>
      %scan3A_867 = arith.constant 0 : i32
      %scan3A_868 = arith.constant 12 : i32
      %scan3A_869 = arith.addi %scan3A_867, %scan3A_868 : i32
      %scan3A_870 = arith.constant 1 : i32
      %scan3A_871:5 = scf.for %scan3A_1115 = %scan3A_867 to %scan3A_869 step %scan3A_870 iter_args(%scan3A_1116 = %broadcast_in_dim3A_3, %scan3A_1117 = %broadcast_in_dim3A_3, %scan3A_1118 = %broadcast_in_dim3A_3, %scan3A_1119 = %broadcast_in_dim3A_3, %scan3A_1120 = %broadcast_in_dim3A_866) -> (vector<16xf32>, vector<16xf32>, vector<16xf32>, vector<16xf32>, vector<16xi32>)  : i32 {
        %mul3A_1121 = arith.constant 16 : i32
        %mul3A_1122 = arith.muli %scan3A_1115, %mul3A_1121 : i32
        %add3A_1123 = arith.constant 0 : i32
        %add3A_1124 = arith.addi %mul3A_1122, %add3A_1123 : i32
        %get3A_1125 = arith.index_cast %add3A_1124 : i32 to index
        %get3A_1126 = arith.constant 0 : index
        %get3A_1127 = tpu.vector_load %arg8[%get3A_1125, %get3A_1126] {strides = array<i32>} : memref<200x64xf32, #tpu.memory_space<vmem>>, vector<16xf32>,
        %add3A_1128 = arith.addf %scan3A_1116, %get3A_1127 : vector<16xf32>
        %get3A_1129 = arith.index_cast %add3A_1124 : i32 to index
        %get3A_1130 = arith.constant 16 : index
        %get3A_1131 = tpu.vector_load %arg8[%get3A_1129, %get3A_1130] {strides = array<i32>} : memref<200x64xf32, #tpu.memory_space<vmem>>, vector<16xf32>,
        %add3A_1132 = arith.addf %scan3A_1117, %get3A_1131 : vector<16xf32>
        %get3A_1133 = arith.index_cast %add3A_1124 : i32 to index
        %get3A_1134 = arith.constant 32 : index
        %get3A_1135 = tpu.vector_load %arg8[%get3A_1133, %get3A_1134] {strides = array<i32>} : memref<200x64xf32, #tpu.memory_space<vmem>>, vector<16xf32>,
        %add3A_1136 = arith.addf %scan3A_1118, %get3A_1135 : vector<16xf32>
        %get3A_1137 = arith.index_cast %add3A_1124 : i32 to index
        %get3A_1138 = arith.constant 48 : index
        %get3A_1139 = tpu.vector_load %arg8[%get3A_1137, %get3A_1138] {strides = array<i32>} : memref<200x64xf32, #tpu.memory_space<vmem>>, vector<16xf32>,
        %add3A_1140 = arith.addf %scan3A_1119, %get3A_1139 : vector<16xf32>
        %mul3A_1141 = arith.constant 16 : i32
        %mul3A_1142 = arith.muli %scan3A_1115, %mul3A_1141 : i32
        %add3A_1143 = arith.constant 1 : i32
        %add3A_1144 = arith.addi %mul3A_1142, %add3A_1143 : i32
        %get3A_1145 = arith.index_cast %add3A_1144 : i32 to index
        %get3A_1146 = arith.constant 0 : index
        %get3A_1147 = tpu.vector_load %arg8[%get3A_1145, %get3A_1146] {strides = array<i32>} : memref<200x64xf32, #tpu.memory_space<vmem>>, vector<16xf32>,
        %add3A_1148 = arith.addf %add3A_1128, %get3A_1147 : vector<16xf32>
        %get3A_1149 = arith.index_cast %add3A_1144 : i32 to index
        %get3A_1150 = arith.constant 16 : index
        %get3A_1151 = tpu.vector_load %arg8[%get3A_1149, %get3A_1150] {strides = array<i32>} : memref<200x64xf32, #tpu.memory_space<vmem>>, vector<16xf32>,
        %add3A_1152 = arith.addf %add3A_1132, %get3A_1151 : vector<16xf32>
        %get3A_1153 = arith.index_cast %add3A_1144 : i32 to index
        %get3A_1154 = arith.constant 32 : index
        %get3A_1155 = tpu.vector_load %arg8[%get3A_1153, %get3A_1154] {strides = array<i32>} : memref<200x64xf32, #tpu.memory_space<vmem>>, vector<16xf32>,
        %add3A_1156 = arith.addf %add3A_1136, %get3A_1155 : vector<16xf32>
        %get3A_1157 = arith.index_cast %add3A_1144 : i32 to index
        %get3A_1158 = arith.constant 48 : index
        %get3A_1159 = tpu.vector_load %arg8[%get3A_1157, %get3A_1158] {strides = array<i32>} : memref<200x64xf32, #tpu.memory_space<vmem>>, vector<16xf32>,
        %add3A_1160 = arith.addf %add3A_1140, %get3A_1159 : vector<16xf32>
        %mul3A_1161 = arith.constant 16 : i32
        %mul3A_1162 = arith.muli %scan3A_1115, %mul3A_1161 : i32
        %add3A_1163 = arith.constant 2 : i32
        %add3A_1164 = arith.addi %mul3A_1162, %add3A_1163 : i32
        %get3A_1165 = arith.index_cast %add3A_1164 : i32 to index
        %get3A_1166 = arith.constant 0 : index
        %get3A_1167 = tpu.vector_load %arg8[%get3A_1165, %get3A_1166] {strides = array<i32>} : memref<200x64xf32, #tpu.memory_space<vmem>>, vector<16xf32>,
        %add3A_1168 = arith.addf %add3A_1148, %get3A_1167 : vector<16xf32>
        %get3A_1169 = arith.index_cast %add3A_1164 : i32 to index
        %get3A_1170 = arith.constant 16 : index
        %get3A_1171 = tpu.vector_load %arg8[%get3A_1169, %get3A_1170] {strides = array<i32>} : memref<200x64xf32, #tpu.memory_space<vmem>>, vector<16xf32>,
        %add3A_1172 = arith.addf %add3A_1152, %get3A_1171 : vector<16xf32>
        %get3A_1173 = arith.index_cast %add3A_1164 : i32 to index
        %get3A_1174 = arith.constant 32 : index
        %get3A_1175 = tpu.vector_load %arg8[%get3A_1173, %get3A_1174] {strides = array<i32>} : memref<200x64xf32, #tpu.memory_space<vmem>>, vector<16xf32>,
        %add3A_1176 = arith.addf %add3A_1156, %get3A_1175 : vector<16xf32>
        %get3A_1177 = arith.index_cast %add3A_1164 : i32 to index
        %get3A_1178 = arith.constant 48 : index
        %get3A_1179 = tpu.vector_load %arg8[%get3A_1177, %get3A_1178] {strides = array<i32>} : memref<200x64xf32, #tpu.memory_space<vmem>>, vector<16xf32>,
        %add3A_1180 = arith.addf %add3A_1160, %get3A_1179 : vector<16xf32>
        %mul3A_1181 = arith.constant 16 : i32
        %mul3A_1182 = arith.muli %scan3A_1115, %mul3A_1181 : i32
        %add3A_1183 = arith.constant 3 : i32
        %add3A_1184 = arith.addi %mul3A_1182, %add3A_1183 : i32
        %get3A_1185 = arith.index_cast %add3A_1184 : i32 to index
        %get3A_1186 = arith.constant 0 : index
        %get3A_1187 = tpu.vector_load %arg8[%get3A_1185, %get3A_1186] {strides = array<i32>} : memref<200x64xf32, #tpu.memory_space<vmem>>, vector<16xf32>,
        %add3A_1188 = arith.addf %add3A_1168, %get3A_1187 : vector<16xf32>
        %get3A_1189 = arith.index_cast %add3A_1184 : i32 to index
        %get3A_1190 = arith.constant 16 : index
        %get3A_1191 = tpu.vector_load %arg8[%get3A_1189, %get3A_1190] {strides = array<i32>} : memref<200x64xf32, #tpu.memory_space<vmem>>, vector<16xf32>,
        %add3A_1192 = arith.addf %add3A_1172, %get3A_1191 : vector<16xf32>
        %get3A_1193 = arith.index_cast %add3A_1184 : i32 to index
        %get3A_1194 = arith.constant 32 : index
        %get3A_1195 = tpu.vector_load %arg8[%get3A_1193, %get3A_1194] {strides = array<i32>} : memref<200x64xf32, #tpu.memory_space<vmem>>, vector<16xf32>,
        %add3A_1196 = arith.addf %add3A_1176, %get3A_1195 : vector<16xf32>
        %get3A_1197 = arith.index_cast %add3A_1184 : i32 to index
        %get3A_1198 = arith.constant 48 : index
        %get3A_1199 = tpu.vector_load %arg8[%get3A_1197, %get3A_1198] {strides = array<i32>} : memref<200x64xf32, #tpu.memory_space<vmem>>, vector<16xf32>,
        %add3A_1200 = arith.addf %add3A_1180, %get3A_1199 : vector<16xf32>
        %mul3A_1201 = arith.constant 16 : i32
        %mul3A_1202 = arith.muli %scan3A_1115, %mul3A_1201 : i32
        %add3A_1203 = arith.constant 4 : i32
        %add3A_1204 = arith.addi %mul3A_1202, %add3A_1203 : i32
        %get3A_1205 = arith.index_cast %add3A_1204 : i32 to index
        %get3A_1206 = arith.constant 0 : index
        %get3A_1207 = tpu.vector_load %arg8[%get3A_1205, %get3A_1206] {strides = array<i32>} : memref<200x64xf32, #tpu.memory_space<vmem>>, vector<16xf32>,
        %add3A_1208 = arith.addf %add3A_1188, %get3A_1207 : vector<16xf32>
        %get3A_1209 = arith.index_cast %add3A_1204 : i32 to index
        %get3A_1210 = arith.constant 16 : index
        %get3A_1211 = tpu.vector_load %arg8[%get3A_1209, %get3A_1210] {strides = array<i32>} : memref<200x64xf32, #tpu.memory_space<vmem>>, vector<16xf32>,
        %add3A_1212 = arith.addf %add3A_1192, %get3A_1211 : vector<16xf32>
        %get3A_1213 = arith.index_cast %add3A_1204 : i32 to index
        %get3A_1214 = arith.constant 32 : index
        %get3A_1215 = tpu.vector_load %arg8[%get3A_1213, %get3A_1214] {strides = array<i32>} : memref<200x64xf32, #tpu.memory_space<vmem>>, vector<16xf32>,
        %add3A_1216 = arith.addf %add3A_1196, %get3A_1215 : vector<16xf32>
        %get3A_1217 = arith.index_cast %add3A_1204 : i32 to index
        %get3A_1218 = arith.constant 48 : index
        %get3A_1219 = tpu.vector_load %arg8[%get3A_1217, %get3A_1218] {strides = array<i32>} : memref<200x64xf32, #tpu.memory_space<vmem>>, vector<16xf32>,
        %add3A_1220 = arith.addf %add3A_1200, %get3A_1219 : vector<16xf32>
        %mul3A_1221 = arith.constant 16 : i32
        %mul3A_1222 = arith.muli %scan3A_1115, %mul3A_1221 : i32
        %add3A_1223 = arith.constant 5 : i32
        %add3A_1224 = arith.addi %mul3A_1222, %add3A_1223 : i32
        %get3A_1225 = arith.index_cast %add3A_1224 : i32 to index
        %get3A_1226 = arith.constant 0 : index
        %get3A_1227 = tpu.vector_load %arg8[%get3A_1225, %get3A_1226] {strides = array<i32>} : memref<200x64xf32, #tpu.memory_space<vmem>>, vector<16xf32>,
        %add3A_1228 = arith.addf %add3A_1208, %get3A_1227 : vector<16xf32>
        %get3A_1229 = arith.index_cast %add3A_1224 : i32 to index
        %get3A_1230 = arith.constant 16 : index
        %get3A_1231 = tpu.vector_load %arg8[%get3A_1229, %get3A_1230] {strides = array<i32>} : memref<200x64xf32, #tpu.memory_space<vmem>>, vector<16xf32>,
        %add3A_1232 = arith.addf %add3A_1212, %get3A_1231 : vector<16xf32>
        %get3A_1233 = arith.index_cast %add3A_1224 : i32 to index
        %get3A_1234 = arith.constant 32 : index
        %get3A_1235 = tpu.vector_load %arg8[%get3A_1233, %get3A_1234] {strides = array<i32>} : memref<200x64xf32, #tpu.memory_space<vmem>>, vector<16xf32>,
        %add3A_1236 = arith.addf %add3A_1216, %get3A_1235 : vector<16xf32>
        %get3A_1237 = arith.index_cast %add3A_1224 : i32 to index
        %get3A_1238 = arith.constant 48 : index
        %get3A_1239 = tpu.vector_load %arg8[%get3A_1237, %get3A_1238] {strides = array<i32>} : memref<200x64xf32, #tpu.memory_space<vmem>>, vector<16xf32>,
        %add3A_1240 = arith.addf %add3A_1220, %get3A_1239 : vector<16xf32>
        %mul3A_1241 = arith.constant 16 : i32
        %mul3A_1242 = arith.muli %scan3A_1115, %mul3A_1241 : i32
        %add3A_1243 = arith.constant 6 : i32
        %add3A_1244 = arith.addi %mul3A_1242, %add3A_1243 : i32
        %get3A_1245 = arith.index_cast %add3A_1244 : i32 to index
        %get3A_1246 = arith.constant 0 : index
        %get3A_1247 = tpu.vector_load %arg8[%get3A_1245, %get3A_1246] {strides = array<i32>} : memref<200x64xf32, #tpu.memory_space<vmem>>, vector<16xf32>,
        %add3A_1248 = arith.addf %add3A_1228, %get3A_1247 : vector<16xf32>
        %get3A_1249 = arith.index_cast %add3A_1244 : i32 to index
        %get3A_1250 = arith.constant 16 : index
        %get3A_1251 = tpu.vector_load %arg8[%get3A_1249, %get3A_1250] {strides = array<i32>} : memref<200x64xf32, #tpu.memory_space<vmem>>, vector<16xf32>,
        %add3A_1252 = arith.addf %add3A_1232, %get3A_1251 : vector<16xf32>
        %get3A_1253 = arith.index_cast %add3A_1244 : i32 to index
        %get3A_1254 = arith.constant 32 : index
        %get3A_1255 = tpu.vector_load %arg8[%get3A_1253, %get3A_1254] {strides = array<i32>} : memref<200x64xf32, #tpu.memory_space<vmem>>, vector<16xf32>,
        %add3A_1256 = arith.addf %add3A_1236, %get3A_1255 : vector<16xf32>
        %get3A_1257 = arith.index_cast %add3A_1244 : i32 to index
        %get3A_1258 = arith.constant 48 : index
        %get3A_1259 = tpu.vector_load %arg8[%get3A_1257, %get3A_1258] {strides = array<i32>} : memref<200x64xf32, #tpu.memory_space<vmem>>, vector<16xf32>,
        %add3A_1260 = arith.addf %add3A_1240, %get3A_1259 : vector<16xf32>
        %mul3A_1261 = arith.constant 16 : i32
        %mul3A_1262 = arith.muli %scan3A_1115, %mul3A_1261 : i32
        %add3A_1263 = arith.constant 7 : i32
        %add3A_1264 = arith.addi %mul3A_1262, %add3A_1263 : i32
        %get3A_1265 = arith.index_cast %add3A_1264 : i32 to index
        %get3A_1266 = arith.constant 0 : index
        %get3A_1267 = tpu.vector_load %arg8[%get3A_1265, %get3A_1266] {strides = array<i32>} : memref<200x64xf32, #tpu.memory_space<vmem>>, vector<16xf32>,
        %add3A_1268 = arith.addf %add3A_1248, %get3A_1267 : vector<16xf32>
        %get3A_1269 = arith.index_cast %add3A_1264 : i32 to index
        %get3A_1270 = arith.constant 16 : index
        %get3A_1271 = tpu.vector_load %arg8[%get3A_1269, %get3A_1270] {strides = array<i32>} : memref<200x64xf32, #tpu.memory_space<vmem>>, vector<16xf32>,
        %add3A_1272 = arith.addf %add3A_1252, %get3A_1271 : vector<16xf32>
        %get3A_1273 = arith.index_cast %add3A_1264 : i32 to index
        %get3A_1274 = arith.constant 32 : index
        %get3A_1275 = tpu.vector_load %arg8[%get3A_1273, %get3A_1274] {strides = array<i32>} : memref<200x64xf32, #tpu.memory_space<vmem>>, vector<16xf32>,
        %add3A_1276 = arith.addf %add3A_1256, %get3A_1275 : vector<16xf32>
        %get3A_1277 = arith.index_cast %add3A_1264 : i32 to index
        %get3A_1278 = arith.constant 48 : index
        %get3A_1279 = tpu.vector_load %arg8[%get3A_1277, %get3A_1278] {strides = array<i32>} : memref<200x64xf32, #tpu.memory_space<vmem>>, vector<16xf32>,
        %add3A_1280 = arith.addf %add3A_1260, %get3A_1279 : vector<16xf32>
        %mul3A_1281 = arith.constant 16 : i32
        %mul3A_1282 = arith.muli %scan3A_1115, %mul3A_1281 : i32
        %add3A_1283 = arith.constant 8 : i32
        %add3A_1284 = arith.addi %mul3A_1282, %add3A_1283 : i32
        %get3A_1285 = arith.index_cast %add3A_1284 : i32 to index
        %get3A_1286 = arith.constant 0 : index
        %get3A_1287 = tpu.vector_load %arg8[%get3A_1285, %get3A_1286] {strides = array<i32>} : memref<200x64xf32, #tpu.memory_space<vmem>>, vector<16xf32>,
        %add3A_1288 = arith.addf %add3A_1268, %get3A_1287 : vector<16xf32>
        %get3A_1289 = arith.index_cast %add3A_1284 : i32 to index
        %get3A_1290 = arith.constant 16 : index
        %get3A_1291 = tpu.vector_load %arg8[%get3A_1289, %get3A_1290] {strides = array<i32>} : memref<200x64xf32, #tpu.memory_space<vmem>>, vector<16xf32>,
        %add3A_1292 = arith.addf %add3A_1272, %get3A_1291 : vector<16xf32>
        %get3A_1293 = arith.index_cast %add3A_1284 : i32 to index
        %get3A_1294 = arith.constant 32 : index
        %get3A_1295 = tpu.vector_load %arg8[%get3A_1293, %get3A_1294] {strides = array<i32>} : memref<200x64xf32, #tpu.memory_space<vmem>>, vector<16xf32>,
        %add3A_1296 = arith.addf %add3A_1276, %get3A_1295 : vector<16xf32>
        %get3A_1297 = arith.index_cast %add3A_1284 : i32 to index
        %get3A_1298 = arith.constant 48 : index
        %get3A_1299 = tpu.vector_load %arg8[%get3A_1297, %get3A_1298] {strides = array<i32>} : memref<200x64xf32, #tpu.memory_space<vmem>>, vector<16xf32>,
        %add3A_1300 = arith.addf %add3A_1280, %get3A_1299 : vector<16xf32>
        %mul3A_1301 = arith.constant 16 : i32
        %mul3A_1302 = arith.muli %scan3A_1115, %mul3A_1301 : i32
        %add3A_1303 = arith.constant 9 : i32
        %add3A_1304 = arith.addi %mul3A_1302, %add3A_1303 : i32
        %get3A_1305 = arith.index_cast %add3A_1304 : i32 to index
        %get3A_1306 = arith.constant 0 : index
        %get3A_1307 = tpu.vector_load %arg8[%get3A_1305, %get3A_1306] {strides = array<i32>} : memref<200x64xf32, #tpu.memory_space<vmem>>, vector<16xf32>,
        %add3A_1308 = arith.addf %add3A_1288, %get3A_1307 : vector<16xf32>
        %get3A_1309 = arith.index_cast %add3A_1304 : i32 to index
        %get3A_1310 = arith.constant 16 : index
        %get3A_1311 = tpu.vector_load %arg8[%get3A_1309, %get3A_1310] {strides = array<i32>} : memref<200x64xf32, #tpu.memory_space<vmem>>, vector<16xf32>,
        %add3A_1312 = arith.addf %add3A_1292, %get3A_1311 : vector<16xf32>
        %get3A_1313 = arith.index_cast %add3A_1304 : i32 to index
        %get3A_1314 = arith.constant 32 : index
        %get3A_1315 = tpu.vector_load %arg8[%get3A_1313, %get3A_1314] {strides = array<i32>} : memref<200x64xf32, #tpu.memory_space<vmem>>, vector<16xf32>,
        %add3A_1316 = arith.addf %add3A_1296, %get3A_1315 : vector<16xf32>
        %get3A_1317 = arith.index_cast %add3A_1304 : i32 to index
        %get3A_1318 = arith.constant 48 : index
        %get3A_1319 = tpu.vector_load %arg8[%get3A_1317, %get3A_1318] {strides = array<i32>} : memref<200x64xf32, #tpu.memory_space<vmem>>, vector<16xf32>,
        %add3A_1320 = arith.addf %add3A_1300, %get3A_1319 : vector<16xf32>
        %mul3A_1321 = arith.constant 16 : i32
        %mul3A_1322 = arith.muli %scan3A_1115, %mul3A_1321 : i32
        %add3A_1323 = arith.constant 10 : i32
        %add3A_1324 = arith.addi %mul3A_1322, %add3A_1323 : i32
        %get3A_1325 = arith.index_cast %add3A_1324 : i32 to index
        %get3A_1326 = arith.constant 0 : index
        %get3A_1327 = tpu.vector_load %arg8[%get3A_1325, %get3A_1326] {strides = array<i32>} : memref<200x64xf32, #tpu.memory_space<vmem>>, vector<16xf32>,
        %add3A_1328 = arith.addf %add3A_1308, %get3A_1327 : vector<16xf32>
        %get3A_1329 = arith.index_cast %add3A_1324 : i32 to index
        %get3A_1330 = arith.constant 16 : index
        %get3A_1331 = tpu.vector_load %arg8[%get3A_1329, %get3A_1330] {strides = array<i32>} : memref<200x64xf32, #tpu.memory_space<vmem>>, vector<16xf32>,
        %add3A_1332 = arith.addf %add3A_1312, %get3A_1331 : vector<16xf32>
        %get3A_1333 = arith.index_cast %add3A_1324 : i32 to index
        %get3A_1334 = arith.constant 32 : index
        %get3A_1335 = tpu.vector_load %arg8[%get3A_1333, %get3A_1334] {strides = array<i32>} : memref<200x64xf32, #tpu.memory_space<vmem>>, vector<16xf32>,
        %add3A_1336 = arith.addf %add3A_1316, %get3A_1335 : vector<16xf32>
        %get3A_1337 = arith.index_cast %add3A_1324 : i32 to index
        %get3A_1338 = arith.constant 48 : index
        %get3A_1339 = tpu.vector_load %arg8[%get3A_1337, %get3A_1338] {strides = array<i32>} : memref<200x64xf32, #tpu.memory_space<vmem>>, vector<16xf32>,
        %add3A_1340 = arith.addf %add3A_1320, %get3A_1339 : vector<16xf32>
        %mul3A_1341 = arith.constant 16 : i32
        %mul3A_1342 = arith.muli %scan3A_1115, %mul3A_1341 : i32
        %add3A_1343 = arith.constant 11 : i32
        %add3A_1344 = arith.addi %mul3A_1342, %add3A_1343 : i32
        %get3A_1345 = arith.index_cast %add3A_1344 : i32 to index
        %get3A_1346 = arith.constant 0 : index
        %get3A_1347 = tpu.vector_load %arg8[%get3A_1345, %get3A_1346] {strides = array<i32>} : memref<200x64xf32, #tpu.memory_space<vmem>>, vector<16xf32>,
        %add3A_1348 = arith.addf %add3A_1328, %get3A_1347 : vector<16xf32>
        %get3A_1349 = arith.index_cast %add3A_1344 : i32 to index
        %get3A_1350 = arith.constant 16 : index
        %get3A_1351 = tpu.vector_load %arg8[%get3A_1349, %get3A_1350] {strides = array<i32>} : memref<200x64xf32, #tpu.memory_space<vmem>>, vector<16xf32>,
        %add3A_1352 = arith.addf %add3A_1332, %get3A_1351 : vector<16xf32>
        %get3A_1353 = arith.index_cast %add3A_1344 : i32 to index
        %get3A_1354 = arith.constant 32 : index
        %get3A_1355 = tpu.vector_load %arg8[%get3A_1353, %get3A_1354] {strides = array<i32>} : memref<200x64xf32, #tpu.memory_space<vmem>>, vector<16xf32>,
        %add3A_1356 = arith.addf %add3A_1336, %get3A_1355 : vector<16xf32>
        %get3A_1357 = arith.index_cast %add3A_1344 : i32 to index
        %get3A_1358 = arith.constant 48 : index
        %get3A_1359 = tpu.vector_load %arg8[%get3A_1357, %get3A_1358] {strides = array<i32>} : memref<200x64xf32, #tpu.memory_space<vmem>>, vector<16xf32>,
        %add3A_1360 = arith.addf %add3A_1340, %get3A_1359 : vector<16xf32>
        %mul3A_1361 = arith.constant 16 : i32
        %mul3A_1362 = arith.muli %scan3A_1115, %mul3A_1361 : i32
        %add3A_1363 = arith.constant 12 : i32
        %add3A_1364 = arith.addi %mul3A_1362, %add3A_1363 : i32
        %get3A_1365 = arith.index_cast %add3A_1364 : i32 to index
        %get3A_1366 = arith.constant 0 : index
        %get3A_1367 = tpu.vector_load %arg8[%get3A_1365, %get3A_1366] {strides = array<i32>} : memref<200x64xf32, #tpu.memory_space<vmem>>, vector<16xf32>,
        %add3A_1368 = arith.addf %add3A_1348, %get3A_1367 : vector<16xf32>
        %get3A_1369 = arith.index_cast %add3A_1364 : i32 to index
        %get3A_1370 = arith.constant 16 : index
        %get3A_1371 = tpu.vector_load %arg8[%get3A_1369, %get3A_1370] {strides = array<i32>} : memref<200x64xf32, #tpu.memory_space<vmem>>, vector<16xf32>,
        %add3A_1372 = arith.addf %add3A_1352, %get3A_1371 : vector<16xf32>
        %get3A_1373 = arith.index_cast %add3A_1364 : i32 to index
        %get3A_1374 = arith.constant 32 : index
        %get3A_1375 = tpu.vector_load %arg8[%get3A_1373, %get3A_1374] {strides = array<i32>} : memref<200x64xf32, #tpu.memory_space<vmem>>, vector<16xf32>,
        %add3A_1376 = arith.addf %add3A_1356, %get3A_1375 : vector<16xf32>
        %get3A_1377 = arith.index_cast %add3A_1364 : i32 to index
        %get3A_1378 = arith.constant 48 : index
        %get3A_1379 = tpu.vector_load %arg8[%get3A_1377, %get3A_1378] {strides = array<i32>} : memref<200x64xf32, #tpu.memory_space<vmem>>, vector<16xf32>,
        %add3A_1380 = arith.addf %add3A_1360, %get3A_1379 : vector<16xf32>
        %mul3A_1381 = arith.constant 16 : i32
        %mul3A_1382 = arith.muli %scan3A_1115, %mul3A_1381 : i32
        %add3A_1383 = arith.constant 13 : i32
        %add3A_1384 = arith.addi %mul3A_1382, %add3A_1383 : i32
        %get3A_1385 = arith.index_cast %add3A_1384 : i32 to index
        %get3A_1386 = arith.constant 0 : index
        %get3A_1387 = tpu.vector_load %arg8[%get3A_1385, %get3A_1386] {strides = array<i32>} : memref<200x64xf32, #tpu.memory_space<vmem>>, vector<16xf32>,
        %add3A_1388 = arith.addf %add3A_1368, %get3A_1387 : vector<16xf32>
        %get3A_1389 = arith.index_cast %add3A_1384 : i32 to index
        %get3A_1390 = arith.constant 16 : index
        %get3A_1391 = tpu.vector_load %arg8[%get3A_1389, %get3A_1390] {strides = array<i32>} : memref<200x64xf32, #tpu.memory_space<vmem>>, vector<16xf32>,
        %add3A_1392 = arith.addf %add3A_1372, %get3A_1391 : vector<16xf32>
        %get3A_1393 = arith.index_cast %add3A_1384 : i32 to index
        %get3A_1394 = arith.constant 32 : index
        %get3A_1395 = tpu.vector_load %arg8[%get3A_1393, %get3A_1394] {strides = array<i32>} : memref<200x64xf32, #tpu.memory_space<vmem>>, vector<16xf32>,
        %add3A_1396 = arith.addf %add3A_1376, %get3A_1395 : vector<16xf32>
        %get3A_1397 = arith.index_cast %add3A_1384 : i32 to index
        %get3A_1398 = arith.constant 48 : index
        %get3A_1399 = tpu.vector_load %arg8[%get3A_1397, %get3A_1398] {strides = array<i32>} : memref<200x64xf32, #tpu.memory_space<vmem>>, vector<16xf32>,
        %add3A_1400 = arith.addf %add3A_1380, %get3A_1399 : vector<16xf32>
        %mul3A_1401 = arith.constant 16 : i32
        %mul3A_1402 = arith.muli %scan3A_1115, %mul3A_1401 : i32
        %add3A_1403 = arith.constant 14 : i32
        %add3A_1404 = arith.addi %mul3A_1402, %add3A_1403 : i32
        %get3A_1405 = arith.index_cast %add3A_1404 : i32 to index
        %get3A_1406 = arith.constant 0 : index
        %get3A_1407 = tpu.vector_load %arg8[%get3A_1405, %get3A_1406] {strides = array<i32>} : memref<200x64xf32, #tpu.memory_space<vmem>>, vector<16xf32>,
        %add3A_1408 = arith.addf %add3A_1388, %get3A_1407 : vector<16xf32>
        %get3A_1409 = arith.index_cast %add3A_1404 : i32 to index
        %get3A_1410 = arith.constant 16 : index
        %get3A_1411 = tpu.vector_load %arg8[%get3A_1409, %get3A_1410] {strides = array<i32>} : memref<200x64xf32, #tpu.memory_space<vmem>>, vector<16xf32>,
        %add3A_1412 = arith.addf %add3A_1392, %get3A_1411 : vector<16xf32>
        %get3A_1413 = arith.index_cast %add3A_1404 : i32 to index
        %get3A_1414 = arith.constant 32 : index
        %get3A_1415 = tpu.vector_load %arg8[%get3A_1413, %get3A_1414] {strides = array<i32>} : memref<200x64xf32, #tpu.memory_space<vmem>>, vector<16xf32>,
        %add3A_1416 = arith.addf %add3A_1396, %get3A_1415 : vector<16xf32>
        %get3A_1417 = arith.index_cast %add3A_1404 : i32 to index
        %get3A_1418 = arith.constant 48 : index
        %get3A_1419 = tpu.vector_load %arg8[%get3A_1417, %get3A_1418] {strides = array<i32>} : memref<200x64xf32, #tpu.memory_space<vmem>>, vector<16xf32>,
        %add3A_1420 = arith.addf %add3A_1400, %get3A_1419 : vector<16xf32>
        %mul3A_1421 = arith.constant 16 : i32
        %mul3A_1422 = arith.muli %scan3A_1115, %mul3A_1421 : i32
        %add3A_1423 = arith.constant 15 : i32
        %add3A_1424 = arith.addi %mul3A_1422, %add3A_1423 : i32
        %get3A_1425 = arith.index_cast %add3A_1424 : i32 to index
        %get3A_1426 = arith.constant 0 : index
        %get3A_1427 = tpu.vector_load %arg8[%get3A_1425, %get3A_1426] {strides = array<i32>} : memref<200x64xf32, #tpu.memory_space<vmem>>, vector<16xf32>,
        %add3A_1428 = arith.addf %add3A_1408, %get3A_1427 : vector<16xf32>
        %get3A_1429 = arith.index_cast %add3A_1424 : i32 to index
        %get3A_1430 = arith.constant 16 : index
        %get3A_1431 = tpu.vector_load %arg8[%get3A_1429, %get3A_1430] {strides = array<i32>} : memref<200x64xf32, #tpu.memory_space<vmem>>, vector<16xf32>,
        %add3A_1432 = arith.addf %add3A_1412, %get3A_1431 : vector<16xf32>
        %get3A_1433 = arith.index_cast %add3A_1424 : i32 to index
        %get3A_1434 = arith.constant 32 : index
        %get3A_1435 = tpu.vector_load %arg8[%get3A_1433, %get3A_1434] {strides = array<i32>} : memref<200x64xf32, #tpu.memory_space<vmem>>, vector<16xf32>,
        %add3A_1436 = arith.addf %add3A_1416, %get3A_1435 : vector<16xf32>
        %get3A_1437 = arith.index_cast %add3A_1424 : i32 to index
        %get3A_1438 = arith.constant 48 : index
        %get3A_1439 = tpu.vector_load %arg8[%get3A_1437, %get3A_1438] {strides = array<i32>} : memref<200x64xf32, #tpu.memory_space<vmem>>, vector<16xf32>,
        %add3A_1440 = arith.addf %add3A_1420, %get3A_1439 : vector<16xf32>
        %mul3A_1441 = arith.constant 16 : i32
        %mul3A_1442 = arith.muli %scan3A_1115, %mul3A_1441 : i32
        %get3A_1443 = arith.index_cast %add3A_864 : i32 to index
        %get3A_1444 = arith.index_cast %mul3A_1442 : i32 to index
        %get3A_1445 = tpu.vector_load %arg6[%get3A_1443, %get3A_1444] {strides = array<i32>} : memref<128x200xi32, #tpu.memory_space<vmem>>, vector<16xi32>,
        %ne3A_1446 = arith.constant 0 : i32
        %ne3A_1447 = vector.broadcast %ne3A_1446 : i32 to vector<16xi32>
        %ne3A_1448 = arith.cmpi ne, %get3A_1445, %ne3A_1447 : vector<16xi32>
        %jit3A_1449 = arith.constant 1 : i32
        %jit3A_1450 = arith.constant 0 : i32
        %broadcast_in_dim3A_1451 = vector.broadcast %jit3A_1449 : i32 to vector<16xi32>
        %broadcast_in_dim3A_1452 = vector.broadcast %jit3A_1450 : i32 to vector<16xi32>
        %select_n3A_1453 = arith.select %ne3A_1448, %broadcast_in_dim3A_1451, %broadcast_in_dim3A_1452 : vector<16xi1>, vector<16xi32>
        %add3A_1454 = arith.addi %scan3A_1120, %select_n3A_1453 : vector<16xi32>
        scf.yield %add3A_1428, %add3A_1432, %add3A_1436, %add3A_1440, %add3A_1454 : vector<16xf32>, vector<16xf32>, vector<16xf32>, vector<16xf32>, vector<16xi32>
      }
      %scan3A_872 = arith.constant 12 : i32
      %get3A_873 = arith.constant 192 : i32
      %get3A_874 = arith.index_cast %get3A_873 : i32 to index
      %get3A_875 = arith.constant 0 : index
      %get3A_876 = tpu.vector_load %arg8[%get3A_874, %get3A_875] {strides = array<i32>} : memref<200x64xf32, #tpu.memory_space<vmem>>, vector<16xf32>,
      %add3A_877 = arith.addf %scan3A_871#0, %get3A_876 : vector<16xf32>
      %get3A_878 = arith.constant 192 : i32
      %get3A_879 = arith.index_cast %get3A_878 : i32 to index
      %get3A_880 = arith.constant 16 : index
      %get3A_881 = tpu.vector_load %arg8[%get3A_879, %get3A_880] {strides = array<i32>} : memref<200x64xf32, #tpu.memory_space<vmem>>, vector<16xf32>,
      %add3A_882 = arith.addf %scan3A_871#1, %get3A_881 : vector<16xf32>
      %get3A_883 = arith.constant 192 : i32
      %get3A_884 = arith.index_cast %get3A_883 : i32 to index
      %get3A_885 = arith.constant 32 : index
      %get3A_886 = tpu.vector_load %arg8[%get3A_884, %get3A_885] {strides = array<i32>} : memref<200x64xf32, #tpu.memory_space<vmem>>, vector<16xf32>,
      %add3A_887 = arith.addf %scan3A_871#2, %get3A_886 : vector<16xf32>
      %get3A_888 = arith.constant 192 : i32
      %get3A_889 = arith.index_cast %get3A_888 : i32 to index
      %get3A_890 = arith.constant 48 : index
      %get3A_891 = tpu.vector_load %arg8[%get3A_889, %get3A_890] {strides = array<i32>} : memref<200x64xf32, #tpu.memory_space<vmem>>, vector<16xf32>,
      %add3A_892 = arith.addf %scan3A_871#3, %get3A_891 : vector<16xf32>
      %get3A_893 = arith.constant 193 : i32
      %get3A_894 = arith.index_cast %get3A_893 : i32 to index
      %get3A_895 = arith.constant 0 : index
      %get3A_896 = tpu.vector_load %arg8[%get3A_894, %get3A_895] {strides = array<i32>} : memref<200x64xf32, #tpu.memory_space<vmem>>, vector<16xf32>,
      %add3A_897 = arith.addf %add3A_877, %get3A_896 : vector<16xf32>
      %get3A_898 = arith.constant 193 : i32
      %get3A_899 = arith.index_cast %get3A_898 : i32 to index
      %get3A_900 = arith.constant 16 : index
      %get3A_901 = tpu.vector_load %arg8[%get3A_899, %get3A_900] {strides = array<i32>} : memref<200x64xf32, #tpu.memory_space<vmem>>, vector<16xf32>,
      %add3A_902 = arith.addf %add3A_882, %get3A_901 : vector<16xf32>
      %get3A_903 = arith.constant 193 : i32
      %get3A_904 = arith.index_cast %get3A_903 : i32 to index
      %get3A_905 = arith.constant 32 : index
      %get3A_906 = tpu.vector_load %arg8[%get3A_904, %get3A_905] {strides = array<i32>} : memref<200x64xf32, #tpu.memory_space<vmem>>, vector<16xf32>,
      %add3A_907 = arith.addf %add3A_887, %get3A_906 : vector<16xf32>
      %get3A_908 = arith.constant 193 : i32
      %get3A_909 = arith.index_cast %get3A_908 : i32 to index
      %get3A_910 = arith.constant 48 : index
      %get3A_911 = tpu.vector_load %arg8[%get3A_909, %get3A_910] {strides = array<i32>} : memref<200x64xf32, #tpu.memory_space<vmem>>, vector<16xf32>,
      %add3A_912 = arith.addf %add3A_892, %get3A_911 : vector<16xf32>
      %get3A_913 = arith.constant 194 : i32
      %get3A_914 = arith.index_cast %get3A_913 : i32 to index
      %get3A_915 = arith.constant 0 : index
      %get3A_916 = tpu.vector_load %arg8[%get3A_914, %get3A_915] {strides = array<i32>} : memref<200x64xf32, #tpu.memory_space<vmem>>, vector<16xf32>,
      %add3A_917 = arith.addf %add3A_897, %get3A_916 : vector<16xf32>
      %get3A_918 = arith.constant 194 : i32
      %get3A_919 = arith.index_cast %get3A_918 : i32 to index
      %get3A_920 = arith.constant 16 : index
      %get3A_921 = tpu.vector_load %arg8[%get3A_919, %get3A_920] {strides = array<i32>} : memref<200x64xf32, #tpu.memory_space<vmem>>, vector<16xf32>,
      %add3A_922 = arith.addf %add3A_902, %get3A_921 : vector<16xf32>
      %get3A_923 = arith.constant 194 : i32
      %get3A_924 = arith.index_cast %get3A_923 : i32 to index
      %get3A_925 = arith.constant 32 : index
      %get3A_926 = tpu.vector_load %arg8[%get3A_924, %get3A_925] {strides = array<i32>} : memref<200x64xf32, #tpu.memory_space<vmem>>, vector<16xf32>,
      %add3A_927 = arith.addf %add3A_907, %get3A_926 : vector<16xf32>
      %get3A_928 = arith.constant 194 : i32
      %get3A_929 = arith.index_cast %get3A_928 : i32 to index
      %get3A_930 = arith.constant 48 : index
      %get3A_931 = tpu.vector_load %arg8[%get3A_929, %get3A_930] {strides = array<i32>} : memref<200x64xf32, #tpu.memory_space<vmem>>, vector<16xf32>,
      %add3A_932 = arith.addf %add3A_912, %get3A_931 : vector<16xf32>
      %get3A_933 = arith.constant 195 : i32
      %get3A_934 = arith.index_cast %get3A_933 : i32 to index
      %get3A_935 = arith.constant 0 : index
      %get3A_936 = tpu.vector_load %arg8[%get3A_934, %get3A_935] {strides = array<i32>} : memref<200x64xf32, #tpu.memory_space<vmem>>, vector<16xf32>,
      %add3A_937 = arith.addf %add3A_917, %get3A_936 : vector<16xf32>
      %get3A_938 = arith.constant 195 : i32
      %get3A_939 = arith.index_cast %get3A_938 : i32 to index
      %get3A_940 = arith.constant 16 : index
      %get3A_941 = tpu.vector_load %arg8[%get3A_939, %get3A_940] {strides = array<i32>} : memref<200x64xf32, #tpu.memory_space<vmem>>, vector<16xf32>,
      %add3A_942 = arith.addf %add3A_922, %get3A_941 : vector<16xf32>
      %get3A_943 = arith.constant 195 : i32
      %get3A_944 = arith.index_cast %get3A_943 : i32 to index
      %get3A_945 = arith.constant 32 : index
      %get3A_946 = tpu.vector_load %arg8[%get3A_944, %get3A_945] {strides = array<i32>} : memref<200x64xf32, #tpu.memory_space<vmem>>, vector<16xf32>,
      %add3A_947 = arith.addf %add3A_927, %get3A_946 : vector<16xf32>
      %get3A_948 = arith.constant 195 : i32
      %get3A_949 = arith.index_cast %get3A_948 : i32 to index
      %get3A_950 = arith.constant 48 : index
      %get3A_951 = tpu.vector_load %arg8[%get3A_949, %get3A_950] {strides = array<i32>} : memref<200x64xf32, #tpu.memory_space<vmem>>, vector<16xf32>,
      %add3A_952 = arith.addf %add3A_932, %get3A_951 : vector<16xf32>
      %get3A_953 = arith.constant 196 : i32
      %get3A_954 = arith.index_cast %get3A_953 : i32 to index
      %get3A_955 = arith.constant 0 : index
      %get3A_956 = tpu.vector_load %arg8[%get3A_954, %get3A_955] {strides = array<i32>} : memref<200x64xf32, #tpu.memory_space<vmem>>, vector<16xf32>,
      %add3A_957 = arith.addf %add3A_937, %get3A_956 : vector<16xf32>
      %get3A_958 = arith.constant 196 : i32
      %get3A_959 = arith.index_cast %get3A_958 : i32 to index
      %get3A_960 = arith.constant 16 : index
      %get3A_961 = tpu.vector_load %arg8[%get3A_959, %get3A_960] {strides = array<i32>} : memref<200x64xf32, #tpu.memory_space<vmem>>, vector<16xf32>,
      %add3A_962 = arith.addf %add3A_942, %get3A_961 : vector<16xf32>
      %get3A_963 = arith.constant 196 : i32
      %get3A_964 = arith.index_cast %get3A_963 : i32 to index
      %get3A_965 = arith.constant 32 : index
      %get3A_966 = tpu.vector_load %arg8[%get3A_964, %get3A_965] {strides = array<i32>} : memref<200x64xf32, #tpu.memory_space<vmem>>, vector<16xf32>,
      %add3A_967 = arith.addf %add3A_947, %get3A_966 : vector<16xf32>
      %get3A_968 = arith.constant 196 : i32
      %get3A_969 = arith.index_cast %get3A_968 : i32 to index
      %get3A_970 = arith.constant 48 : index
      %get3A_971 = tpu.vector_load %arg8[%get3A_969, %get3A_970] {strides = array<i32>} : memref<200x64xf32, #tpu.memory_space<vmem>>, vector<16xf32>,
      %add3A_972 = arith.addf %add3A_952, %get3A_971 : vector<16xf32>
      %get3A_973 = arith.constant 197 : i32
      %get3A_974 = arith.index_cast %get3A_973 : i32 to index
      %get3A_975 = arith.constant 0 : index
      %get3A_976 = tpu.vector_load %arg8[%get3A_974, %get3A_975] {strides = array<i32>} : memref<200x64xf32, #tpu.memory_space<vmem>>, vector<16xf32>,
      %add3A_977 = arith.addf %add3A_957, %get3A_976 : vector<16xf32>
      %get3A_978 = arith.constant 197 : i32
      %get3A_979 = arith.index_cast %get3A_978 : i32 to index
      %get3A_980 = arith.constant 16 : index
      %get3A_981 = tpu.vector_load %arg8[%get3A_979, %get3A_980] {strides = array<i32>} : memref<200x64xf32, #tpu.memory_space<vmem>>, vector<16xf32>,
      %add3A_982 = arith.addf %add3A_962, %get3A_981 : vector<16xf32>
      %get3A_983 = arith.constant 197 : i32
      %get3A_984 = arith.index_cast %get3A_983 : i32 to index
      %get3A_985 = arith.constant 32 : index
      %get3A_986 = tpu.vector_load %arg8[%get3A_984, %get3A_985] {strides = array<i32>} : memref<200x64xf32, #tpu.memory_space<vmem>>, vector<16xf32>,
      %add3A_987 = arith.addf %add3A_967, %get3A_986 : vector<16xf32>
      %get3A_988 = arith.constant 197 : i32
      %get3A_989 = arith.index_cast %get3A_988 : i32 to index
      %get3A_990 = arith.constant 48 : index
      %get3A_991 = tpu.vector_load %arg8[%get3A_989, %get3A_990] {strides = array<i32>} : memref<200x64xf32, #tpu.memory_space<vmem>>, vector<16xf32>,
      %add3A_992 = arith.addf %add3A_972, %get3A_991 : vector<16xf32>
      %get3A_993 = arith.constant 198 : i32
      %get3A_994 = arith.index_cast %get3A_993 : i32 to index
      %get3A_995 = arith.constant 0 : index
      %get3A_996 = tpu.vector_load %arg8[%get3A_994, %get3A_995] {strides = array<i32>} : memref<200x64xf32, #tpu.memory_space<vmem>>, vector<16xf32>,
      %add3A_997 = arith.addf %add3A_977, %get3A_996 : vector<16xf32>
      %get3A_998 = arith.constant 198 : i32
      %get3A_999 = arith.index_cast %get3A_998 : i32 to index
      %get3A_1000 = arith.constant 16 : index
      %get3A_1001 = tpu.vector_load %arg8[%get3A_999, %get3A_1000] {strides = array<i32>} : memref<200x64xf32, #tpu.memory_space<vmem>>, vector<16xf32>,
      %add3A_1002 = arith.addf %add3A_982, %get3A_1001 : vector<16xf32>
      %get3A_1003 = arith.constant 198 : i32
      %get3A_1004 = arith.index_cast %get3A_1003 : i32 to index
      %get3A_1005 = arith.constant 32 : index
      %get3A_1006 = tpu.vector_load %arg8[%get3A_1004, %get3A_1005] {strides = array<i32>} : memref<200x64xf32, #tpu.memory_space<vmem>>, vector<16xf32>,
      %add3A_1007 = arith.addf %add3A_987, %get3A_1006 : vector<16xf32>
      %get3A_1008 = arith.constant 198 : i32
      %get3A_1009 = arith.index_cast %get3A_1008 : i32 to index
      %get3A_1010 = arith.constant 48 : index
      %get3A_1011 = tpu.vector_load %arg8[%get3A_1009, %get3A_1010] {strides = array<i32>} : memref<200x64xf32, #tpu.memory_space<vmem>>, vector<16xf32>,
      %add3A_1012 = arith.addf %add3A_992, %get3A_1011 : vector<16xf32>
      %get3A_1013 = arith.constant 199 : i32
      %get3A_1014 = arith.index_cast %get3A_1013 : i32 to index
      %get3A_1015 = arith.constant 0 : index
      %get3A_1016 = tpu.vector_load %arg8[%get3A_1014, %get3A_1015] {strides = array<i32>} : memref<200x64xf32, #tpu.memory_space<vmem>>, vector<16xf32>,
      %add3A_1017 = arith.addf %add3A_997, %get3A_1016 : vector<16xf32>
      %get3A_1018 = arith.constant 199 : i32
      %get3A_1019 = arith.index_cast %get3A_1018 : i32 to index
      %get3A_1020 = arith.constant 16 : index
      %get3A_1021 = tpu.vector_load %arg8[%get3A_1019, %get3A_1020] {strides = array<i32>} : memref<200x64xf32, #tpu.memory_space<vmem>>, vector<16xf32>,
      %add3A_1022 = arith.addf %add3A_1002, %get3A_1021 : vector<16xf32>
      %get3A_1023 = arith.constant 199 : i32
      %get3A_1024 = arith.index_cast %get3A_1023 : i32 to index
      %get3A_1025 = arith.constant 32 : index
      %get3A_1026 = tpu.vector_load %arg8[%get3A_1024, %get3A_1025] {strides = array<i32>} : memref<200x64xf32, #tpu.memory_space<vmem>>, vector<16xf32>,
      %add3A_1027 = arith.addf %add3A_1007, %get3A_1026 : vector<16xf32>
      %get3A_1028 = arith.constant 199 : i32
      %get3A_1029 = arith.index_cast %get3A_1028 : i32 to index
      %get3A_1030 = arith.constant 48 : index
      %get3A_1031 = tpu.vector_load %arg8[%get3A_1029, %get3A_1030] {strides = array<i32>} : memref<200x64xf32, #tpu.memory_space<vmem>>, vector<16xf32>,
      %add3A_1032 = arith.addf %add3A_1012, %get3A_1031 : vector<16xf32>
      %get3A_1033 = arith.index_cast %add3A_864 : i32 to index
      %get3A_1034 = arith.constant 184 : index
      %get3A_1035 = tpu.vector_load %arg6[%get3A_1033, %get3A_1034] {strides = array<i32>} : memref<128x200xi32, #tpu.memory_space<vmem>>, vector<16xi32>,
      %ne3A_1036 = arith.constant 0 : i32
      %ne3A_1037 = vector.broadcast %ne3A_1036 : i32 to vector<16xi32>
      %ne3A_1038 = arith.cmpi ne, %get3A_1035, %ne3A_1037 : vector<16xi32>
      %ge3A_1039 = arith.constant 8 : i32
      %ge3A_1040 = vector.broadcast %ge3A_1039 : i32 to vector<16xi32>
      %ge3A_1041 = arith.cmpi sge, %iota3A, %ge3A_1040 : vector<16xi32>
      %and3A_1042 = arith.andi %ne3A_1038, %ge3A_1041 : vector<16xi1>
      %jit3A_1043 = arith.constant 1 : i32
      %jit3A_1044 = arith.constant 0 : i32
      %broadcast_in_dim3A_1045 = vector.broadcast %jit3A_1043 : i32 to vector<16xi32>
      %broadcast_in_dim3A_1046 = vector.broadcast %jit3A_1044 : i32 to vector<16xi32>
      %select_n3A_1047 = arith.select %and3A_1042, %broadcast_in_dim3A_1045, %broadcast_in_dim3A_1046 : vector<16xi1>, vector<16xi32>
      %add3A_1048 = arith.addi %scan3A_871#4, %select_n3A_1047 : vector<16xi32>
      %slice3A_1049 = vector.extract_strided_slice %add3A_1048 {offsets = [0], sizes = [1], strides = [1]} : vector<16xi32> to vector<1xi32>
      %squeeze3A_1050 = vector.extract %slice3A_1049[0] : i32 from vector<1xi32>
      %slice3A_1051 = vector.extract_strided_slice %add3A_1048 {offsets = [1], sizes = [1], strides = [1]} : vector<16xi32> to vector<1xi32>
      %squeeze3A_1052 = vector.extract %slice3A_1051[0] : i32 from vector<1xi32>
      %add3A_1053 = arith.addi %squeeze3A_1050, %squeeze3A_1052 : i32
      %slice3A_1054 = vector.extract_strided_slice %add3A_1048 {offsets = [2], sizes = [1], strides = [1]} : vector<16xi32> to vector<1xi32>
      %squeeze3A_1055 = vector.extract %slice3A_1054[0] : i32 from vector<1xi32>
      %add3A_1056 = arith.addi %add3A_1053, %squeeze3A_1055 : i32
      %slice3A_1057 = vector.extract_strided_slice %add3A_1048 {offsets = [3], sizes = [1], strides = [1]} : vector<16xi32> to vector<1xi32>
      %squeeze3A_1058 = vector.extract %slice3A_1057[0] : i32 from vector<1xi32>
      %add3A_1059 = arith.addi %add3A_1056, %squeeze3A_1058 : i32
      %slice3A_1060 = vector.extract_strided_slice %add3A_1048 {offsets = [4], sizes = [1], strides = [1]} : vector<16xi32> to vector<1xi32>
      %squeeze3A_1061 = vector.extract %slice3A_1060[0] : i32 from vector<1xi32>
      %add3A_1062 = arith.addi %add3A_1059, %squeeze3A_1061 : i32
      %slice3A_1063 = vector.extract_strided_slice %add3A_1048 {offsets = [5], sizes = [1], strides = [1]} : vector<16xi32> to vector<1xi32>
      %squeeze3A_1064 = vector.extract %slice3A_1063[0] : i32 from vector<1xi32>
      %add3A_1065 = arith.addi %add3A_1062, %squeeze3A_1064 : i32
      %slice3A_1066 = vector.extract_strided_slice %add3A_1048 {offsets = [6], sizes = [1], strides = [1]} : vector<16xi32> to vector<1xi32>
      %squeeze3A_1067 = vector.extract %slice3A_1066[0] : i32 from vector<1xi32>
      %add3A_1068 = arith.addi %add3A_1065, %squeeze3A_1067 : i32
      %slice3A_1069 = vector.extract_strided_slice %add3A_1048 {offsets = [7], sizes = [1], strides = [1]} : vector<16xi32> to vector<1xi32>
      %squeeze3A_1070 = vector.extract %slice3A_1069[0] : i32 from vector<1xi32>
      %add3A_1071 = arith.addi %add3A_1068, %squeeze3A_1070 : i32
      %slice3A_1072 = vector.extract_strided_slice %add3A_1048 {offsets = [8], sizes = [1], strides = [1]} : vector<16xi32> to vector<1xi32>
      %squeeze3A_1073 = vector.extract %slice3A_1072[0] : i32 from vector<1xi32>
      %add3A_1074 = arith.addi %add3A_1071, %squeeze3A_1073 : i32
      %slice3A_1075 = vector.extract_strided_slice %add3A_1048 {offsets = [9], sizes = [1], strides = [1]} : vector<16xi32> to vector<1xi32>
      %squeeze3A_1076 = vector.extract %slice3A_1075[0] : i32 from vector<1xi32>
      %add3A_1077 = arith.addi %add3A_1074, %squeeze3A_1076 : i32
      %slice3A_1078 = vector.extract_strided_slice %add3A_1048 {offsets = [10], sizes = [1], strides = [1]} : vector<16xi32> to vector<1xi32>
      %squeeze3A_1079 = vector.extract %slice3A_1078[0] : i32 from vector<1xi32>
      %add3A_1080 = arith.addi %add3A_1077, %squeeze3A_1079 : i32
      %slice3A_1081 = vector.extract_strided_slice %add3A_1048 {offsets = [11], sizes = [1], strides = [1]} : vector<16xi32> to vector<1xi32>
      %squeeze3A_1082 = vector.extract %slice3A_1081[0] : i32 from vector<1xi32>
      %add3A_1083 = arith.addi %add3A_1080, %squeeze3A_1082 : i32
      %slice3A_1084 = vector.extract_strided_slice %add3A_1048 {offsets = [12], sizes = [1], strides = [1]} : vector<16xi32> to vector<1xi32>
      %squeeze3A_1085 = vector.extract %slice3A_1084[0] : i32 from vector<1xi32>
      %add3A_1086 = arith.addi %add3A_1083, %squeeze3A_1085 : i32
      %slice3A_1087 = vector.extract_strided_slice %add3A_1048 {offsets = [13], sizes = [1], strides = [1]} : vector<16xi32> to vector<1xi32>
      %squeeze3A_1088 = vector.extract %slice3A_1087[0] : i32 from vector<1xi32>
      %add3A_1089 = arith.addi %add3A_1086, %squeeze3A_1088 : i32
      %slice3A_1090 = vector.extract_strided_slice %add3A_1048 {offsets = [14], sizes = [1], strides = [1]} : vector<16xi32> to vector<1xi32>
      %squeeze3A_1091 = vector.extract %slice3A_1090[0] : i32 from vector<1xi32>
      %add3A_1092 = arith.addi %add3A_1089, %squeeze3A_1091 : i32
      %slice3A_1093 = vector.extract_strided_slice %add3A_1048 {offsets = [15], sizes = [1], strides = [1]} : vector<16xi32> to vector<1xi32>
      %squeeze3A_1094 = vector.extract %slice3A_1093[0] : i32 from vector<1xi32>
      %add3A_1095 = arith.addi %add3A_1092, %squeeze3A_1094 : i32
      %broadcast_in_dim3A_1096 = vector.broadcast %add3A_1095 : i32 to vector<16xi32>
      %gather3A_1097 = tpu.vector_load_idx %arg10[%broadcast_in_dim3A_1096] : memref<208xf32, #tpu.memory_space<vmem>>[vector<16xi32>], vector<16xf32>,
      %mul3A_1098 = arith.mulf %add3A_1017, %gather3A_1097 : vector<16xf32>
      %swap3A_1099 = arith.index_cast %add3A_864 : i32 to index
      %swap3A_1100 = arith.constant 0 : index
      %swap3A_1101 = tpu.vector_load %arg9[%swap3A_1099, %swap3A_1100] {strides = array<i32>} : memref<128x64xf32, #tpu.memory_space<vmem>>, vector<16xf32>,
      tpu.vector_store %arg9[%swap3A_1099, %swap3A_1100], %mul3A_1098 {strides = array<i32>} : memref<128x64xf32, #tpu.memory_space<vmem>>, vector<16xf32>,
      %mul3A_1102 = arith.mulf %add3A_1022, %gather3A_1097 : vector<16xf32>
      %swap3A_1103 = arith.index_cast %add3A_864 : i32 to index
      %swap3A_1104 = arith.constant 16 : index
      %swap3A_1105 = tpu.vector_load %arg9[%swap3A_1103, %swap3A_1104] {strides = array<i32>} : memref<128x64xf32, #tpu.memory_space<vmem>>, vector<16xf32>,
      tpu.vector_store %arg9[%swap3A_1103, %swap3A_1104], %mul3A_1102 {strides = array<i32>} : memref<128x64xf32, #tpu.memory_space<vmem>>, vector<16xf32>,
      %mul3A_1106 = arith.mulf %add3A_1027, %gather3A_1097 : vector<16xf32>
      %swap3A_1107 = arith.index_cast %add3A_864 : i32 to index
      %swap3A_1108 = arith.constant 32 : index
      %swap3A_1109 = tpu.vector_load %arg9[%swap3A_1107, %swap3A_1108] {strides = array<i32>} : memref<128x64xf32, #tpu.memory_space<vmem>>, vector<16xf32>,
      tpu.vector_store %arg9[%swap3A_1107, %swap3A_1108], %mul3A_1106 {strides = array<i32>} : memref<128x64xf32, #tpu.memory_space<vmem>>, vector<16xf32>,
      %mul3A_1110 = arith.mulf %add3A_1032, %gather3A_1097 : vector<16xf32>
      %swap3A_1111 = arith.index_cast %add3A_864 : i32 to index
      %swap3A_1112 = arith.constant 48 : index
      %swap3A_1113 = tpu.vector_load %arg9[%swap3A_1111, %swap3A_1112] {strides = array<i32>} : memref<128x64xf32, #tpu.memory_space<vmem>>, vector<16xf32>,
      tpu.vector_store %arg9[%swap3A_1111, %swap3A_1112], %mul3A_1110 {strides = array<i32>} : memref<128x64xf32, #tpu.memory_space<vmem>>, vector<16xf32>,
      %scan3A_1114 = arith.constant 0 : i32
      scf.yield %scan3A_1114 : i32
    }
    %scan3A_28 = arith.constant 63 : i32
    %dma_start3A_29 = arith.constant 127 : i32
    %dma_start3A_30 = arith.constant 0 : i32
    %dma_start3A_31 = arith.constant 0 : i32
    %dma_start3A_32 = tpu.memref_slice %arg8[%dma_start3A_30, %dma_start3A_31] : memref<200x64xf32, #tpu.memory_space<vmem>> -> memref<128x64xf32, #tpu.memory_space<vmem>>
    %dma_start3A_33 = arith.constant 0 : i32
    %dma_start3A_34 = tpu.memref_slice %arg6[%dma_start3A_29, %dma_start3A_33] : memref<128x200xi32, #tpu.memory_space<vmem>> -> memref<1x128xi32, #tpu.memory_space<vmem>>
    %dma_start3A_35 = tpu.memref_squeeze %dma_start3A_34 : memref<1x128xi32, #tpu.memory_space<vmem>> -> memref<128xi32, #tpu.memory_space<vmem>>
    %dma_start3A_36 = arith.constant 0 : i32
    %dma_start3A_37 = arith.constant 0 : i32
    %dma_start3A_38 = tpu.memref_slice %arg3[%dma_start3A_36, %dma_start3A_37] : memref<1000000x64xf32, #tpu.memory_space<hbm>> -> memref<1000000x64xf32, #tpu.memory_space<hbm>>
    tpu.enqueue_indirect_dma source(%dma_start3A_38 : memref<1000000x64xf32, #tpu.memory_space<hbm>>) target(%dma_start3A_32 : memref<128x64xf32, #tpu.memory_space<vmem>>) offsets(%dma_start3A_35 : memref<128xi32, #tpu.memory_space<vmem>>) semaphore(%arg12 : memref<!tpu.dma_semaphore, #tpu.memory_space<semaphore_mem>>)
    %dma_start3A_39 = arith.constant 127 : i32
    %dma_start3A_40 = arith.constant 128 : i32
    %dma_start3A_41 = arith.constant 0 : i32
    %dma_start3A_42 = tpu.memref_slice %arg8[%dma_start3A_40, %dma_start3A_41] : memref<200x64xf32, #tpu.memory_space<vmem>> -> memref<72x64xf32, #tpu.memory_space<vmem>>
    %dma_start3A_43 = arith.constant 128 : i32
    %dma_start3A_44 = tpu.memref_slice %arg6[%dma_start3A_39, %dma_start3A_43] : memref<128x200xi32, #tpu.memory_space<vmem>> -> memref<1x72xi32, #tpu.memory_space<vmem>>
    %dma_start3A_45 = tpu.memref_squeeze %dma_start3A_44 : memref<1x72xi32, #tpu.memory_space<vmem>> -> memref<72xi32, #tpu.memory_space<vmem>>
    %dma_start3A_46 = arith.constant 0 : i32
    %dma_start3A_47 = arith.constant 0 : i32
    %dma_start3A_48 = tpu.memref_slice %arg3[%dma_start3A_46, %dma_start3A_47] : memref<1000000x64xf32, #tpu.memory_space<hbm>> -> memref<1000000x64xf32, #tpu.memory_space<hbm>>
    tpu.enqueue_indirect_dma source(%dma_start3A_48 : memref<1000000x64xf32, #tpu.memory_space<hbm>>) target(%dma_start3A_42 : memref<72x64xf32, #tpu.memory_space<vmem>>) offsets(%dma_start3A_45 : memref<72xi32, #tpu.memory_space<vmem>>) semaphore(%arg12 : memref<!tpu.dma_semaphore, #tpu.memory_space<semaphore_mem>>)
    %dma_wait3A = arith.constant 0 : i32
    %dma_wait3A_49 = arith.constant 0 : i32
    %dma_wait3A_50 = tpu.memref_slice %arg3[%dma_wait3A, %dma_wait3A_49] : memref<1000000x64xf32, #tpu.memory_space<hbm>> -> memref<200x64xf32, #tpu.memory_space<hbm>>
    %dma_wait3A_51 = arith.constant 0 : i32
    %dma_wait3A_52 = arith.constant 0 : i32
    %dma_wait3A_53 = tpu.memref_slice %arg3[%dma_wait3A_51, %dma_wait3A_52] : memref<1000000x64xf32, #tpu.memory_space<hbm>> -> memref<200x64xf32, #tpu.memory_space<hbm>>
    tpu.wait_dma2 semaphore(%arg11 : memref<!tpu.dma_semaphore, #tpu.memory_space<semaphore_mem>>) src(%dma_wait3A_53 : memref<200x64xf32, #tpu.memory_space<hbm>>) dst(%arg7 : memref<200x64xf32, #tpu.memory_space<vmem>>)
    %broadcast_in_dim3A_54 = arith.constant 0 : i32
    %broadcast_in_dim3A_55 = vector.broadcast %broadcast_in_dim3A_54 : i32 to vector<16xi32>
    %scan3A_56 = arith.constant 0 : i32
    %scan3A_57 = arith.constant 12 : i32
    %scan3A_58 = arith.addi %scan3A_56, %scan3A_57 : i32
    %scan3A_59 = arith.constant 1 : i32
    %scan3A_60:5 = scf.for %scan3A_558 = %scan3A_56 to %scan3A_58 step %scan3A_59 iter_args(%scan3A_559 = %broadcast_in_dim3A_3, %scan3A_560 = %broadcast_in_dim3A_3, %scan3A_561 = %broadcast_in_dim3A_3, %scan3A_562 = %broadcast_in_dim3A_3, %scan3A_563 = %broadcast_in_dim3A_55) -> (vector<16xf32>, vector<16xf32>, vector<16xf32>, vector<16xf32>, vector<16xi32>)  : i32 {
      %mul3A_564 = arith.constant 16 : i32
      %mul3A_565 = arith.muli %scan3A_558, %mul3A_564 : i32
      %add3A_566 = arith.constant 0 : i32
      %add3A_567 = arith.addi %mul3A_565, %add3A_566 : i32
      %get3A_568 = arith.index_cast %add3A_567 : i32 to index
      %get3A_569 = arith.constant 0 : index
      %get3A_570 = tpu.vector_load %arg7[%get3A_568, %get3A_569] {strides = array<i32>} : memref<200x64xf32, #tpu.memory_space<vmem>>, vector<16xf32>,
      %add3A_571 = arith.addf %scan3A_559, %get3A_570 : vector<16xf32>
      %get3A_572 = arith.index_cast %add3A_567 : i32 to index
      %get3A_573 = arith.constant 16 : index
      %get3A_574 = tpu.vector_load %arg7[%get3A_572, %get3A_573] {strides = array<i32>} : memref<200x64xf32, #tpu.memory_space<vmem>>, vector<16xf32>,
      %add3A_575 = arith.addf %scan3A_560, %get3A_574 : vector<16xf32>
      %get3A_576 = arith.index_cast %add3A_567 : i32 to index
      %get3A_577 = arith.constant 32 : index
      %get3A_578 = tpu.vector_load %arg7[%get3A_576, %get3A_577] {strides = array<i32>} : memref<200x64xf32, #tpu.memory_space<vmem>>, vector<16xf32>,
      %add3A_579 = arith.addf %scan3A_561, %get3A_578 : vector<16xf32>
      %get3A_580 = arith.index_cast %add3A_567 : i32 to index
      %get3A_581 = arith.constant 48 : index
      %get3A_582 = tpu.vector_load %arg7[%get3A_580, %get3A_581] {strides = array<i32>} : memref<200x64xf32, #tpu.memory_space<vmem>>, vector<16xf32>,
      %add3A_583 = arith.addf %scan3A_562, %get3A_582 : vector<16xf32>
      %mul3A_584 = arith.constant 16 : i32
      %mul3A_585 = arith.muli %scan3A_558, %mul3A_584 : i32
      %add3A_586 = arith.constant 1 : i32
      %add3A_587 = arith.addi %mul3A_585, %add3A_586 : i32
      %get3A_588 = arith.index_cast %add3A_587 : i32 to index
      %get3A_589 = arith.constant 0 : index
      %get3A_590 = tpu.vector_load %arg7[%get3A_588, %get3A_589] {strides = array<i32>} : memref<200x64xf32, #tpu.memory_space<vmem>>, vector<16xf32>,
      %add3A_591 = arith.addf %add3A_571, %get3A_590 : vector<16xf32>
      %get3A_592 = arith.index_cast %add3A_587 : i32 to index
      %get3A_593 = arith.constant 16 : index
      %get3A_594 = tpu.vector_load %arg7[%get3A_592, %get3A_593] {strides = array<i32>} : memref<200x64xf32, #tpu.memory_space<vmem>>, vector<16xf32>,
      %add3A_595 = arith.addf %add3A_575, %get3A_594 : vector<16xf32>
      %get3A_596 = arith.index_cast %add3A_587 : i32 to index
      %get3A_597 = arith.constant 32 : index
      %get3A_598 = tpu.vector_load %arg7[%get3A_596, %get3A_597] {strides = array<i32>} : memref<200x64xf32, #tpu.memory_space<vmem>>, vector<16xf32>,
      %add3A_599 = arith.addf %add3A_579, %get3A_598 : vector<16xf32>
      %get3A_600 = arith.index_cast %add3A_587 : i32 to index
      %get3A_601 = arith.constant 48 : index
      %get3A_602 = tpu.vector_load %arg7[%get3A_600, %get3A_601] {strides = array<i32>} : memref<200x64xf32, #tpu.memory_space<vmem>>, vector<16xf32>,
      %add3A_603 = arith.addf %add3A_583, %get3A_602 : vector<16xf32>
      %mul3A_604 = arith.constant 16 : i32
      %mul3A_605 = arith.muli %scan3A_558, %mul3A_604 : i32
      %add3A_606 = arith.constant 2 : i32
      %add3A_607 = arith.addi %mul3A_605, %add3A_606 : i32
      %get3A_608 = arith.index_cast %add3A_607 : i32 to index
      %get3A_609 = arith.constant 0 : index
      %get3A_610 = tpu.vector_load %arg7[%get3A_608, %get3A_609] {strides = array<i32>} : memref<200x64xf32, #tpu.memory_space<vmem>>, vector<16xf32>,
      %add3A_611 = arith.addf %add3A_591, %get3A_610 : vector<16xf32>
      %get3A_612 = arith.index_cast %add3A_607 : i32 to index
      %get3A_613 = arith.constant 16 : index
      %get3A_614 = tpu.vector_load %arg7[%get3A_612, %get3A_613] {strides = array<i32>} : memref<200x64xf32, #tpu.memory_space<vmem>>, vector<16xf32>,
      %add3A_615 = arith.addf %add3A_595, %get3A_614 : vector<16xf32>
      %get3A_616 = arith.index_cast %add3A_607 : i32 to index
      %get3A_617 = arith.constant 32 : index
      %get3A_618 = tpu.vector_load %arg7[%get3A_616, %get3A_617] {strides = array<i32>} : memref<200x64xf32, #tpu.memory_space<vmem>>, vector<16xf32>,
      %add3A_619 = arith.addf %add3A_599, %get3A_618 : vector<16xf32>
      %get3A_620 = arith.index_cast %add3A_607 : i32 to index
      %get3A_621 = arith.constant 48 : index
      %get3A_622 = tpu.vector_load %arg7[%get3A_620, %get3A_621] {strides = array<i32>} : memref<200x64xf32, #tpu.memory_space<vmem>>, vector<16xf32>,
      %add3A_623 = arith.addf %add3A_603, %get3A_622 : vector<16xf32>
      %mul3A_624 = arith.constant 16 : i32
      %mul3A_625 = arith.muli %scan3A_558, %mul3A_624 : i32
      %add3A_626 = arith.constant 3 : i32
      %add3A_627 = arith.addi %mul3A_625, %add3A_626 : i32
      %get3A_628 = arith.index_cast %add3A_627 : i32 to index
      %get3A_629 = arith.constant 0 : index
      %get3A_630 = tpu.vector_load %arg7[%get3A_628, %get3A_629] {strides = array<i32>} : memref<200x64xf32, #tpu.memory_space<vmem>>, vector<16xf32>,
      %add3A_631 = arith.addf %add3A_611, %get3A_630 : vector<16xf32>
      %get3A_632 = arith.index_cast %add3A_627 : i32 to index
      %get3A_633 = arith.constant 16 : index
      %get3A_634 = tpu.vector_load %arg7[%get3A_632, %get3A_633] {strides = array<i32>} : memref<200x64xf32, #tpu.memory_space<vmem>>, vector<16xf32>,
      %add3A_635 = arith.addf %add3A_615, %get3A_634 : vector<16xf32>
      %get3A_636 = arith.index_cast %add3A_627 : i32 to index
      %get3A_637 = arith.constant 32 : index
      %get3A_638 = tpu.vector_load %arg7[%get3A_636, %get3A_637] {strides = array<i32>} : memref<200x64xf32, #tpu.memory_space<vmem>>, vector<16xf32>,
      %add3A_639 = arith.addf %add3A_619, %get3A_638 : vector<16xf32>
      %get3A_640 = arith.index_cast %add3A_627 : i32 to index
      %get3A_641 = arith.constant 48 : index
      %get3A_642 = tpu.vector_load %arg7[%get3A_640, %get3A_641] {strides = array<i32>} : memref<200x64xf32, #tpu.memory_space<vmem>>, vector<16xf32>,
      %add3A_643 = arith.addf %add3A_623, %get3A_642 : vector<16xf32>
      %mul3A_644 = arith.constant 16 : i32
      %mul3A_645 = arith.muli %scan3A_558, %mul3A_644 : i32
      %add3A_646 = arith.constant 4 : i32
      %add3A_647 = arith.addi %mul3A_645, %add3A_646 : i32
      %get3A_648 = arith.index_cast %add3A_647 : i32 to index
      %get3A_649 = arith.constant 0 : index
      %get3A_650 = tpu.vector_load %arg7[%get3A_648, %get3A_649] {strides = array<i32>} : memref<200x64xf32, #tpu.memory_space<vmem>>, vector<16xf32>,
      %add3A_651 = arith.addf %add3A_631, %get3A_650 : vector<16xf32>
      %get3A_652 = arith.index_cast %add3A_647 : i32 to index
      %get3A_653 = arith.constant 16 : index
      %get3A_654 = tpu.vector_load %arg7[%get3A_652, %get3A_653] {strides = array<i32>} : memref<200x64xf32, #tpu.memory_space<vmem>>, vector<16xf32>,
      %add3A_655 = arith.addf %add3A_635, %get3A_654 : vector<16xf32>
      %get3A_656 = arith.index_cast %add3A_647 : i32 to index
      %get3A_657 = arith.constant 32 : index
      %get3A_658 = tpu.vector_load %arg7[%get3A_656, %get3A_657] {strides = array<i32>} : memref<200x64xf32, #tpu.memory_space<vmem>>, vector<16xf32>,
      %add3A_659 = arith.addf %add3A_639, %get3A_658 : vector<16xf32>
      %get3A_660 = arith.index_cast %add3A_647 : i32 to index
      %get3A_661 = arith.constant 48 : index
      %get3A_662 = tpu.vector_load %arg7[%get3A_660, %get3A_661] {strides = array<i32>} : memref<200x64xf32, #tpu.memory_space<vmem>>, vector<16xf32>,
      %add3A_663 = arith.addf %add3A_643, %get3A_662 : vector<16xf32>
      %mul3A_664 = arith.constant 16 : i32
      %mul3A_665 = arith.muli %scan3A_558, %mul3A_664 : i32
      %add3A_666 = arith.constant 5 : i32
      %add3A_667 = arith.addi %mul3A_665, %add3A_666 : i32
      %get3A_668 = arith.index_cast %add3A_667 : i32 to index
      %get3A_669 = arith.constant 0 : index
      %get3A_670 = tpu.vector_load %arg7[%get3A_668, %get3A_669] {strides = array<i32>} : memref<200x64xf32, #tpu.memory_space<vmem>>, vector<16xf32>,
      %add3A_671 = arith.addf %add3A_651, %get3A_670 : vector<16xf32>
      %get3A_672 = arith.index_cast %add3A_667 : i32 to index
      %get3A_673 = arith.constant 16 : index
      %get3A_674 = tpu.vector_load %arg7[%get3A_672, %get3A_673] {strides = array<i32>} : memref<200x64xf32, #tpu.memory_space<vmem>>, vector<16xf32>,
      %add3A_675 = arith.addf %add3A_655, %get3A_674 : vector<16xf32>
      %get3A_676 = arith.index_cast %add3A_667 : i32 to index
      %get3A_677 = arith.constant 32 : index
      %get3A_678 = tpu.vector_load %arg7[%get3A_676, %get3A_677] {strides = array<i32>} : memref<200x64xf32, #tpu.memory_space<vmem>>, vector<16xf32>,
      %add3A_679 = arith.addf %add3A_659, %get3A_678 : vector<16xf32>
      %get3A_680 = arith.index_cast %add3A_667 : i32 to index
      %get3A_681 = arith.constant 48 : index
      %get3A_682 = tpu.vector_load %arg7[%get3A_680, %get3A_681] {strides = array<i32>} : memref<200x64xf32, #tpu.memory_space<vmem>>, vector<16xf32>,
      %add3A_683 = arith.addf %add3A_663, %get3A_682 : vector<16xf32>
      %mul3A_684 = arith.constant 16 : i32
      %mul3A_685 = arith.muli %scan3A_558, %mul3A_684 : i32
      %add3A_686 = arith.constant 6 : i32
      %add3A_687 = arith.addi %mul3A_685, %add3A_686 : i32
      %get3A_688 = arith.index_cast %add3A_687 : i32 to index
      %get3A_689 = arith.constant 0 : index
      %get3A_690 = tpu.vector_load %arg7[%get3A_688, %get3A_689] {strides = array<i32>} : memref<200x64xf32, #tpu.memory_space<vmem>>, vector<16xf32>,
      %add3A_691 = arith.addf %add3A_671, %get3A_690 : vector<16xf32>
      %get3A_692 = arith.index_cast %add3A_687 : i32 to index
      %get3A_693 = arith.constant 16 : index
      %get3A_694 = tpu.vector_load %arg7[%get3A_692, %get3A_693] {strides = array<i32>} : memref<200x64xf32, #tpu.memory_space<vmem>>, vector<16xf32>,
      %add3A_695 = arith.addf %add3A_675, %get3A_694 : vector<16xf32>
      %get3A_696 = arith.index_cast %add3A_687 : i32 to index
      %get3A_697 = arith.constant 32 : index
      %get3A_698 = tpu.vector_load %arg7[%get3A_696, %get3A_697] {strides = array<i32>} : memref<200x64xf32, #tpu.memory_space<vmem>>, vector<16xf32>,
      %add3A_699 = arith.addf %add3A_679, %get3A_698 : vector<16xf32>
      %get3A_700 = arith.index_cast %add3A_687 : i32 to index
      %get3A_701 = arith.constant 48 : index
      %get3A_702 = tpu.vector_load %arg7[%get3A_700, %get3A_701] {strides = array<i32>} : memref<200x64xf32, #tpu.memory_space<vmem>>, vector<16xf32>,
      %add3A_703 = arith.addf %add3A_683, %get3A_702 : vector<16xf32>
      %mul3A_704 = arith.constant 16 : i32
      %mul3A_705 = arith.muli %scan3A_558, %mul3A_704 : i32
      %add3A_706 = arith.constant 7 : i32
      %add3A_707 = arith.addi %mul3A_705, %add3A_706 : i32
      %get3A_708 = arith.index_cast %add3A_707 : i32 to index
      %get3A_709 = arith.constant 0 : index
      %get3A_710 = tpu.vector_load %arg7[%get3A_708, %get3A_709] {strides = array<i32>} : memref<200x64xf32, #tpu.memory_space<vmem>>, vector<16xf32>,
      %add3A_711 = arith.addf %add3A_691, %get3A_710 : vector<16xf32>
      %get3A_712 = arith.index_cast %add3A_707 : i32 to index
      %get3A_713 = arith.constant 16 : index
      %get3A_714 = tpu.vector_load %arg7[%get3A_712, %get3A_713] {strides = array<i32>} : memref<200x64xf32, #tpu.memory_space<vmem>>, vector<16xf32>,
      %add3A_715 = arith.addf %add3A_695, %get3A_714 : vector<16xf32>
      %get3A_716 = arith.index_cast %add3A_707 : i32 to index
      %get3A_717 = arith.constant 32 : index
      %get3A_718 = tpu.vector_load %arg7[%get3A_716, %get3A_717] {strides = array<i32>} : memref<200x64xf32, #tpu.memory_space<vmem>>, vector<16xf32>,
      %add3A_719 = arith.addf %add3A_699, %get3A_718 : vector<16xf32>
      %get3A_720 = arith.index_cast %add3A_707 : i32 to index
      %get3A_721 = arith.constant 48 : index
      %get3A_722 = tpu.vector_load %arg7[%get3A_720, %get3A_721] {strides = array<i32>} : memref<200x64xf32, #tpu.memory_space<vmem>>, vector<16xf32>,
      %add3A_723 = arith.addf %add3A_703, %get3A_722 : vector<16xf32>
      %mul3A_724 = arith.constant 16 : i32
      %mul3A_725 = arith.muli %scan3A_558, %mul3A_724 : i32
      %add3A_726 = arith.constant 8 : i32
      %add3A_727 = arith.addi %mul3A_725, %add3A_726 : i32
      %get3A_728 = arith.index_cast %add3A_727 : i32 to index
      %get3A_729 = arith.constant 0 : index
      %get3A_730 = tpu.vector_load %arg7[%get3A_728, %get3A_729] {strides = array<i32>} : memref<200x64xf32, #tpu.memory_space<vmem>>, vector<16xf32>,
      %add3A_731 = arith.addf %add3A_711, %get3A_730 : vector<16xf32>
      %get3A_732 = arith.index_cast %add3A_727 : i32 to index
      %get3A_733 = arith.constant 16 : index
      %get3A_734 = tpu.vector_load %arg7[%get3A_732, %get3A_733] {strides = array<i32>} : memref<200x64xf32, #tpu.memory_space<vmem>>, vector<16xf32>,
      %add3A_735 = arith.addf %add3A_715, %get3A_734 : vector<16xf32>
      %get3A_736 = arith.index_cast %add3A_727 : i32 to index
      %get3A_737 = arith.constant 32 : index
      %get3A_738 = tpu.vector_load %arg7[%get3A_736, %get3A_737] {strides = array<i32>} : memref<200x64xf32, #tpu.memory_space<vmem>>, vector<16xf32>,
      %add3A_739 = arith.addf %add3A_719, %get3A_738 : vector<16xf32>
      %get3A_740 = arith.index_cast %add3A_727 : i32 to index
      %get3A_741 = arith.constant 48 : index
      %get3A_742 = tpu.vector_load %arg7[%get3A_740, %get3A_741] {strides = array<i32>} : memref<200x64xf32, #tpu.memory_space<vmem>>, vector<16xf32>,
      %add3A_743 = arith.addf %add3A_723, %get3A_742 : vector<16xf32>
      %mul3A_744 = arith.constant 16 : i32
      %mul3A_745 = arith.muli %scan3A_558, %mul3A_744 : i32
      %add3A_746 = arith.constant 9 : i32
      %add3A_747 = arith.addi %mul3A_745, %add3A_746 : i32
      %get3A_748 = arith.index_cast %add3A_747 : i32 to index
      %get3A_749 = arith.constant 0 : index
      %get3A_750 = tpu.vector_load %arg7[%get3A_748, %get3A_749] {strides = array<i32>} : memref<200x64xf32, #tpu.memory_space<vmem>>, vector<16xf32>,
      %add3A_751 = arith.addf %add3A_731, %get3A_750 : vector<16xf32>
      %get3A_752 = arith.index_cast %add3A_747 : i32 to index
      %get3A_753 = arith.constant 16 : index
      %get3A_754 = tpu.vector_load %arg7[%get3A_752, %get3A_753] {strides = array<i32>} : memref<200x64xf32, #tpu.memory_space<vmem>>, vector<16xf32>,
      %add3A_755 = arith.addf %add3A_735, %get3A_754 : vector<16xf32>
      %get3A_756 = arith.index_cast %add3A_747 : i32 to index
      %get3A_757 = arith.constant 32 : index
      %get3A_758 = tpu.vector_load %arg7[%get3A_756, %get3A_757] {strides = array<i32>} : memref<200x64xf32, #tpu.memory_space<vmem>>, vector<16xf32>,
      %add3A_759 = arith.addf %add3A_739, %get3A_758 : vector<16xf32>
      %get3A_760 = arith.index_cast %add3A_747 : i32 to index
      %get3A_761 = arith.constant 48 : index
      %get3A_762 = tpu.vector_load %arg7[%get3A_760, %get3A_761] {strides = array<i32>} : memref<200x64xf32, #tpu.memory_space<vmem>>, vector<16xf32>,
      %add3A_763 = arith.addf %add3A_743, %get3A_762 : vector<16xf32>
      %mul3A_764 = arith.constant 16 : i32
      %mul3A_765 = arith.muli %scan3A_558, %mul3A_764 : i32
      %add3A_766 = arith.constant 10 : i32
      %add3A_767 = arith.addi %mul3A_765, %add3A_766 : i32
      %get3A_768 = arith.index_cast %add3A_767 : i32 to index
      %get3A_769 = arith.constant 0 : index
      %get3A_770 = tpu.vector_load %arg7[%get3A_768, %get3A_769] {strides = array<i32>} : memref<200x64xf32, #tpu.memory_space<vmem>>, vector<16xf32>,
      %add3A_771 = arith.addf %add3A_751, %get3A_770 : vector<16xf32>
      %get3A_772 = arith.index_cast %add3A_767 : i32 to index
      %get3A_773 = arith.constant 16 : index
      %get3A_774 = tpu.vector_load %arg7[%get3A_772, %get3A_773] {strides = array<i32>} : memref<200x64xf32, #tpu.memory_space<vmem>>, vector<16xf32>,
      %add3A_775 = arith.addf %add3A_755, %get3A_774 : vector<16xf32>
      %get3A_776 = arith.index_cast %add3A_767 : i32 to index
      %get3A_777 = arith.constant 32 : index
      %get3A_778 = tpu.vector_load %arg7[%get3A_776, %get3A_777] {strides = array<i32>} : memref<200x64xf32, #tpu.memory_space<vmem>>, vector<16xf32>,
      %add3A_779 = arith.addf %add3A_759, %get3A_778 : vector<16xf32>
      %get3A_780 = arith.index_cast %add3A_767 : i32 to index
      %get3A_781 = arith.constant 48 : index
      %get3A_782 = tpu.vector_load %arg7[%get3A_780, %get3A_781] {strides = array<i32>} : memref<200x64xf32, #tpu.memory_space<vmem>>, vector<16xf32>,
      %add3A_783 = arith.addf %add3A_763, %get3A_782 : vector<16xf32>
      %mul3A_784 = arith.constant 16 : i32
      %mul3A_785 = arith.muli %scan3A_558, %mul3A_784 : i32
      %add3A_786 = arith.constant 11 : i32
      %add3A_787 = arith.addi %mul3A_785, %add3A_786 : i32
      %get3A_788 = arith.index_cast %add3A_787 : i32 to index
      %get3A_789 = arith.constant 0 : index
      %get3A_790 = tpu.vector_load %arg7[%get3A_788, %get3A_789] {strides = array<i32>} : memref<200x64xf32, #tpu.memory_space<vmem>>, vector<16xf32>,
      %add3A_791 = arith.addf %add3A_771, %get3A_790 : vector<16xf32>
      %get3A_792 = arith.index_cast %add3A_787 : i32 to index
      %get3A_793 = arith.constant 16 : index
      %get3A_794 = tpu.vector_load %arg7[%get3A_792, %get3A_793] {strides = array<i32>} : memref<200x64xf32, #tpu.memory_space<vmem>>, vector<16xf32>,
      %add3A_795 = arith.addf %add3A_775, %get3A_794 : vector<16xf32>
      %get3A_796 = arith.index_cast %add3A_787 : i32 to index
      %get3A_797 = arith.constant 32 : index
      %get3A_798 = tpu.vector_load %arg7[%get3A_796, %get3A_797] {strides = array<i32>} : memref<200x64xf32, #tpu.memory_space<vmem>>, vector<16xf32>,
      %add3A_799 = arith.addf %add3A_779, %get3A_798 : vector<16xf32>
      %get3A_800 = arith.index_cast %add3A_787 : i32 to index
      %get3A_801 = arith.constant 48 : index
      %get3A_802 = tpu.vector_load %arg7[%get3A_800, %get3A_801] {strides = array<i32>} : memref<200x64xf32, #tpu.memory_space<vmem>>, vector<16xf32>,
      %add3A_803 = arith.addf %add3A_783, %get3A_802 : vector<16xf32>
      %mul3A_804 = arith.constant 16 : i32
      %mul3A_805 = arith.muli %scan3A_558, %mul3A_804 : i32
      %add3A_806 = arith.constant 12 : i32
      %add3A_807 = arith.addi %mul3A_805, %add3A_806 : i32
      %get3A_808 = arith.index_cast %add3A_807 : i32 to index
      %get3A_809 = arith.constant 0 : index
      %get3A_810 = tpu.vector_load %arg7[%get3A_808, %get3A_809] {strides = array<i32>} : memref<200x64xf32, #tpu.memory_space<vmem>>, vector<16xf32>,
      %add3A_811 = arith.addf %add3A_791, %get3A_810 : vector<16xf32>
      %get3A_812 = arith.index_cast %add3A_807 : i32 to index
      %get3A_813 = arith.constant 16 : index
      %get3A_814 = tpu.vector_load %arg7[%get3A_812, %get3A_813] {strides = array<i32>} : memref<200x64xf32, #tpu.memory_space<vmem>>, vector<16xf32>,
      %add3A_815 = arith.addf %add3A_795, %get3A_814 : vector<16xf32>
      %get3A_816 = arith.index_cast %add3A_807 : i32 to index
      %get3A_817 = arith.constant 32 : index
      %get3A_818 = tpu.vector_load %arg7[%get3A_816, %get3A_817] {strides = array<i32>} : memref<200x64xf32, #tpu.memory_space<vmem>>, vector<16xf32>,
      %add3A_819 = arith.addf %add3A_799, %get3A_818 : vector<16xf32>
      %get3A_820 = arith.index_cast %add3A_807 : i32 to index
      %get3A_821 = arith.constant 48 : index
      %get3A_822 = tpu.vector_load %arg7[%get3A_820, %get3A_821] {strides = array<i32>} : memref<200x64xf32, #tpu.memory_space<vmem>>, vector<16xf32>,
      %add3A_823 = arith.addf %add3A_803, %get3A_822 : vector<16xf32>
      %mul3A_824 = arith.constant 16 : i32
      %mul3A_825 = arith.muli %scan3A_558, %mul3A_824 : i32
      %add3A_826 = arith.constant 13 : i32
      %add3A_827 = arith.addi %mul3A_825, %add3A_826 : i32
      %get3A_828 = arith.index_cast %add3A_827 : i32 to index
      %get3A_829 = arith.constant 0 : index
      %get3A_830 = tpu.vector_load %arg7[%get3A_828, %get3A_829] {strides = array<i32>} : memref<200x64xf32, #tpu.memory_space<vmem>>, vector<16xf32>,
      %add3A_831 = arith.addf %add3A_811, %get3A_830 : vector<16xf32>
      %get3A_832 = arith.index_cast %add3A_827 : i32 to index
      %get3A_833 = arith.constant 16 : index
      %get3A_834 = tpu.vector_load %arg7[%get3A_832, %get3A_833] {strides = array<i32>} : memref<200x64xf32, #tpu.memory_space<vmem>>, vector<16xf32>,
      %add3A_835 = arith.addf %add3A_815, %get3A_834 : vector<16xf32>
      %get3A_836 = arith.index_cast %add3A_827 : i32 to index
      %get3A_837 = arith.constant 32 : index
      %get3A_838 = tpu.vector_load %arg7[%get3A_836, %get3A_837] {strides = array<i32>} : memref<200x64xf32, #tpu.memory_space<vmem>>, vector<16xf32>,
      %add3A_839 = arith.addf %add3A_819, %get3A_838 : vector<16xf32>
      %get3A_840 = arith.index_cast %add3A_827 : i32 to index
      %get3A_841 = arith.constant 48 : index
      %get3A_842 = tpu.vector_load %arg7[%get3A_840, %get3A_841] {strides = array<i32>} : memref<200x64xf32, #tpu.memory_space<vmem>>, vector<16xf32>,
      %add3A_843 = arith.addf %add3A_823, %get3A_842 : vector<16xf32>
      %mul3A_844 = arith.constant 16 : i32
      %mul3A_845 = arith.muli %scan3A_558, %mul3A_844 : i32
      %add3A_846 = arith.constant 14 : i32
      %add3A_847 = arith.addi %mul3A_845, %add3A_846 : i32
      %get3A_848 = arith.index_cast %add3A_847 : i32 to index
      %get3A_849 = arith.constant 0 : index
      %get3A_850 = tpu.vector_load %arg7[%get3A_848, %get3A_849] {strides = array<i32>} : memref<200x64xf32, #tpu.memory_space<vmem>>, vector<16xf32>,
      %add3A_851 = arith.addf %add3A_831, %get3A_850 : vector<16xf32>
      %get3A_852 = arith.index_cast %add3A_847 : i32 to index
      %get3A_853 = arith.constant 16 : index
      %get3A_854 = tpu.vector_load %arg7[%get3A_852, %get3A_853] {strides = array<i32>} : memref<200x64xf32, #tpu.memory_space<vmem>>, vector<16xf32>,
      %add3A_855 = arith.addf %add3A_835, %get3A_854 : vector<16xf32>
      %get3A_856 = arith.index_cast %add3A_847 : i32 to index
      %get3A_857 = arith.constant 32 : index
      %get3A_858 = tpu.vector_load %arg7[%get3A_856, %get3A_857] {strides = array<i32>} : memref<200x64xf32, #tpu.memory_space<vmem>>, vector<16xf32>,
      %add3A_859 = arith.addf %add3A_839, %get3A_858 : vector<16xf32>
      %get3A_860 = arith.index_cast %add3A_847 : i32 to index
      %get3A_861 = arith.constant 48 : index
      %get3A_862 = tpu.vector_load %arg7[%get3A_860, %get3A_861] {strides = array<i32>} : memref<200x64xf32, #tpu.memory_space<vmem>>, vector<16xf32>,
      %add3A_863 = arith.addf %add3A_843, %get3A_862 : vector<16xf32>
      %mul3A_864 = arith.constant 16 : i32
      %mul3A_865 = arith.muli %scan3A_558, %mul3A_864 : i32
      %add3A_866 = arith.constant 15 : i32
      %add3A_867 = arith.addi %mul3A_865, %add3A_866 : i32
      %get3A_868 = arith.index_cast %add3A_867 : i32 to index
      %get3A_869 = arith.constant 0 : index
      %get3A_870 = tpu.vector_load %arg7[%get3A_868, %get3A_869] {strides = array<i32>} : memref<200x64xf32, #tpu.memory_space<vmem>>, vector<16xf32>,
      %add3A_871 = arith.addf %add3A_851, %get3A_870 : vector<16xf32>
      %get3A_872 = arith.index_cast %add3A_867 : i32 to index
      %get3A_873 = arith.constant 16 : index
      %get3A_874 = tpu.vector_load %arg7[%get3A_872, %get3A_873] {strides = array<i32>} : memref<200x64xf32, #tpu.memory_space<vmem>>, vector<16xf32>,
      %add3A_875 = arith.addf %add3A_855, %get3A_874 : vector<16xf32>
      %get3A_876 = arith.index_cast %add3A_867 : i32 to index
      %get3A_877 = arith.constant 32 : index
      %get3A_878 = tpu.vector_load %arg7[%get3A_876, %get3A_877] {strides = array<i32>} : memref<200x64xf32, #tpu.memory_space<vmem>>, vector<16xf32>,
      %add3A_879 = arith.addf %add3A_859, %get3A_878 : vector<16xf32>
      %get3A_880 = arith.index_cast %add3A_867 : i32 to index
      %get3A_881 = arith.constant 48 : index
      %get3A_882 = tpu.vector_load %arg7[%get3A_880, %get3A_881] {strides = array<i32>} : memref<200x64xf32, #tpu.memory_space<vmem>>, vector<16xf32>,
      %add3A_883 = arith.addf %add3A_863, %get3A_882 : vector<16xf32>
      %mul3A_884 = arith.constant 16 : i32
      %mul3A_885 = arith.muli %scan3A_558, %mul3A_884 : i32
      %get3A_886 = arith.constant 126 : i32
      %get3A_887 = arith.index_cast %get3A_886 : i32 to index
      %get3A_888 = arith.index_cast %mul3A_885 : i32 to index
      %get3A_889 = tpu.vector_load %arg6[%get3A_887, %get3A_888] {strides = array<i32>} : memref<128x200xi32, #tpu.memory_space<vmem>>, vector<16xi32>,
      %ne3A_890 = arith.constant 0 : i32
      %ne3A_891 = vector.broadcast %ne3A_890 : i32 to vector<16xi32>
      %ne3A_892 = arith.cmpi ne, %get3A_889, %ne3A_891 : vector<16xi32>
      %jit3A_893 = arith.constant 1 : i32
      %jit3A_894 = arith.constant 0 : i32
      %broadcast_in_dim3A_895 = vector.broadcast %jit3A_893 : i32 to vector<16xi32>
      %broadcast_in_dim3A_896 = vector.broadcast %jit3A_894 : i32 to vector<16xi32>
      %select_n3A_897 = arith.select %ne3A_892, %broadcast_in_dim3A_895, %broadcast_in_dim3A_896 : vector<16xi1>, vector<16xi32>
      %add3A_898 = arith.addi %scan3A_563, %select_n3A_897 : vector<16xi32>
      scf.yield %add3A_871, %add3A_875, %add3A_879, %add3A_883, %add3A_898 : vector<16xf32>, vector<16xf32>, vector<16xf32>, vector<16xf32>, vector<16xi32>
    }
    %scan3A_61 = arith.constant 12 : i32
    %get3A = arith.constant 192 : i32
    %get3A_62 = arith.index_cast %get3A : i32 to index
    %get3A_63 = arith.constant 0 : index
    %get3A_64 = tpu.vector_load %arg7[%get3A_62, %get3A_63] {strides = array<i32>} : memref<200x64xf32, #tpu.memory_space<vmem>>, vector<16xf32>,
    %add3A_65 = arith.addf %scan3A_60#0, %get3A_64 : vector<16xf32>
    %get3A_66 = arith.constant 192 : i32
    %get3A_67 = arith.index_cast %get3A_66 : i32 to index
    %get3A_68 = arith.constant 16 : index
    %get3A_69 = tpu.vector_load %arg7[%get3A_67, %get3A_68] {strides = array<i32>} : memref<200x64xf32, #tpu.memory_space<vmem>>, vector<16xf32>,
    %add3A_70 = arith.addf %scan3A_60#1, %get3A_69 : vector<16xf32>
    %get3A_71 = arith.constant 192 : i32
    %get3A_72 = arith.index_cast %get3A_71 : i32 to index
    %get3A_73 = arith.constant 32 : index
    %get3A_74 = tpu.vector_load %arg7[%get3A_72, %get3A_73] {strides = array<i32>} : memref<200x64xf32, #tpu.memory_space<vmem>>, vector<16xf32>,
    %add3A_75 = arith.addf %scan3A_60#2, %get3A_74 : vector<16xf32>
    %get3A_76 = arith.constant 192 : i32
    %get3A_77 = arith.index_cast %get3A_76 : i32 to index
    %get3A_78 = arith.constant 48 : index
    %get3A_79 = tpu.vector_load %arg7[%get3A_77, %get3A_78] {strides = array<i32>} : memref<200x64xf32, #tpu.memory_space<vmem>>, vector<16xf32>,
    %add3A_80 = arith.addf %scan3A_60#3, %get3A_79 : vector<16xf32>
    %get3A_81 = arith.constant 193 : i32
    %get3A_82 = arith.index_cast %get3A_81 : i32 to index
    %get3A_83 = arith.constant 0 : index
    %get3A_84 = tpu.vector_load %arg7[%get3A_82, %get3A_83] {strides = array<i32>} : memref<200x64xf32, #tpu.memory_space<vmem>>, vector<16xf32>,
    %add3A_85 = arith.addf %add3A_65, %get3A_84 : vector<16xf32>
    %get3A_86 = arith.constant 193 : i32
    %get3A_87 = arith.index_cast %get3A_86 : i32 to index
    %get3A_88 = arith.constant 16 : index
    %get3A_89 = tpu.vector_load %arg7[%get3A_87, %get3A_88] {strides = array<i32>} : memref<200x64xf32, #tpu.memory_space<vmem>>, vector<16xf32>,
    %add3A_90 = arith.addf %add3A_70, %get3A_89 : vector<16xf32>
    %get3A_91 = arith.constant 193 : i32
    %get3A_92 = arith.index_cast %get3A_91 : i32 to index
    %get3A_93 = arith.constant 32 : index
    %get3A_94 = tpu.vector_load %arg7[%get3A_92, %get3A_93] {strides = array<i32>} : memref<200x64xf32, #tpu.memory_space<vmem>>, vector<16xf32>,
    %add3A_95 = arith.addf %add3A_75, %get3A_94 : vector<16xf32>
    %get3A_96 = arith.constant 193 : i32
    %get3A_97 = arith.index_cast %get3A_96 : i32 to index
    %get3A_98 = arith.constant 48 : index
    %get3A_99 = tpu.vector_load %arg7[%get3A_97, %get3A_98] {strides = array<i32>} : memref<200x64xf32, #tpu.memory_space<vmem>>, vector<16xf32>,
    %add3A_100 = arith.addf %add3A_80, %get3A_99 : vector<16xf32>
    %get3A_101 = arith.constant 194 : i32
    %get3A_102 = arith.index_cast %get3A_101 : i32 to index
    %get3A_103 = arith.constant 0 : index
    %get3A_104 = tpu.vector_load %arg7[%get3A_102, %get3A_103] {strides = array<i32>} : memref<200x64xf32, #tpu.memory_space<vmem>>, vector<16xf32>,
    %add3A_105 = arith.addf %add3A_85, %get3A_104 : vector<16xf32>
    %get3A_106 = arith.constant 194 : i32
    %get3A_107 = arith.index_cast %get3A_106 : i32 to index
    %get3A_108 = arith.constant 16 : index
    %get3A_109 = tpu.vector_load %arg7[%get3A_107, %get3A_108] {strides = array<i32>} : memref<200x64xf32, #tpu.memory_space<vmem>>, vector<16xf32>,
    %add3A_110 = arith.addf %add3A_90, %get3A_109 : vector<16xf32>
    %get3A_111 = arith.constant 194 : i32
    %get3A_112 = arith.index_cast %get3A_111 : i32 to index
    %get3A_113 = arith.constant 32 : index
    %get3A_114 = tpu.vector_load %arg7[%get3A_112, %get3A_113] {strides = array<i32>} : memref<200x64xf32, #tpu.memory_space<vmem>>, vector<16xf32>,
    %add3A_115 = arith.addf %add3A_95, %get3A_114 : vector<16xf32>
    %get3A_116 = arith.constant 194 : i32
    %get3A_117 = arith.index_cast %get3A_116 : i32 to index
    %get3A_118 = arith.constant 48 : index
    %get3A_119 = tpu.vector_load %arg7[%get3A_117, %get3A_118] {strides = array<i32>} : memref<200x64xf32, #tpu.memory_space<vmem>>, vector<16xf32>,
    %add3A_120 = arith.addf %add3A_100, %get3A_119 : vector<16xf32>
    %get3A_121 = arith.constant 195 : i32
    %get3A_122 = arith.index_cast %get3A_121 : i32 to index
    %get3A_123 = arith.constant 0 : index
    %get3A_124 = tpu.vector_load %arg7[%get3A_122, %get3A_123] {strides = array<i32>} : memref<200x64xf32, #tpu.memory_space<vmem>>, vector<16xf32>,
    %add3A_125 = arith.addf %add3A_105, %get3A_124 : vector<16xf32>
    %get3A_126 = arith.constant 195 : i32
    %get3A_127 = arith.index_cast %get3A_126 : i32 to index
    %get3A_128 = arith.constant 16 : index
    %get3A_129 = tpu.vector_load %arg7[%get3A_127, %get3A_128] {strides = array<i32>} : memref<200x64xf32, #tpu.memory_space<vmem>>, vector<16xf32>,
    %add3A_130 = arith.addf %add3A_110, %get3A_129 : vector<16xf32>
    %get3A_131 = arith.constant 195 : i32
    %get3A_132 = arith.index_cast %get3A_131 : i32 to index
    %get3A_133 = arith.constant 32 : index
    %get3A_134 = tpu.vector_load %arg7[%get3A_132, %get3A_133] {strides = array<i32>} : memref<200x64xf32, #tpu.memory_space<vmem>>, vector<16xf32>,
    %add3A_135 = arith.addf %add3A_115, %get3A_134 : vector<16xf32>
    %get3A_136 = arith.constant 195 : i32
    %get3A_137 = arith.index_cast %get3A_136 : i32 to index
    %get3A_138 = arith.constant 48 : index
    %get3A_139 = tpu.vector_load %arg7[%get3A_137, %get3A_138] {strides = array<i32>} : memref<200x64xf32, #tpu.memory_space<vmem>>, vector<16xf32>,
    %add3A_140 = arith.addf %add3A_120, %get3A_139 : vector<16xf32>
    %get3A_141 = arith.constant 196 : i32
    %get3A_142 = arith.index_cast %get3A_141 : i32 to index
    %get3A_143 = arith.constant 0 : index
    %get3A_144 = tpu.vector_load %arg7[%get3A_142, %get3A_143] {strides = array<i32>} : memref<200x64xf32, #tpu.memory_space<vmem>>, vector<16xf32>,
    %add3A_145 = arith.addf %add3A_125, %get3A_144 : vector<16xf32>
    %get3A_146 = arith.constant 196 : i32
    %get3A_147 = arith.index_cast %get3A_146 : i32 to index
    %get3A_148 = arith.constant 16 : index
    %get3A_149 = tpu.vector_load %arg7[%get3A_147, %get3A_148] {strides = array<i32>} : memref<200x64xf32, #tpu.memory_space<vmem>>, vector<16xf32>,
    %add3A_150 = arith.addf %add3A_130, %get3A_149 : vector<16xf32>
    %get3A_151 = arith.constant 196 : i32
    %get3A_152 = arith.index_cast %get3A_151 : i32 to index
    %get3A_153 = arith.constant 32 : index
    %get3A_154 = tpu.vector_load %arg7[%get3A_152, %get3A_153] {strides = array<i32>} : memref<200x64xf32, #tpu.memory_space<vmem>>, vector<16xf32>,
    %add3A_155 = arith.addf %add3A_135, %get3A_154 : vector<16xf32>
    %get3A_156 = arith.constant 196 : i32
    %get3A_157 = arith.index_cast %get3A_156 : i32 to index
    %get3A_158 = arith.constant 48 : index
    %get3A_159 = tpu.vector_load %arg7[%get3A_157, %get3A_158] {strides = array<i32>} : memref<200x64xf32, #tpu.memory_space<vmem>>, vector<16xf32>,
    %add3A_160 = arith.addf %add3A_140, %get3A_159 : vector<16xf32>
    %get3A_161 = arith.constant 197 : i32
    %get3A_162 = arith.index_cast %get3A_161 : i32 to index
    %get3A_163 = arith.constant 0 : index
    %get3A_164 = tpu.vector_load %arg7[%get3A_162, %get3A_163] {strides = array<i32>} : memref<200x64xf32, #tpu.memory_space<vmem>>, vector<16xf32>,
    %add3A_165 = arith.addf %add3A_145, %get3A_164 : vector<16xf32>
    %get3A_166 = arith.constant 197 : i32
    %get3A_167 = arith.index_cast %get3A_166 : i32 to index
    %get3A_168 = arith.constant 16 : index
    %get3A_169 = tpu.vector_load %arg7[%get3A_167, %get3A_168] {strides = array<i32>} : memref<200x64xf32, #tpu.memory_space<vmem>>, vector<16xf32>,
    %add3A_170 = arith.addf %add3A_150, %get3A_169 : vector<16xf32>
    %get3A_171 = arith.constant 197 : i32
    %get3A_172 = arith.index_cast %get3A_171 : i32 to index
    %get3A_173 = arith.constant 32 : index
    %get3A_174 = tpu.vector_load %arg7[%get3A_172, %get3A_173] {strides = array<i32>} : memref<200x64xf32, #tpu.memory_space<vmem>>, vector<16xf32>,
    %add3A_175 = arith.addf %add3A_155, %get3A_174 : vector<16xf32>
    %get3A_176 = arith.constant 197 : i32
    %get3A_177 = arith.index_cast %get3A_176 : i32 to index
    %get3A_178 = arith.constant 48 : index
    %get3A_179 = tpu.vector_load %arg7[%get3A_177, %get3A_178] {strides = array<i32>} : memref<200x64xf32, #tpu.memory_space<vmem>>, vector<16xf32>,
    %add3A_180 = arith.addf %add3A_160, %get3A_179 : vector<16xf32>
    %get3A_181 = arith.constant 198 : i32
    %get3A_182 = arith.index_cast %get3A_181 : i32 to index
    %get3A_183 = arith.constant 0 : index
    %get3A_184 = tpu.vector_load %arg7[%get3A_182, %get3A_183] {strides = array<i32>} : memref<200x64xf32, #tpu.memory_space<vmem>>, vector<16xf32>,
    %add3A_185 = arith.addf %add3A_165, %get3A_184 : vector<16xf32>
    %get3A_186 = arith.constant 198 : i32
    %get3A_187 = arith.index_cast %get3A_186 : i32 to index
    %get3A_188 = arith.constant 16 : index
    %get3A_189 = tpu.vector_load %arg7[%get3A_187, %get3A_188] {strides = array<i32>} : memref<200x64xf32, #tpu.memory_space<vmem>>, vector<16xf32>,
    %add3A_190 = arith.addf %add3A_170, %get3A_189 : vector<16xf32>
    %get3A_191 = arith.constant 198 : i32
    %get3A_192 = arith.index_cast %get3A_191 : i32 to index
    %get3A_193 = arith.constant 32 : index
    %get3A_194 = tpu.vector_load %arg7[%get3A_192, %get3A_193] {strides = array<i32>} : memref<200x64xf32, #tpu.memory_space<vmem>>, vector<16xf32>,
    %add3A_195 = arith.addf %add3A_175, %get3A_194 : vector<16xf32>
    %get3A_196 = arith.constant 198 : i32
    %get3A_197 = arith.index_cast %get3A_196 : i32 to index
    %get3A_198 = arith.constant 48 : index
    %get3A_199 = tpu.vector_load %arg7[%get3A_197, %get3A_198] {strides = array<i32>} : memref<200x64xf32, #tpu.memory_space<vmem>>, vector<16xf32>,
    %add3A_200 = arith.addf %add3A_180, %get3A_199 : vector<16xf32>
    %get3A_201 = arith.constant 199 : i32
    %get3A_202 = arith.index_cast %get3A_201 : i32 to index
    %get3A_203 = arith.constant 0 : index
    %get3A_204 = tpu.vector_load %arg7[%get3A_202, %get3A_203] {strides = array<i32>} : memref<200x64xf32, #tpu.memory_space<vmem>>, vector<16xf32>,
    %add3A_205 = arith.addf %add3A_185, %get3A_204 : vector<16xf32>
    %get3A_206 = arith.constant 199 : i32
    %get3A_207 = arith.index_cast %get3A_206 : i32 to index
    %get3A_208 = arith.constant 16 : index
    %get3A_209 = tpu.vector_load %arg7[%get3A_207, %get3A_208] {strides = array<i32>} : memref<200x64xf32, #tpu.memory_space<vmem>>, vector<16xf32>,
    %add3A_210 = arith.addf %add3A_190, %get3A_209 : vector<16xf32>
    %get3A_211 = arith.constant 199 : i32
    %get3A_212 = arith.index_cast %get3A_211 : i32 to index
    %get3A_213 = arith.constant 32 : index
    %get3A_214 = tpu.vector_load %arg7[%get3A_212, %get3A_213] {strides = array<i32>} : memref<200x64xf32, #tpu.memory_space<vmem>>, vector<16xf32>,
    %add3A_215 = arith.addf %add3A_195, %get3A_214 : vector<16xf32>
    %get3A_216 = arith.constant 199 : i32
    %get3A_217 = arith.index_cast %get3A_216 : i32 to index
    %get3A_218 = arith.constant 48 : index
    %get3A_219 = tpu.vector_load %arg7[%get3A_217, %get3A_218] {strides = array<i32>} : memref<200x64xf32, #tpu.memory_space<vmem>>, vector<16xf32>,
    %add3A_220 = arith.addf %add3A_200, %get3A_219 : vector<16xf32>
    %get3A_221 = arith.constant 126 : i32
    %get3A_222 = arith.index_cast %get3A_221 : i32 to index
    %get3A_223 = arith.constant 184 : index
    %get3A_224 = tpu.vector_load %arg6[%get3A_222, %get3A_223] {strides = array<i32>} : memref<128x200xi32, #tpu.memory_space<vmem>>, vector<16xi32>,
    %ne3A = arith.constant 0 : i32
    %ne3A_225 = vector.broadcast %ne3A : i32 to vector<16xi32>
    %ne3A_226 = arith.cmpi ne, %get3A_224, %ne3A_225 : vector<16xi32>
    %ge3A = arith.constant 8 : i32
    %ge3A_227 = vector.broadcast %ge3A : i32 to vector<16xi32>
    %ge3A_228 = arith.cmpi sge, %iota3A, %ge3A_227 : vector<16xi32>
    %and3A = arith.andi %ne3A_226, %ge3A_228 : vector<16xi1>
    %jit3A = arith.constant 1 : i32
    %jit3A_229 = arith.constant 0 : i32
    %broadcast_in_dim3A_230 = vector.broadcast %jit3A : i32 to vector<16xi32>
    %broadcast_in_dim3A_231 = vector.broadcast %jit3A_229 : i32 to vector<16xi32>
    %select_n3A = arith.select %and3A, %broadcast_in_dim3A_230, %broadcast_in_dim3A_231 : vector<16xi1>, vector<16xi32>
    %add3A_232 = arith.addi %scan3A_60#4, %select_n3A : vector<16xi32>
    %slice3A = vector.extract_strided_slice %add3A_232 {offsets = [0], sizes = [1], strides = [1]} : vector<16xi32> to vector<1xi32>
    %squeeze3A = vector.extract %slice3A[0] : i32 from vector<1xi32>
    %slice3A_233 = vector.extract_strided_slice %add3A_232 {offsets = [1], sizes = [1], strides = [1]} : vector<16xi32> to vector<1xi32>
    %squeeze3A_234 = vector.extract %slice3A_233[0] : i32 from vector<1xi32>
    %add3A_235 = arith.addi %squeeze3A, %squeeze3A_234 : i32
    %slice3A_236 = vector.extract_strided_slice %add3A_232 {offsets = [2], sizes = [1], strides = [1]} : vector<16xi32> to vector<1xi32>
    %squeeze3A_237 = vector.extract %slice3A_236[0] : i32 from vector<1xi32>
    %add3A_238 = arith.addi %add3A_235, %squeeze3A_237 : i32
    %slice3A_239 = vector.extract_strided_slice %add3A_232 {offsets = [3], sizes = [1], strides = [1]} : vector<16xi32> to vector<1xi32>
    %squeeze3A_240 = vector.extract %slice3A_239[0] : i32 from vector<1xi32>
    %add3A_241 = arith.addi %add3A_238, %squeeze3A_240 : i32
    %slice3A_242 = vector.extract_strided_slice %add3A_232 {offsets = [4], sizes = [1], strides = [1]} : vector<16xi32> to vector<1xi32>
    %squeeze3A_243 = vector.extract %slice3A_242[0] : i32 from vector<1xi32>
    %add3A_244 = arith.addi %add3A_241, %squeeze3A_243 : i32
    %slice3A_245 = vector.extract_strided_slice %add3A_232 {offsets = [5], sizes = [1], strides = [1]} : vector<16xi32> to vector<1xi32>
    %squeeze3A_246 = vector.extract %slice3A_245[0] : i32 from vector<1xi32>
    %add3A_247 = arith.addi %add3A_244, %squeeze3A_246 : i32
    %slice3A_248 = vector.extract_strided_slice %add3A_232 {offsets = [6], sizes = [1], strides = [1]} : vector<16xi32> to vector<1xi32>
    %squeeze3A_249 = vector.extract %slice3A_248[0] : i32 from vector<1xi32>
    %add3A_250 = arith.addi %add3A_247, %squeeze3A_249 : i32
    %slice3A_251 = vector.extract_strided_slice %add3A_232 {offsets = [7], sizes = [1], strides = [1]} : vector<16xi32> to vector<1xi32>
    %squeeze3A_252 = vector.extract %slice3A_251[0] : i32 from vector<1xi32>
    %add3A_253 = arith.addi %add3A_250, %squeeze3A_252 : i32
    %slice3A_254 = vector.extract_strided_slice %add3A_232 {offsets = [8], sizes = [1], strides = [1]} : vector<16xi32> to vector<1xi32>
    %squeeze3A_255 = vector.extract %slice3A_254[0] : i32 from vector<1xi32>
    %add3A_256 = arith.addi %add3A_253, %squeeze3A_255 : i32
    %slice3A_257 = vector.extract_strided_slice %add3A_232 {offsets = [9], sizes = [1], strides = [1]} : vector<16xi32> to vector<1xi32>
    %squeeze3A_258 = vector.extract %slice3A_257[0] : i32 from vector<1xi32>
    %add3A_259 = arith.addi %add3A_256, %squeeze3A_258 : i32
    %slice3A_260 = vector.extract_strided_slice %add3A_232 {offsets = [10], sizes = [1], strides = [1]} : vector<16xi32> to vector<1xi32>
    %squeeze3A_261 = vector.extract %slice3A_260[0] : i32 from vector<1xi32>
    %add3A_262 = arith.addi %add3A_259, %squeeze3A_261 : i32
    %slice3A_263 = vector.extract_strided_slice %add3A_232 {offsets = [11], sizes = [1], strides = [1]} : vector<16xi32> to vector<1xi32>
    %squeeze3A_264 = vector.extract %slice3A_263[0] : i32 from vector<1xi32>
    %add3A_265 = arith.addi %add3A_262, %squeeze3A_264 : i32
    %slice3A_266 = vector.extract_strided_slice %add3A_232 {offsets = [12], sizes = [1], strides = [1]} : vector<16xi32> to vector<1xi32>
    %squeeze3A_267 = vector.extract %slice3A_266[0] : i32 from vector<1xi32>
    %add3A_268 = arith.addi %add3A_265, %squeeze3A_267 : i32
    %slice3A_269 = vector.extract_strided_slice %add3A_232 {offsets = [13], sizes = [1], strides = [1]} : vector<16xi32> to vector<1xi32>
    %squeeze3A_270 = vector.extract %slice3A_269[0] : i32 from vector<1xi32>
    %add3A_271 = arith.addi %add3A_268, %squeeze3A_270 : i32
    %slice3A_272 = vector.extract_strided_slice %add3A_232 {offsets = [14], sizes = [1], strides = [1]} : vector<16xi32> to vector<1xi32>
    %squeeze3A_273 = vector.extract %slice3A_272[0] : i32 from vector<1xi32>
    %add3A_274 = arith.addi %add3A_271, %squeeze3A_273 : i32
    %slice3A_275 = vector.extract_strided_slice %add3A_232 {offsets = [15], sizes = [1], strides = [1]} : vector<16xi32> to vector<1xi32>
    %squeeze3A_276 = vector.extract %slice3A_275[0] : i32 from vector<1xi32>
    %add3A_277 = arith.addi %add3A_274, %squeeze3A_276 : i32
    %broadcast_in_dim3A_278 = vector.broadcast %add3A_277 : i32 to vector<16xi32>
    %gather3A = tpu.vector_load_idx %arg10[%broadcast_in_dim3A_278] : memref<208xf32, #tpu.memory_space<vmem>>[vector<16xi32>], vector<16xf32>,
    %mul3A_279 = arith.mulf %add3A_205, %gather3A : vector<16xf32>
    %swap3A = arith.constant 126 : i32
    %swap3A_280 = arith.index_cast %swap3A : i32 to index
    %swap3A_281 = arith.constant 0 : index
    %swap3A_282 = tpu.vector_load %arg9[%swap3A_280, %swap3A_281] {strides = array<i32>} : memref<128x64xf32, #tpu.memory_space<vmem>>, vector<16xf32>,
    tpu.vector_store %arg9[%swap3A_280, %swap3A_281], %mul3A_279 {strides = array<i32>} : memref<128x64xf32, #tpu.memory_space<vmem>>, vector<16xf32>,
    %mul3A_283 = arith.mulf %add3A_210, %gather3A : vector<16xf32>
    %swap3A_284 = arith.constant 126 : i32
    %swap3A_285 = arith.index_cast %swap3A_284 : i32 to index
    %swap3A_286 = arith.constant 16 : index
    %swap3A_287 = tpu.vector_load %arg9[%swap3A_285, %swap3A_286] {strides = array<i32>} : memref<128x64xf32, #tpu.memory_space<vmem>>, vector<16xf32>,
    tpu.vector_store %arg9[%swap3A_285, %swap3A_286], %mul3A_283 {strides = array<i32>} : memref<128x64xf32, #tpu.memory_space<vmem>>, vector<16xf32>,
    %mul3A_288 = arith.mulf %add3A_215, %gather3A : vector<16xf32>
    %swap3A_289 = arith.constant 126 : i32
    %swap3A_290 = arith.index_cast %swap3A_289 : i32 to index
    %swap3A_291 = arith.constant 32 : index
    %swap3A_292 = tpu.vector_load %arg9[%swap3A_290, %swap3A_291] {strides = array<i32>} : memref<128x64xf32, #tpu.memory_space<vmem>>, vector<16xf32>,
    tpu.vector_store %arg9[%swap3A_290, %swap3A_291], %mul3A_288 {strides = array<i32>} : memref<128x64xf32, #tpu.memory_space<vmem>>, vector<16xf32>,
    %mul3A_293 = arith.mulf %add3A_220, %gather3A : vector<16xf32>
    %swap3A_294 = arith.constant 126 : i32
    %swap3A_295 = arith.index_cast %swap3A_294 : i32 to index
    %swap3A_296 = arith.constant 48 : index
    %swap3A_297 = tpu.vector_load %arg9[%swap3A_295, %swap3A_296] {strides = array<i32>} : memref<128x64xf32, #tpu.memory_space<vmem>>, vector<16xf32>,
    tpu.vector_store %arg9[%swap3A_295, %swap3A_296], %mul3A_293 {strides = array<i32>} : memref<128x64xf32, #tpu.memory_space<vmem>>, vector<16xf32>,
    %dma_wait3A_298 = arith.constant 0 : i32
    %dma_wait3A_299 = arith.constant 0 : i32
    %dma_wait3A_300 = tpu.memref_slice %arg3[%dma_wait3A_298, %dma_wait3A_299] : memref<1000000x64xf32, #tpu.memory_space<hbm>> -> memref<200x64xf32, #tpu.memory_space<hbm>>
    %dma_wait3A_301 = arith.constant 0 : i32
    %dma_wait3A_302 = arith.constant 0 : i32
    %dma_wait3A_303 = tpu.memref_slice %arg3[%dma_wait3A_301, %dma_wait3A_302] : memref<1000000x64xf32, #tpu.memory_space<hbm>> -> memref<200x64xf32, #tpu.memory_space<hbm>>
    tpu.wait_dma2 semaphore(%arg12 : memref<!tpu.dma_semaphore, #tpu.memory_space<semaphore_mem>>) src(%dma_wait3A_303 : memref<200x64xf32, #tpu.memory_space<hbm>>) dst(%arg8 : memref<200x64xf32, #tpu.memory_space<vmem>>)
    %broadcast_in_dim3A_304 = arith.constant 0 : i32
    %broadcast_in_dim3A_305 = vector.broadcast %broadcast_in_dim3A_304 : i32 to vector<16xi32>
    %scan3A_306 = arith.constant 0 : i32
    %scan3A_307 = arith.constant 12 : i32
    %scan3A_308 = arith.addi %scan3A_306, %scan3A_307 : i32
    %scan3A_309 = arith.constant 1 : i32
    %scan3A_310:5 = scf.for %scan3A_558 = %scan3A_306 to %scan3A_308 step %scan3A_309 iter_args(%scan3A_559 = %broadcast_in_dim3A_3, %scan3A_560 = %broadcast_in_dim3A_3, %scan3A_561 = %broadcast_in_dim3A_3, %scan3A_562 = %broadcast_in_dim3A_3, %scan3A_563 = %broadcast_in_dim3A_305) -> (vector<16xf32>, vector<16xf32>, vector<16xf32>, vector<16xf32>, vector<16xi32>)  : i32 {
      %mul3A_564 = arith.constant 16 : i32
      %mul3A_565 = arith.muli %scan3A_558, %mul3A_564 : i32
      %add3A_566 = arith.constant 0 : i32
      %add3A_567 = arith.addi %mul3A_565, %add3A_566 : i32
      %get3A_568 = arith.index_cast %add3A_567 : i32 to index
      %get3A_569 = arith.constant 0 : index
      %get3A_570 = tpu.vector_load %arg8[%get3A_568, %get3A_569] {strides = array<i32>} : memref<200x64xf32, #tpu.memory_space<vmem>>, vector<16xf32>,
      %add3A_571 = arith.addf %scan3A_559, %get3A_570 : vector<16xf32>
      %get3A_572 = arith.index_cast %add3A_567 : i32 to index
      %get3A_573 = arith.constant 16 : index
      %get3A_574 = tpu.vector_load %arg8[%get3A_572, %get3A_573] {strides = array<i32>} : memref<200x64xf32, #tpu.memory_space<vmem>>, vector<16xf32>,
      %add3A_575 = arith.addf %scan3A_560, %get3A_574 : vector<16xf32>
      %get3A_576 = arith.index_cast %add3A_567 : i32 to index
      %get3A_577 = arith.constant 32 : index
      %get3A_578 = tpu.vector_load %arg8[%get3A_576, %get3A_577] {strides = array<i32>} : memref<200x64xf32, #tpu.memory_space<vmem>>, vector<16xf32>,
      %add3A_579 = arith.addf %scan3A_561, %get3A_578 : vector<16xf32>
      %get3A_580 = arith.index_cast %add3A_567 : i32 to index
      %get3A_581 = arith.constant 48 : index
      %get3A_582 = tpu.vector_load %arg8[%get3A_580, %get3A_581] {strides = array<i32>} : memref<200x64xf32, #tpu.memory_space<vmem>>, vector<16xf32>,
      %add3A_583 = arith.addf %scan3A_562, %get3A_582 : vector<16xf32>
      %mul3A_584 = arith.constant 16 : i32
      %mul3A_585 = arith.muli %scan3A_558, %mul3A_584 : i32
      %add3A_586 = arith.constant 1 : i32
      %add3A_587 = arith.addi %mul3A_585, %add3A_586 : i32
      %get3A_588 = arith.index_cast %add3A_587 : i32 to index
      %get3A_589 = arith.constant 0 : index
      %get3A_590 = tpu.vector_load %arg8[%get3A_588, %get3A_589] {strides = array<i32>} : memref<200x64xf32, #tpu.memory_space<vmem>>, vector<16xf32>,
      %add3A_591 = arith.addf %add3A_571, %get3A_590 : vector<16xf32>
      %get3A_592 = arith.index_cast %add3A_587 : i32 to index
      %get3A_593 = arith.constant 16 : index
      %get3A_594 = tpu.vector_load %arg8[%get3A_592, %get3A_593] {strides = array<i32>} : memref<200x64xf32, #tpu.memory_space<vmem>>, vector<16xf32>,
      %add3A_595 = arith.addf %add3A_575, %get3A_594 : vector<16xf32>
      %get3A_596 = arith.index_cast %add3A_587 : i32 to index
      %get3A_597 = arith.constant 32 : index
      %get3A_598 = tpu.vector_load %arg8[%get3A_596, %get3A_597] {strides = array<i32>} : memref<200x64xf32, #tpu.memory_space<vmem>>, vector<16xf32>,
      %add3A_599 = arith.addf %add3A_579, %get3A_598 : vector<16xf32>
      %get3A_600 = arith.index_cast %add3A_587 : i32 to index
      %get3A_601 = arith.constant 48 : index
      %get3A_602 = tpu.vector_load %arg8[%get3A_600, %get3A_601] {strides = array<i32>} : memref<200x64xf32, #tpu.memory_space<vmem>>, vector<16xf32>,
      %add3A_603 = arith.addf %add3A_583, %get3A_602 : vector<16xf32>
      %mul3A_604 = arith.constant 16 : i32
      %mul3A_605 = arith.muli %scan3A_558, %mul3A_604 : i32
      %add3A_606 = arith.constant 2 : i32
      %add3A_607 = arith.addi %mul3A_605, %add3A_606 : i32
      %get3A_608 = arith.index_cast %add3A_607 : i32 to index
      %get3A_609 = arith.constant 0 : index
      %get3A_610 = tpu.vector_load %arg8[%get3A_608, %get3A_609] {strides = array<i32>} : memref<200x64xf32, #tpu.memory_space<vmem>>, vector<16xf32>,
      %add3A_611 = arith.addf %add3A_591, %get3A_610 : vector<16xf32>
      %get3A_612 = arith.index_cast %add3A_607 : i32 to index
      %get3A_613 = arith.constant 16 : index
      %get3A_614 = tpu.vector_load %arg8[%get3A_612, %get3A_613] {strides = array<i32>} : memref<200x64xf32, #tpu.memory_space<vmem>>, vector<16xf32>,
      %add3A_615 = arith.addf %add3A_595, %get3A_614 : vector<16xf32>
      %get3A_616 = arith.index_cast %add3A_607 : i32 to index
      %get3A_617 = arith.constant 32 : index
      %get3A_618 = tpu.vector_load %arg8[%get3A_616, %get3A_617] {strides = array<i32>} : memref<200x64xf32, #tpu.memory_space<vmem>>, vector<16xf32>,
      %add3A_619 = arith.addf %add3A_599, %get3A_618 : vector<16xf32>
      %get3A_620 = arith.index_cast %add3A_607 : i32 to index
      %get3A_621 = arith.constant 48 : index
      %get3A_622 = tpu.vector_load %arg8[%get3A_620, %get3A_621] {strides = array<i32>} : memref<200x64xf32, #tpu.memory_space<vmem>>, vector<16xf32>,
      %add3A_623 = arith.addf %add3A_603, %get3A_622 : vector<16xf32>
      %mul3A_624 = arith.constant 16 : i32
      %mul3A_625 = arith.muli %scan3A_558, %mul3A_624 : i32
      %add3A_626 = arith.constant 3 : i32
      %add3A_627 = arith.addi %mul3A_625, %add3A_626 : i32
      %get3A_628 = arith.index_cast %add3A_627 : i32 to index
      %get3A_629 = arith.constant 0 : index
      %get3A_630 = tpu.vector_load %arg8[%get3A_628, %get3A_629] {strides = array<i32>} : memref<200x64xf32, #tpu.memory_space<vmem>>, vector<16xf32>,
      %add3A_631 = arith.addf %add3A_611, %get3A_630 : vector<16xf32>
      %get3A_632 = arith.index_cast %add3A_627 : i32 to index
      %get3A_633 = arith.constant 16 : index
      %get3A_634 = tpu.vector_load %arg8[%get3A_632, %get3A_633] {strides = array<i32>} : memref<200x64xf32, #tpu.memory_space<vmem>>, vector<16xf32>,
      %add3A_635 = arith.addf %add3A_615, %get3A_634 : vector<16xf32>
      %get3A_636 = arith.index_cast %add3A_627 : i32 to index
      %get3A_637 = arith.constant 32 : index
      %get3A_638 = tpu.vector_load %arg8[%get3A_636, %get3A_637] {strides = array<i32>} : memref<200x64xf32, #tpu.memory_space<vmem>>, vector<16xf32>,
      %add3A_639 = arith.addf %add3A_619, %get3A_638 : vector<16xf32>
      %get3A_640 = arith.index_cast %add3A_627 : i32 to index
      %get3A_641 = arith.constant 48 : index
      %get3A_642 = tpu.vector_load %arg8[%get3A_640, %get3A_641] {strides = array<i32>} : memref<200x64xf32, #tpu.memory_space<vmem>>, vector<16xf32>,
      %add3A_643 = arith.addf %add3A_623, %get3A_642 : vector<16xf32>
      %mul3A_644 = arith.constant 16 : i32
      %mul3A_645 = arith.muli %scan3A_558, %mul3A_644 : i32
      %add3A_646 = arith.constant 4 : i32
      %add3A_647 = arith.addi %mul3A_645, %add3A_646 : i32
      %get3A_648 = arith.index_cast %add3A_647 : i32 to index
      %get3A_649 = arith.constant 0 : index
      %get3A_650 = tpu.vector_load %arg8[%get3A_648, %get3A_649] {strides = array<i32>} : memref<200x64xf32, #tpu.memory_space<vmem>>, vector<16xf32>,
      %add3A_651 = arith.addf %add3A_631, %get3A_650 : vector<16xf32>
      %get3A_652 = arith.index_cast %add3A_647 : i32 to index
      %get3A_653 = arith.constant 16 : index
      %get3A_654 = tpu.vector_load %arg8[%get3A_652, %get3A_653] {strides = array<i32>} : memref<200x64xf32, #tpu.memory_space<vmem>>, vector<16xf32>,
      %add3A_655 = arith.addf %add3A_635, %get3A_654 : vector<16xf32>
      %get3A_656 = arith.index_cast %add3A_647 : i32 to index
      %get3A_657 = arith.constant 32 : index
      %get3A_658 = tpu.vector_load %arg8[%get3A_656, %get3A_657] {strides = array<i32>} : memref<200x64xf32, #tpu.memory_space<vmem>>, vector<16xf32>,
      %add3A_659 = arith.addf %add3A_639, %get3A_658 : vector<16xf32>
      %get3A_660 = arith.index_cast %add3A_647 : i32 to index
      %get3A_661 = arith.constant 48 : index
      %get3A_662 = tpu.vector_load %arg8[%get3A_660, %get3A_661] {strides = array<i32>} : memref<200x64xf32, #tpu.memory_space<vmem>>, vector<16xf32>,
      %add3A_663 = arith.addf %add3A_643, %get3A_662 : vector<16xf32>
      %mul3A_664 = arith.constant 16 : i32
      %mul3A_665 = arith.muli %scan3A_558, %mul3A_664 : i32
      %add3A_666 = arith.constant 5 : i32
      %add3A_667 = arith.addi %mul3A_665, %add3A_666 : i32
      %get3A_668 = arith.index_cast %add3A_667 : i32 to index
      %get3A_669 = arith.constant 0 : index
      %get3A_670 = tpu.vector_load %arg8[%get3A_668, %get3A_669] {strides = array<i32>} : memref<200x64xf32, #tpu.memory_space<vmem>>, vector<16xf32>,
      %add3A_671 = arith.addf %add3A_651, %get3A_670 : vector<16xf32>
      %get3A_672 = arith.index_cast %add3A_667 : i32 to index
      %get3A_673 = arith.constant 16 : index
      %get3A_674 = tpu.vector_load %arg8[%get3A_672, %get3A_673] {strides = array<i32>} : memref<200x64xf32, #tpu.memory_space<vmem>>, vector<16xf32>,
      %add3A_675 = arith.addf %add3A_655, %get3A_674 : vector<16xf32>
      %get3A_676 = arith.index_cast %add3A_667 : i32 to index
      %get3A_677 = arith.constant 32 : index
      %get3A_678 = tpu.vector_load %arg8[%get3A_676, %get3A_677] {strides = array<i32>} : memref<200x64xf32, #tpu.memory_space<vmem>>, vector<16xf32>,
      %add3A_679 = arith.addf %add3A_659, %get3A_678 : vector<16xf32>
      %get3A_680 = arith.index_cast %add3A_667 : i32 to index
      %get3A_681 = arith.constant 48 : index
      %get3A_682 = tpu.vector_load %arg8[%get3A_680, %get3A_681] {strides = array<i32>} : memref<200x64xf32, #tpu.memory_space<vmem>>, vector<16xf32>,
      %add3A_683 = arith.addf %add3A_663, %get3A_682 : vector<16xf32>
      %mul3A_684 = arith.constant 16 : i32
      %mul3A_685 = arith.muli %scan3A_558, %mul3A_684 : i32
      %add3A_686 = arith.constant 6 : i32
      %add3A_687 = arith.addi %mul3A_685, %add3A_686 : i32
      %get3A_688 = arith.index_cast %add3A_687 : i32 to index
      %get3A_689 = arith.constant 0 : index
      %get3A_690 = tpu.vector_load %arg8[%get3A_688, %get3A_689] {strides = array<i32>} : memref<200x64xf32, #tpu.memory_space<vmem>>, vector<16xf32>,
      %add3A_691 = arith.addf %add3A_671, %get3A_690 : vector<16xf32>
      %get3A_692 = arith.index_cast %add3A_687 : i32 to index
      %get3A_693 = arith.constant 16 : index
      %get3A_694 = tpu.vector_load %arg8[%get3A_692, %get3A_693] {strides = array<i32>} : memref<200x64xf32, #tpu.memory_space<vmem>>, vector<16xf32>,
      %add3A_695 = arith.addf %add3A_675, %get3A_694 : vector<16xf32>
      %get3A_696 = arith.index_cast %add3A_687 : i32 to index
      %get3A_697 = arith.constant 32 : index
      %get3A_698 = tpu.vector_load %arg8[%get3A_696, %get3A_697] {strides = array<i32>} : memref<200x64xf32, #tpu.memory_space<vmem>>, vector<16xf32>,
      %add3A_699 = arith.addf %add3A_679, %get3A_698 : vector<16xf32>
      %get3A_700 = arith.index_cast %add3A_687 : i32 to index
      %get3A_701 = arith.constant 48 : index
      %get3A_702 = tpu.vector_load %arg8[%get3A_700, %get3A_701] {strides = array<i32>} : memref<200x64xf32, #tpu.memory_space<vmem>>, vector<16xf32>,
      %add3A_703 = arith.addf %add3A_683, %get3A_702 : vector<16xf32>
      %mul3A_704 = arith.constant 16 : i32
      %mul3A_705 = arith.muli %scan3A_558, %mul3A_704 : i32
      %add3A_706 = arith.constant 7 : i32
      %add3A_707 = arith.addi %mul3A_705, %add3A_706 : i32
      %get3A_708 = arith.index_cast %add3A_707 : i32 to index
      %get3A_709 = arith.constant 0 : index
      %get3A_710 = tpu.vector_load %arg8[%get3A_708, %get3A_709] {strides = array<i32>} : memref<200x64xf32, #tpu.memory_space<vmem>>, vector<16xf32>,
      %add3A_711 = arith.addf %add3A_691, %get3A_710 : vector<16xf32>
      %get3A_712 = arith.index_cast %add3A_707 : i32 to index
      %get3A_713 = arith.constant 16 : index
      %get3A_714 = tpu.vector_load %arg8[%get3A_712, %get3A_713] {strides = array<i32>} : memref<200x64xf32, #tpu.memory_space<vmem>>, vector<16xf32>,
      %add3A_715 = arith.addf %add3A_695, %get3A_714 : vector<16xf32>
      %get3A_716 = arith.index_cast %add3A_707 : i32 to index
      %get3A_717 = arith.constant 32 : index
      %get3A_718 = tpu.vector_load %arg8[%get3A_716, %get3A_717] {strides = array<i32>} : memref<200x64xf32, #tpu.memory_space<vmem>>, vector<16xf32>,
      %add3A_719 = arith.addf %add3A_699, %get3A_718 : vector<16xf32>
      %get3A_720 = arith.index_cast %add3A_707 : i32 to index
      %get3A_721 = arith.constant 48 : index
      %get3A_722 = tpu.vector_load %arg8[%get3A_720, %get3A_721] {strides = array<i32>} : memref<200x64xf32, #tpu.memory_space<vmem>>, vector<16xf32>,
      %add3A_723 = arith.addf %add3A_703, %get3A_722 : vector<16xf32>
      %mul3A_724 = arith.constant 16 : i32
      %mul3A_725 = arith.muli %scan3A_558, %mul3A_724 : i32
      %add3A_726 = arith.constant 8 : i32
      %add3A_727 = arith.addi %mul3A_725, %add3A_726 : i32
      %get3A_728 = arith.index_cast %add3A_727 : i32 to index
      %get3A_729 = arith.constant 0 : index
      %get3A_730 = tpu.vector_load %arg8[%get3A_728, %get3A_729] {strides = array<i32>} : memref<200x64xf32, #tpu.memory_space<vmem>>, vector<16xf32>,
      %add3A_731 = arith.addf %add3A_711, %get3A_730 : vector<16xf32>
      %get3A_732 = arith.index_cast %add3A_727 : i32 to index
      %get3A_733 = arith.constant 16 : index
      %get3A_734 = tpu.vector_load %arg8[%get3A_732, %get3A_733] {strides = array<i32>} : memref<200x64xf32, #tpu.memory_space<vmem>>, vector<16xf32>,
      %add3A_735 = arith.addf %add3A_715, %get3A_734 : vector<16xf32>
      %get3A_736 = arith.index_cast %add3A_727 : i32 to index
      %get3A_737 = arith.constant 32 : index
      %get3A_738 = tpu.vector_load %arg8[%get3A_736, %get3A_737] {strides = array<i32>} : memref<200x64xf32, #tpu.memory_space<vmem>>, vector<16xf32>,
      %add3A_739 = arith.addf %add3A_719, %get3A_738 : vector<16xf32>
      %get3A_740 = arith.index_cast %add3A_727 : i32 to index
      %get3A_741 = arith.constant 48 : index
      %get3A_742 = tpu.vector_load %arg8[%get3A_740, %get3A_741] {strides = array<i32>} : memref<200x64xf32, #tpu.memory_space<vmem>>, vector<16xf32>,
      %add3A_743 = arith.addf %add3A_723, %get3A_742 : vector<16xf32>
      %mul3A_744 = arith.constant 16 : i32
      %mul3A_745 = arith.muli %scan3A_558, %mul3A_744 : i32
      %add3A_746 = arith.constant 9 : i32
      %add3A_747 = arith.addi %mul3A_745, %add3A_746 : i32
      %get3A_748 = arith.index_cast %add3A_747 : i32 to index
      %get3A_749 = arith.constant 0 : index
      %get3A_750 = tpu.vector_load %arg8[%get3A_748, %get3A_749] {strides = array<i32>} : memref<200x64xf32, #tpu.memory_space<vmem>>, vector<16xf32>,
      %add3A_751 = arith.addf %add3A_731, %get3A_750 : vector<16xf32>
      %get3A_752 = arith.index_cast %add3A_747 : i32 to index
      %get3A_753 = arith.constant 16 : index
      %get3A_754 = tpu.vector_load %arg8[%get3A_752, %get3A_753] {strides = array<i32>} : memref<200x64xf32, #tpu.memory_space<vmem>>, vector<16xf32>,
      %add3A_755 = arith.addf %add3A_735, %get3A_754 : vector<16xf32>
      %get3A_756 = arith.index_cast %add3A_747 : i32 to index
      %get3A_757 = arith.constant 32 : index
      %get3A_758 = tpu.vector_load %arg8[%get3A_756, %get3A_757] {strides = array<i32>} : memref<200x64xf32, #tpu.memory_space<vmem>>, vector<16xf32>,
      %add3A_759 = arith.addf %add3A_739, %get3A_758 : vector<16xf32>
      %get3A_760 = arith.index_cast %add3A_747 : i32 to index
      %get3A_761 = arith.constant 48 : index
      %get3A_762 = tpu.vector_load %arg8[%get3A_760, %get3A_761] {strides = array<i32>} : memref<200x64xf32, #tpu.memory_space<vmem>>, vector<16xf32>,
      %add3A_763 = arith.addf %add3A_743, %get3A_762 : vector<16xf32>
      %mul3A_764 = arith.constant 16 : i32
      %mul3A_765 = arith.muli %scan3A_558, %mul3A_764 : i32
      %add3A_766 = arith.constant 10 : i32
      %add3A_767 = arith.addi %mul3A_765, %add3A_766 : i32
      %get3A_768 = arith.index_cast %add3A_767 : i32 to index
      %get3A_769 = arith.constant 0 : index
      %get3A_770 = tpu.vector_load %arg8[%get3A_768, %get3A_769] {strides = array<i32>} : memref<200x64xf32, #tpu.memory_space<vmem>>, vector<16xf32>,
      %add3A_771 = arith.addf %add3A_751, %get3A_770 : vector<16xf32>
      %get3A_772 = arith.index_cast %add3A_767 : i32 to index
      %get3A_773 = arith.constant 16 : index
      %get3A_774 = tpu.vector_load %arg8[%get3A_772, %get3A_773] {strides = array<i32>} : memref<200x64xf32, #tpu.memory_space<vmem>>, vector<16xf32>,
      %add3A_775 = arith.addf %add3A_755, %get3A_774 : vector<16xf32>
      %get3A_776 = arith.index_cast %add3A_767 : i32 to index
      %get3A_777 = arith.constant 32 : index
      %get3A_778 = tpu.vector_load %arg8[%get3A_776, %get3A_777] {strides = array<i32>} : memref<200x64xf32, #tpu.memory_space<vmem>>, vector<16xf32>,
      %add3A_779 = arith.addf %add3A_759, %get3A_778 : vector<16xf32>
      %get3A_780 = arith.index_cast %add3A_767 : i32 to index
      %get3A_781 = arith.constant 48 : index
      %get3A_782 = tpu.vector_load %arg8[%get3A_780, %get3A_781] {strides = array<i32>} : memref<200x64xf32, #tpu.memory_space<vmem>>, vector<16xf32>,
      %add3A_783 = arith.addf %add3A_763, %get3A_782 : vector<16xf32>
      %mul3A_784 = arith.constant 16 : i32
      %mul3A_785 = arith.muli %scan3A_558, %mul3A_784 : i32
      %add3A_786 = arith.constant 11 : i32
      %add3A_787 = arith.addi %mul3A_785, %add3A_786 : i32
      %get3A_788 = arith.index_cast %add3A_787 : i32 to index
      %get3A_789 = arith.constant 0 : index
      %get3A_790 = tpu.vector_load %arg8[%get3A_788, %get3A_789] {strides = array<i32>} : memref<200x64xf32, #tpu.memory_space<vmem>>, vector<16xf32>,
      %add3A_791 = arith.addf %add3A_771, %get3A_790 : vector<16xf32>
      %get3A_792 = arith.index_cast %add3A_787 : i32 to index
      %get3A_793 = arith.constant 16 : index
      %get3A_794 = tpu.vector_load %arg8[%get3A_792, %get3A_793] {strides = array<i32>} : memref<200x64xf32, #tpu.memory_space<vmem>>, vector<16xf32>,
      %add3A_795 = arith.addf %add3A_775, %get3A_794 : vector<16xf32>
      %get3A_796 = arith.index_cast %add3A_787 : i32 to index
      %get3A_797 = arith.constant 32 : index
      %get3A_798 = tpu.vector_load %arg8[%get3A_796, %get3A_797] {strides = array<i32>} : memref<200x64xf32, #tpu.memory_space<vmem>>, vector<16xf32>,
      %add3A_799 = arith.addf %add3A_779, %get3A_798 : vector<16xf32>
      %get3A_800 = arith.index_cast %add3A_787 : i32 to index
      %get3A_801 = arith.constant 48 : index
      %get3A_802 = tpu.vector_load %arg8[%get3A_800, %get3A_801] {strides = array<i32>} : memref<200x64xf32, #tpu.memory_space<vmem>>, vector<16xf32>,
      %add3A_803 = arith.addf %add3A_783, %get3A_802 : vector<16xf32>
      %mul3A_804 = arith.constant 16 : i32
      %mul3A_805 = arith.muli %scan3A_558, %mul3A_804 : i32
      %add3A_806 = arith.constant 12 : i32
      %add3A_807 = arith.addi %mul3A_805, %add3A_806 : i32
      %get3A_808 = arith.index_cast %add3A_807 : i32 to index
      %get3A_809 = arith.constant 0 : index
      %get3A_810 = tpu.vector_load %arg8[%get3A_808, %get3A_809] {strides = array<i32>} : memref<200x64xf32, #tpu.memory_space<vmem>>, vector<16xf32>,
      %add3A_811 = arith.addf %add3A_791, %get3A_810 : vector<16xf32>
      %get3A_812 = arith.index_cast %add3A_807 : i32 to index
      %get3A_813 = arith.constant 16 : index
      %get3A_814 = tpu.vector_load %arg8[%get3A_812, %get3A_813] {strides = array<i32>} : memref<200x64xf32, #tpu.memory_space<vmem>>, vector<16xf32>,
      %add3A_815 = arith.addf %add3A_795, %get3A_814 : vector<16xf32>
      %get3A_816 = arith.index_cast %add3A_807 : i32 to index
      %get3A_817 = arith.constant 32 : index
      %get3A_818 = tpu.vector_load %arg8[%get3A_816, %get3A_817] {strides = array<i32>} : memref<200x64xf32, #tpu.memory_space<vmem>>, vector<16xf32>,
      %add3A_819 = arith.addf %add3A_799, %get3A_818 : vector<16xf32>
      %get3A_820 = arith.index_cast %add3A_807 : i32 to index
      %get3A_821 = arith.constant 48 : index
      %get3A_822 = tpu.vector_load %arg8[%get3A_820, %get3A_821] {strides = array<i32>} : memref<200x64xf32, #tpu.memory_space<vmem>>, vector<16xf32>,
      %add3A_823 = arith.addf %add3A_803, %get3A_822 : vector<16xf32>
      %mul3A_824 = arith.constant 16 : i32
      %mul3A_825 = arith.muli %scan3A_558, %mul3A_824 : i32
      %add3A_826 = arith.constant 13 : i32
      %add3A_827 = arith.addi %mul3A_825, %add3A_826 : i32
      %get3A_828 = arith.index_cast %add3A_827 : i32 to index
      %get3A_829 = arith.constant 0 : index
      %get3A_830 = tpu.vector_load %arg8[%get3A_828, %get3A_829] {strides = array<i32>} : memref<200x64xf32, #tpu.memory_space<vmem>>, vector<16xf32>,
      %add3A_831 = arith.addf %add3A_811, %get3A_830 : vector<16xf32>
      %get3A_832 = arith.index_cast %add3A_827 : i32 to index
      %get3A_833 = arith.constant 16 : index
      %get3A_834 = tpu.vector_load %arg8[%get3A_832, %get3A_833] {strides = array<i32>} : memref<200x64xf32, #tpu.memory_space<vmem>>, vector<16xf32>,
      %add3A_835 = arith.addf %add3A_815, %get3A_834 : vector<16xf32>
      %get3A_836 = arith.index_cast %add3A_827 : i32 to index
      %get3A_837 = arith.constant 32 : index
      %get3A_838 = tpu.vector_load %arg8[%get3A_836, %get3A_837] {strides = array<i32>} : memref<200x64xf32, #tpu.memory_space<vmem>>, vector<16xf32>,
      %add3A_839 = arith.addf %add3A_819, %get3A_838 : vector<16xf32>
      %get3A_840 = arith.index_cast %add3A_827 : i32 to index
      %get3A_841 = arith.constant 48 : index
      %get3A_842 = tpu.vector_load %arg8[%get3A_840, %get3A_841] {strides = array<i32>} : memref<200x64xf32, #tpu.memory_space<vmem>>, vector<16xf32>,
      %add3A_843 = arith.addf %add3A_823, %get3A_842 : vector<16xf32>
      %mul3A_844 = arith.constant 16 : i32
      %mul3A_845 = arith.muli %scan3A_558, %mul3A_844 : i32
      %add3A_846 = arith.constant 14 : i32
      %add3A_847 = arith.addi %mul3A_845, %add3A_846 : i32
      %get3A_848 = arith.index_cast %add3A_847 : i32 to index
      %get3A_849 = arith.constant 0 : index
      %get3A_850 = tpu.vector_load %arg8[%get3A_848, %get3A_849] {strides = array<i32>} : memref<200x64xf32, #tpu.memory_space<vmem>>, vector<16xf32>,
      %add3A_851 = arith.addf %add3A_831, %get3A_850 : vector<16xf32>
      %get3A_852 = arith.index_cast %add3A_847 : i32 to index
      %get3A_853 = arith.constant 16 : index
      %get3A_854 = tpu.vector_load %arg8[%get3A_852, %get3A_853] {strides = array<i32>} : memref<200x64xf32, #tpu.memory_space<vmem>>, vector<16xf32>,
      %add3A_855 = arith.addf %add3A_835, %get3A_854 : vector<16xf32>
      %get3A_856 = arith.index_cast %add3A_847 : i32 to index
      %get3A_857 = arith.constant 32 : index
      %get3A_858 = tpu.vector_load %arg8[%get3A_856, %get3A_857] {strides = array<i32>} : memref<200x64xf32, #tpu.memory_space<vmem>>, vector<16xf32>,
      %add3A_859 = arith.addf %add3A_839, %get3A_858 : vector<16xf32>
      %get3A_860 = arith.index_cast %add3A_847 : i32 to index
      %get3A_861 = arith.constant 48 : index
      %get3A_862 = tpu.vector_load %arg8[%get3A_860, %get3A_861] {strides = array<i32>} : memref<200x64xf32, #tpu.memory_space<vmem>>, vector<16xf32>,
      %add3A_863 = arith.addf %add3A_843, %get3A_862 : vector<16xf32>
      %mul3A_864 = arith.constant 16 : i32
      %mul3A_865 = arith.muli %scan3A_558, %mul3A_864 : i32
      %add3A_866 = arith.constant 15 : i32
      %add3A_867 = arith.addi %mul3A_865, %add3A_866 : i32
      %get3A_868 = arith.index_cast %add3A_867 : i32 to index
      %get3A_869 = arith.constant 0 : index
      %get3A_870 = tpu.vector_load %arg8[%get3A_868, %get3A_869] {strides = array<i32>} : memref<200x64xf32, #tpu.memory_space<vmem>>, vector<16xf32>,
      %add3A_871 = arith.addf %add3A_851, %get3A_870 : vector<16xf32>
      %get3A_872 = arith.index_cast %add3A_867 : i32 to index
      %get3A_873 = arith.constant 16 : index
      %get3A_874 = tpu.vector_load %arg8[%get3A_872, %get3A_873] {strides = array<i32>} : memref<200x64xf32, #tpu.memory_space<vmem>>, vector<16xf32>,
      %add3A_875 = arith.addf %add3A_855, %get3A_874 : vector<16xf32>
      %get3A_876 = arith.index_cast %add3A_867 : i32 to index
      %get3A_877 = arith.constant 32 : index
      %get3A_878 = tpu.vector_load %arg8[%get3A_876, %get3A_877] {strides = array<i32>} : memref<200x64xf32, #tpu.memory_space<vmem>>, vector<16xf32>,
      %add3A_879 = arith.addf %add3A_859, %get3A_878 : vector<16xf32>
      %get3A_880 = arith.index_cast %add3A_867 : i32 to index
      %get3A_881 = arith.constant 48 : index
      %get3A_882 = tpu.vector_load %arg8[%get3A_880, %get3A_881] {strides = array<i32>} : memref<200x64xf32, #tpu.memory_space<vmem>>, vector<16xf32>,
      %add3A_883 = arith.addf %add3A_863, %get3A_882 : vector<16xf32>
      %mul3A_884 = arith.constant 16 : i32
      %mul3A_885 = arith.muli %scan3A_558, %mul3A_884 : i32
      %get3A_886 = arith.constant 127 : i32
      %get3A_887 = arith.index_cast %get3A_886 : i32 to index
      %get3A_888 = arith.index_cast %mul3A_885 : i32 to index
      %get3A_889 = tpu.vector_load %arg6[%get3A_887, %get3A_888] {strides = array<i32>} : memref<128x200xi32, #tpu.memory_space<vmem>>, vector<16xi32>,
      %ne3A_890 = arith.constant 0 : i32
      %ne3A_891 = vector.broadcast %ne3A_890 : i32 to vector<16xi32>
      %ne3A_892 = arith.cmpi ne, %get3A_889, %ne3A_891 : vector<16xi32>
      %jit3A_893 = arith.constant 1 : i32
      %jit3A_894 = arith.constant 0 : i32
      %broadcast_in_dim3A_895 = vector.broadcast %jit3A_893 : i32 to vector<16xi32>
      %broadcast_in_dim3A_896 = vector.broadcast %jit3A_894 : i32 to vector<16xi32>
      %select_n3A_897 = arith.select %ne3A_892, %broadcast_in_dim3A_895, %broadcast_in_dim3A_896 : vector<16xi1>, vector<16xi32>
      %add3A_898 = arith.addi %scan3A_563, %select_n3A_897 : vector<16xi32>
      scf.yield %add3A_871, %add3A_875, %add3A_879, %add3A_883, %add3A_898 : vector<16xf32>, vector<16xf32>, vector<16xf32>, vector<16xf32>, vector<16xi32>
    }
    %scan3A_311 = arith.constant 12 : i32
    %get3A_312 = arith.constant 192 : i32
    %get3A_313 = arith.index_cast %get3A_312 : i32 to index
    %get3A_314 = arith.constant 0 : index
    %get3A_315 = tpu.vector_load %arg8[%get3A_313, %get3A_314] {strides = array<i32>} : memref<200x64xf32, #tpu.memory_space<vmem>>, vector<16xf32>,
    %add3A_316 = arith.addf %scan3A_310#0, %get3A_315 : vector<16xf32>
    %get3A_317 = arith.constant 192 : i32
    %get3A_318 = arith.index_cast %get3A_317 : i32 to index
    %get3A_319 = arith.constant 16 : index
    %get3A_320 = tpu.vector_load %arg8[%get3A_318, %get3A_319] {strides = array<i32>} : memref<200x64xf32, #tpu.memory_space<vmem>>, vector<16xf32>,
    %add3A_321 = arith.addf %scan3A_310#1, %get3A_320 : vector<16xf32>
    %get3A_322 = arith.constant 192 : i32
    %get3A_323 = arith.index_cast %get3A_322 : i32 to index
    %get3A_324 = arith.constant 32 : index
    %get3A_325 = tpu.vector_load %arg8[%get3A_323, %get3A_324] {strides = array<i32>} : memref<200x64xf32, #tpu.memory_space<vmem>>, vector<16xf32>,
    %add3A_326 = arith.addf %scan3A_310#2, %get3A_325 : vector<16xf32>
    %get3A_327 = arith.constant 192 : i32
    %get3A_328 = arith.index_cast %get3A_327 : i32 to index
    %get3A_329 = arith.constant 48 : index
    %get3A_330 = tpu.vector_load %arg8[%get3A_328, %get3A_329] {strides = array<i32>} : memref<200x64xf32, #tpu.memory_space<vmem>>, vector<16xf32>,
    %add3A_331 = arith.addf %scan3A_310#3, %get3A_330 : vector<16xf32>
    %get3A_332 = arith.constant 193 : i32
    %get3A_333 = arith.index_cast %get3A_332 : i32 to index
    %get3A_334 = arith.constant 0 : index
    %get3A_335 = tpu.vector_load %arg8[%get3A_333, %get3A_334] {strides = array<i32>} : memref<200x64xf32, #tpu.memory_space<vmem>>, vector<16xf32>,
    %add3A_336 = arith.addf %add3A_316, %get3A_335 : vector<16xf32>
    %get3A_337 = arith.constant 193 : i32
    %get3A_338 = arith.index_cast %get3A_337 : i32 to index
    %get3A_339 = arith.constant 16 : index
    %get3A_340 = tpu.vector_load %arg8[%get3A_338, %get3A_339] {strides = array<i32>} : memref<200x64xf32, #tpu.memory_space<vmem>>, vector<16xf32>,
    %add3A_341 = arith.addf %add3A_321, %get3A_340 : vector<16xf32>
    %get3A_342 = arith.constant 193 : i32
    %get3A_343 = arith.index_cast %get3A_342 : i32 to index
    %get3A_344 = arith.constant 32 : index
    %get3A_345 = tpu.vector_load %arg8[%get3A_343, %get3A_344] {strides = array<i32>} : memref<200x64xf32, #tpu.memory_space<vmem>>, vector<16xf32>,
    %add3A_346 = arith.addf %add3A_326, %get3A_345 : vector<16xf32>
    %get3A_347 = arith.constant 193 : i32
    %get3A_348 = arith.index_cast %get3A_347 : i32 to index
    %get3A_349 = arith.constant 48 : index
    %get3A_350 = tpu.vector_load %arg8[%get3A_348, %get3A_349] {strides = array<i32>} : memref<200x64xf32, #tpu.memory_space<vmem>>, vector<16xf32>,
    %add3A_351 = arith.addf %add3A_331, %get3A_350 : vector<16xf32>
    %get3A_352 = arith.constant 194 : i32
    %get3A_353 = arith.index_cast %get3A_352 : i32 to index
    %get3A_354 = arith.constant 0 : index
    %get3A_355 = tpu.vector_load %arg8[%get3A_353, %get3A_354] {strides = array<i32>} : memref<200x64xf32, #tpu.memory_space<vmem>>, vector<16xf32>,
    %add3A_356 = arith.addf %add3A_336, %get3A_355 : vector<16xf32>
    %get3A_357 = arith.constant 194 : i32
    %get3A_358 = arith.index_cast %get3A_357 : i32 to index
    %get3A_359 = arith.constant 16 : index
    %get3A_360 = tpu.vector_load %arg8[%get3A_358, %get3A_359] {strides = array<i32>} : memref<200x64xf32, #tpu.memory_space<vmem>>, vector<16xf32>,
    %add3A_361 = arith.addf %add3A_341, %get3A_360 : vector<16xf32>
    %get3A_362 = arith.constant 194 : i32
    %get3A_363 = arith.index_cast %get3A_362 : i32 to index
    %get3A_364 = arith.constant 32 : index
    %get3A_365 = tpu.vector_load %arg8[%get3A_363, %get3A_364] {strides = array<i32>} : memref<200x64xf32, #tpu.memory_space<vmem>>, vector<16xf32>,
    %add3A_366 = arith.addf %add3A_346, %get3A_365 : vector<16xf32>
    %get3A_367 = arith.constant 194 : i32
    %get3A_368 = arith.index_cast %get3A_367 : i32 to index
    %get3A_369 = arith.constant 48 : index
    %get3A_370 = tpu.vector_load %arg8[%get3A_368, %get3A_369] {strides = array<i32>} : memref<200x64xf32, #tpu.memory_space<vmem>>, vector<16xf32>,
    %add3A_371 = arith.addf %add3A_351, %get3A_370 : vector<16xf32>
    %get3A_372 = arith.constant 195 : i32
    %get3A_373 = arith.index_cast %get3A_372 : i32 to index
    %get3A_374 = arith.constant 0 : index
    %get3A_375 = tpu.vector_load %arg8[%get3A_373, %get3A_374] {strides = array<i32>} : memref<200x64xf32, #tpu.memory_space<vmem>>, vector<16xf32>,
    %add3A_376 = arith.addf %add3A_356, %get3A_375 : vector<16xf32>
    %get3A_377 = arith.constant 195 : i32
    %get3A_378 = arith.index_cast %get3A_377 : i32 to index
    %get3A_379 = arith.constant 16 : index
    %get3A_380 = tpu.vector_load %arg8[%get3A_378, %get3A_379] {strides = array<i32>} : memref<200x64xf32, #tpu.memory_space<vmem>>, vector<16xf32>,
    %add3A_381 = arith.addf %add3A_361, %get3A_380 : vector<16xf32>
    %get3A_382 = arith.constant 195 : i32
    %get3A_383 = arith.index_cast %get3A_382 : i32 to index
    %get3A_384 = arith.constant 32 : index
    %get3A_385 = tpu.vector_load %arg8[%get3A_383, %get3A_384] {strides = array<i32>} : memref<200x64xf32, #tpu.memory_space<vmem>>, vector<16xf32>,
    %add3A_386 = arith.addf %add3A_366, %get3A_385 : vector<16xf32>
    %get3A_387 = arith.constant 195 : i32
    %get3A_388 = arith.index_cast %get3A_387 : i32 to index
    %get3A_389 = arith.constant 48 : index
    %get3A_390 = tpu.vector_load %arg8[%get3A_388, %get3A_389] {strides = array<i32>} : memref<200x64xf32, #tpu.memory_space<vmem>>, vector<16xf32>,
    %add3A_391 = arith.addf %add3A_371, %get3A_390 : vector<16xf32>
    %get3A_392 = arith.constant 196 : i32
    %get3A_393 = arith.index_cast %get3A_392 : i32 to index
    %get3A_394 = arith.constant 0 : index
    %get3A_395 = tpu.vector_load %arg8[%get3A_393, %get3A_394] {strides = array<i32>} : memref<200x64xf32, #tpu.memory_space<vmem>>, vector<16xf32>,
    %add3A_396 = arith.addf %add3A_376, %get3A_395 : vector<16xf32>
    %get3A_397 = arith.constant 196 : i32
    %get3A_398 = arith.index_cast %get3A_397 : i32 to index
    %get3A_399 = arith.constant 16 : index
    %get3A_400 = tpu.vector_load %arg8[%get3A_398, %get3A_399] {strides = array<i32>} : memref<200x64xf32, #tpu.memory_space<vmem>>, vector<16xf32>,
    %add3A_401 = arith.addf %add3A_381, %get3A_400 : vector<16xf32>
    %get3A_402 = arith.constant 196 : i32
    %get3A_403 = arith.index_cast %get3A_402 : i32 to index
    %get3A_404 = arith.constant 32 : index
    %get3A_405 = tpu.vector_load %arg8[%get3A_403, %get3A_404] {strides = array<i32>} : memref<200x64xf32, #tpu.memory_space<vmem>>, vector<16xf32>,
    %add3A_406 = arith.addf %add3A_386, %get3A_405 : vector<16xf32>
    %get3A_407 = arith.constant 196 : i32
    %get3A_408 = arith.index_cast %get3A_407 : i32 to index
    %get3A_409 = arith.constant 48 : index
    %get3A_410 = tpu.vector_load %arg8[%get3A_408, %get3A_409] {strides = array<i32>} : memref<200x64xf32, #tpu.memory_space<vmem>>, vector<16xf32>,
    %add3A_411 = arith.addf %add3A_391, %get3A_410 : vector<16xf32>
    %get3A_412 = arith.constant 197 : i32
    %get3A_413 = arith.index_cast %get3A_412 : i32 to index
    %get3A_414 = arith.constant 0 : index
    %get3A_415 = tpu.vector_load %arg8[%get3A_413, %get3A_414] {strides = array<i32>} : memref<200x64xf32, #tpu.memory_space<vmem>>, vector<16xf32>,
    %add3A_416 = arith.addf %add3A_396, %get3A_415 : vector<16xf32>
    %get3A_417 = arith.constant 197 : i32
    %get3A_418 = arith.index_cast %get3A_417 : i32 to index
    %get3A_419 = arith.constant 16 : index
    %get3A_420 = tpu.vector_load %arg8[%get3A_418, %get3A_419] {strides = array<i32>} : memref<200x64xf32, #tpu.memory_space<vmem>>, vector<16xf32>,
    %add3A_421 = arith.addf %add3A_401, %get3A_420 : vector<16xf32>
    %get3A_422 = arith.constant 197 : i32
    %get3A_423 = arith.index_cast %get3A_422 : i32 to index
    %get3A_424 = arith.constant 32 : index
    %get3A_425 = tpu.vector_load %arg8[%get3A_423, %get3A_424] {strides = array<i32>} : memref<200x64xf32, #tpu.memory_space<vmem>>, vector<16xf32>,
    %add3A_426 = arith.addf %add3A_406, %get3A_425 : vector<16xf32>
    %get3A_427 = arith.constant 197 : i32
    %get3A_428 = arith.index_cast %get3A_427 : i32 to index
    %get3A_429 = arith.constant 48 : index
    %get3A_430 = tpu.vector_load %arg8[%get3A_428, %get3A_429] {strides = array<i32>} : memref<200x64xf32, #tpu.memory_space<vmem>>, vector<16xf32>,
    %add3A_431 = arith.addf %add3A_411, %get3A_430 : vector<16xf32>
    %get3A_432 = arith.constant 198 : i32
    %get3A_433 = arith.index_cast %get3A_432 : i32 to index
    %get3A_434 = arith.constant 0 : index
    %get3A_435 = tpu.vector_load %arg8[%get3A_433, %get3A_434] {strides = array<i32>} : memref<200x64xf32, #tpu.memory_space<vmem>>, vector<16xf32>,
    %add3A_436 = arith.addf %add3A_416, %get3A_435 : vector<16xf32>
    %get3A_437 = arith.constant 198 : i32
    %get3A_438 = arith.index_cast %get3A_437 : i32 to index
    %get3A_439 = arith.constant 16 : index
    %get3A_440 = tpu.vector_load %arg8[%get3A_438, %get3A_439] {strides = array<i32>} : memref<200x64xf32, #tpu.memory_space<vmem>>, vector<16xf32>,
    %add3A_441 = arith.addf %add3A_421, %get3A_440 : vector<16xf32>
    %get3A_442 = arith.constant 198 : i32
    %get3A_443 = arith.index_cast %get3A_442 : i32 to index
    %get3A_444 = arith.constant 32 : index
    %get3A_445 = tpu.vector_load %arg8[%get3A_443, %get3A_444] {strides = array<i32>} : memref<200x64xf32, #tpu.memory_space<vmem>>, vector<16xf32>,
    %add3A_446 = arith.addf %add3A_426, %get3A_445 : vector<16xf32>
    %get3A_447 = arith.constant 198 : i32
    %get3A_448 = arith.index_cast %get3A_447 : i32 to index
    %get3A_449 = arith.constant 48 : index
    %get3A_450 = tpu.vector_load %arg8[%get3A_448, %get3A_449] {strides = array<i32>} : memref<200x64xf32, #tpu.memory_space<vmem>>, vector<16xf32>,
    %add3A_451 = arith.addf %add3A_431, %get3A_450 : vector<16xf32>
    %get3A_452 = arith.constant 199 : i32
    %get3A_453 = arith.index_cast %get3A_452 : i32 to index
    %get3A_454 = arith.constant 0 : index
    %get3A_455 = tpu.vector_load %arg8[%get3A_453, %get3A_454] {strides = array<i32>} : memref<200x64xf32, #tpu.memory_space<vmem>>, vector<16xf32>,
    %add3A_456 = arith.addf %add3A_436, %get3A_455 : vector<16xf32>
    %get3A_457 = arith.constant 199 : i32
    %get3A_458 = arith.index_cast %get3A_457 : i32 to index
    %get3A_459 = arith.constant 16 : index
    %get3A_460 = tpu.vector_load %arg8[%get3A_458, %get3A_459] {strides = array<i32>} : memref<200x64xf32, #tpu.memory_space<vmem>>, vector<16xf32>,
    %add3A_461 = arith.addf %add3A_441, %get3A_460 : vector<16xf32>
    %get3A_462 = arith.constant 199 : i32
    %get3A_463 = arith.index_cast %get3A_462 : i32 to index
    %get3A_464 = arith.constant 32 : index
    %get3A_465 = tpu.vector_load %arg8[%get3A_463, %get3A_464] {strides = array<i32>} : memref<200x64xf32, #tpu.memory_space<vmem>>, vector<16xf32>,
    %add3A_466 = arith.addf %add3A_446, %get3A_465 : vector<16xf32>
    %get3A_467 = arith.constant 199 : i32
    %get3A_468 = arith.index_cast %get3A_467 : i32 to index
    %get3A_469 = arith.constant 48 : index
    %get3A_470 = tpu.vector_load %arg8[%get3A_468, %get3A_469] {strides = array<i32>} : memref<200x64xf32, #tpu.memory_space<vmem>>, vector<16xf32>,
    %add3A_471 = arith.addf %add3A_451, %get3A_470 : vector<16xf32>
    %get3A_472 = arith.constant 127 : i32
    %get3A_473 = arith.index_cast %get3A_472 : i32 to index
    %get3A_474 = arith.constant 184 : index
    %get3A_475 = tpu.vector_load %arg6[%get3A_473, %get3A_474] {strides = array<i32>} : memref<128x200xi32, #tpu.memory_space<vmem>>, vector<16xi32>,
    %ne3A_476 = arith.constant 0 : i32
    %ne3A_477 = vector.broadcast %ne3A_476 : i32 to vector<16xi32>
    %ne3A_478 = arith.cmpi ne, %get3A_475, %ne3A_477 : vector<16xi32>
    %ge3A_479 = arith.constant 8 : i32
    %ge3A_480 = vector.broadcast %ge3A_479 : i32 to vector<16xi32>
    %ge3A_481 = arith.cmpi sge, %iota3A, %ge3A_480 : vector<16xi32>
    %and3A_482 = arith.andi %ne3A_478, %ge3A_481 : vector<16xi1>
    %jit3A_483 = arith.constant 1 : i32
    %jit3A_484 = arith.constant 0 : i32
    %broadcast_in_dim3A_485 = vector.broadcast %jit3A_483 : i32 to vector<16xi32>
    %broadcast_in_dim3A_486 = vector.broadcast %jit3A_484 : i32 to vector<16xi32>
    %select_n3A_487 = arith.select %and3A_482, %broadcast_in_dim3A_485, %broadcast_in_dim3A_486 : vector<16xi1>, vector<16xi32>
    %add3A_488 = arith.addi %scan3A_310#4, %select_n3A_487 : vector<16xi32>
    %slice3A_489 = vector.extract_strided_slice %add3A_488 {offsets = [0], sizes = [1], strides = [1]} : vector<16xi32> to vector<1xi32>
    %squeeze3A_490 = vector.extract %slice3A_489[0] : i32 from vector<1xi32>
    %slice3A_491 = vector.extract_strided_slice %add3A_488 {offsets = [1], sizes = [1], strides = [1]} : vector<16xi32> to vector<1xi32>
    %squeeze3A_492 = vector.extract %slice3A_491[0] : i32 from vector<1xi32>
    %add3A_493 = arith.addi %squeeze3A_490, %squeeze3A_492 : i32
    %slice3A_494 = vector.extract_strided_slice %add3A_488 {offsets = [2], sizes = [1], strides = [1]} : vector<16xi32> to vector<1xi32>
    %squeeze3A_495 = vector.extract %slice3A_494[0] : i32 from vector<1xi32>
    %add3A_496 = arith.addi %add3A_493, %squeeze3A_495 : i32
    %slice3A_497 = vector.extract_strided_slice %add3A_488 {offsets = [3], sizes = [1], strides = [1]} : vector<16xi32> to vector<1xi32>
    %squeeze3A_498 = vector.extract %slice3A_497[0] : i32 from vector<1xi32>
    %add3A_499 = arith.addi %add3A_496, %squeeze3A_498 : i32
    %slice3A_500 = vector.extract_strided_slice %add3A_488 {offsets = [4], sizes = [1], strides = [1]} : vector<16xi32> to vector<1xi32>
    %squeeze3A_501 = vector.extract %slice3A_500[0] : i32 from vector<1xi32>
    %add3A_502 = arith.addi %add3A_499, %squeeze3A_501 : i32
    %slice3A_503 = vector.extract_strided_slice %add3A_488 {offsets = [5], sizes = [1], strides = [1]} : vector<16xi32> to vector<1xi32>
    %squeeze3A_504 = vector.extract %slice3A_503[0] : i32 from vector<1xi32>
    %add3A_505 = arith.addi %add3A_502, %squeeze3A_504 : i32
    %slice3A_506 = vector.extract_strided_slice %add3A_488 {offsets = [6], sizes = [1], strides = [1]} : vector<16xi32> to vector<1xi32>
    %squeeze3A_507 = vector.extract %slice3A_506[0] : i32 from vector<1xi32>
    %add3A_508 = arith.addi %add3A_505, %squeeze3A_507 : i32
    %slice3A_509 = vector.extract_strided_slice %add3A_488 {offsets = [7], sizes = [1], strides = [1]} : vector<16xi32> to vector<1xi32>
    %squeeze3A_510 = vector.extract %slice3A_509[0] : i32 from vector<1xi32>
    %add3A_511 = arith.addi %add3A_508, %squeeze3A_510 : i32
    %slice3A_512 = vector.extract_strided_slice %add3A_488 {offsets = [8], sizes = [1], strides = [1]} : vector<16xi32> to vector<1xi32>
    %squeeze3A_513 = vector.extract %slice3A_512[0] : i32 from vector<1xi32>
    %add3A_514 = arith.addi %add3A_511, %squeeze3A_513 : i32
    %slice3A_515 = vector.extract_strided_slice %add3A_488 {offsets = [9], sizes = [1], strides = [1]} : vector<16xi32> to vector<1xi32>
    %squeeze3A_516 = vector.extract %slice3A_515[0] : i32 from vector<1xi32>
    %add3A_517 = arith.addi %add3A_514, %squeeze3A_516 : i32
    %slice3A_518 = vector.extract_strided_slice %add3A_488 {offsets = [10], sizes = [1], strides = [1]} : vector<16xi32> to vector<1xi32>
    %squeeze3A_519 = vector.extract %slice3A_518[0] : i32 from vector<1xi32>
    %add3A_520 = arith.addi %add3A_517, %squeeze3A_519 : i32
    %slice3A_521 = vector.extract_strided_slice %add3A_488 {offsets = [11], sizes = [1], strides = [1]} : vector<16xi32> to vector<1xi32>
    %squeeze3A_522 = vector.extract %slice3A_521[0] : i32 from vector<1xi32>
    %add3A_523 = arith.addi %add3A_520, %squeeze3A_522 : i32
    %slice3A_524 = vector.extract_strided_slice %add3A_488 {offsets = [12], sizes = [1], strides = [1]} : vector<16xi32> to vector<1xi32>
    %squeeze3A_525 = vector.extract %slice3A_524[0] : i32 from vector<1xi32>
    %add3A_526 = arith.addi %add3A_523, %squeeze3A_525 : i32
    %slice3A_527 = vector.extract_strided_slice %add3A_488 {offsets = [13], sizes = [1], strides = [1]} : vector<16xi32> to vector<1xi32>
    %squeeze3A_528 = vector.extract %slice3A_527[0] : i32 from vector<1xi32>
    %add3A_529 = arith.addi %add3A_526, %squeeze3A_528 : i32
    %slice3A_530 = vector.extract_strided_slice %add3A_488 {offsets = [14], sizes = [1], strides = [1]} : vector<16xi32> to vector<1xi32>
    %squeeze3A_531 = vector.extract %slice3A_530[0] : i32 from vector<1xi32>
    %add3A_532 = arith.addi %add3A_529, %squeeze3A_531 : i32
    %slice3A_533 = vector.extract_strided_slice %add3A_488 {offsets = [15], sizes = [1], strides = [1]} : vector<16xi32> to vector<1xi32>
    %squeeze3A_534 = vector.extract %slice3A_533[0] : i32 from vector<1xi32>
    %add3A_535 = arith.addi %add3A_532, %squeeze3A_534 : i32
    %broadcast_in_dim3A_536 = vector.broadcast %add3A_535 : i32 to vector<16xi32>
    %gather3A_537 = tpu.vector_load_idx %arg10[%broadcast_in_dim3A_536] : memref<208xf32, #tpu.memory_space<vmem>>[vector<16xi32>], vector<16xf32>,
    %mul3A_538 = arith.mulf %add3A_456, %gather3A_537 : vector<16xf32>
    %swap3A_539 = arith.constant 127 : i32
    %swap3A_540 = arith.index_cast %swap3A_539 : i32 to index
    %swap3A_541 = arith.constant 0 : index
    %swap3A_542 = tpu.vector_load %arg9[%swap3A_540, %swap3A_541] {strides = array<i32>} : memref<128x64xf32, #tpu.memory_space<vmem>>, vector<16xf32>,
    tpu.vector_store %arg9[%swap3A_540, %swap3A_541], %mul3A_538 {strides = array<i32>} : memref<128x64xf32, #tpu.memory_space<vmem>>, vector<16xf32>,
    %mul3A_543 = arith.mulf %add3A_461, %gather3A_537 : vector<16xf32>
    %swap3A_544 = arith.constant 127 : i32
    %swap3A_545 = arith.index_cast %swap3A_544 : i32 to index
    %swap3A_546 = arith.constant 16 : index
    %swap3A_547 = tpu.vector_load %arg9[%swap3A_545, %swap3A_546] {strides = array<i32>} : memref<128x64xf32, #tpu.memory_space<vmem>>, vector<16xf32>,
    tpu.vector_store %arg9[%swap3A_545, %swap3A_546], %mul3A_543 {strides = array<i32>} : memref<128x64xf32, #tpu.memory_space<vmem>>, vector<16xf32>,
    %mul3A_548 = arith.mulf %add3A_466, %gather3A_537 : vector<16xf32>
    %swap3A_549 = arith.constant 127 : i32
    %swap3A_550 = arith.index_cast %swap3A_549 : i32 to index
    %swap3A_551 = arith.constant 32 : index
    %swap3A_552 = tpu.vector_load %arg9[%swap3A_550, %swap3A_551] {strides = array<i32>} : memref<128x64xf32, #tpu.memory_space<vmem>>, vector<16xf32>,
    tpu.vector_store %arg9[%swap3A_550, %swap3A_551], %mul3A_548 {strides = array<i32>} : memref<128x64xf32, #tpu.memory_space<vmem>>, vector<16xf32>,
    %mul3A_553 = arith.mulf %add3A_471, %gather3A_537 : vector<16xf32>
    %swap3A_554 = arith.constant 127 : i32
    %swap3A_555 = arith.index_cast %swap3A_554 : i32 to index
    %swap3A_556 = arith.constant 48 : index
    %swap3A_557 = tpu.vector_load %arg9[%swap3A_555, %swap3A_556] {strides = array<i32>} : memref<128x64xf32, #tpu.memory_space<vmem>>, vector<16xf32>,
    tpu.vector_store %arg9[%swap3A_555, %swap3A_556], %mul3A_553 {strides = array<i32>} : memref<128x64xf32, #tpu.memory_space<vmem>>, vector<16xf32>,
    "tpu.region"() ({
      %run_scoped3A = tpu.sem_alloc : memref<!tpu.dma_semaphore, #tpu.memory_space<semaphore_mem>>
      %dma_start3A_558 = arith.constant 0 : i32
      %dma_start3A_559 = tpu.memref_slice %arg5[%mul3A_2, %dma_start3A_558] : memref<4096x64xf32, #tpu.memory_space<hbm>> -> memref<128x64xf32, #tpu.memory_space<hbm>>
      %dma_start3A_560 = arith.constant 0 : i32
      %dma_start3A_561 = tpu.memref_slice %arg5[%mul3A_2, %dma_start3A_560] : memref<4096x64xf32, #tpu.memory_space<hbm>> -> memref<128x64xf32, #tpu.memory_space<hbm>>
      tpu.enqueue_dma source(%arg9 : memref<128x64xf32, #tpu.memory_space<vmem>>) target(%dma_start3A_561 : memref<128x64xf32, #tpu.memory_space<hbm>>) target_semaphore(%run_scoped3A : memref<!tpu.dma_semaphore, #tpu.memory_space<semaphore_mem>>)
      %dma_wait3A_562 = arith.constant 0 : i32
      %dma_wait3A_563 = tpu.memref_slice %arg5[%mul3A_2, %dma_wait3A_562] : memref<4096x64xf32, #tpu.memory_space<hbm>> -> memref<128x64xf32, #tpu.memory_space<hbm>>
      %dma_wait3A_564 = arith.constant 0 : i32
      %dma_wait3A_565 = tpu.memref_slice %arg5[%mul3A_2, %dma_wait3A_564] : memref<4096x64xf32, #tpu.memory_space<hbm>> -> memref<128x64xf32, #tpu.memory_space<hbm>>
      tpu.wait_dma2 semaphore(%run_scoped3A : memref<!tpu.dma_semaphore, #tpu.memory_space<semaphore_mem>>) src(%arg9 : memref<128x64xf32, #tpu.memory_space<vmem>>) dst(%dma_wait3A_565 : memref<128x64xf32, #tpu.memory_space<hbm>>)
      tpu.yield
    }) : () -> ()
    return
  }
}

</mosaic_0001>

<sc_bundles>
// kernel: _encoder.3.cloned.1.call-start
scs
__scs_entry_jumppad:
0x0: {  	(pc) =	sbr.rel $0x88, $3  }
0x1: {  	(tag) =	ssettag $0x0;
	lr =	simm.s32 $0x1  }
0x2: {  	[smem:$0x3F9E] =	sst lr;
	_ =	strace $0xD0000000  }
0x3: {  	_ = 	snop  }
0x4: {  	_ = 	snop  }
0x5: {  	_ = 	snop  }
0x6: {  	_ = 	snop  }
0x7: {  	_ = 	snop  }
__scs_overlays_trampoline_lowered:
0x8: {  	[smem:$0x3FAD] =	sst s0  }
0x9: {  	[smem:$0x3FAE] =	sst s1  }
0xa: {  	[smem:$0x3FAF] =	sst s2  }
0xb: {  	[smem:$0x3FB0] =	sst s3  }
0xc: {  	[smem:$0x3FB1] =	sst s4  }
0xd: {  	[smem:$0x3FB2] =	sst s5  }
0xe: {  	[smem:$0x3FB3] =	sst s6  }
0xf: {  	[smem:$0x3FB4] =	sst s7  }
0x10: {  	[smem:$0x3FB5] =	sst s8  }
0x11: {  	[smem:$0x3FB6] =	sst s9;
	s0 =	simm.s32 @!p0 $0x0  }
0x12: {  	s1 =	sld [smem:$0x3F9C];
	s0 =	simm.s32 @p0 $0x1  }
0x13: {  	[smem:$0x3FB7] =	sst s0;
	s0 =	simm.s32 @!p1 $0x0  }
0x14: {  	s2 =	sld [smem:$0x3F9B];
	s0 =	simm.s32 @p1 $0x1  }
0x15: {  	[smem:$0x3FB8] =	sst s0;
	s0 =	simm.s32 @!p2 $0x0  }
0x16: {  	s3 =	sld [smem:$0x3FDB];
	s0 =	simm.s32 @p2 $0x1  }
0x17: {  	s4 =	simm.s32 $0x1BF5;
	[smem:$0x3FBA] =	sst s0  }
0x18: {  	s0 =	sld [smem:$0x3F9D];
	_ =	swait.ge [sflag:s4], $0x0  }
0x19: {  	s7 =	sld [smem:$0x3F9E]  }
0x1a: {  	s8 =	sadd.s32 $0xFFFFE003, lr  }
0x1b: {  	s9 =	sadd.s32 $0xFFFFFEF7, lr;
	s5 =	simm.s32 $0xFFFFFFFF;
	p2 =	slt.u32 s8, $0xFFFFF086  }
0x1c: {  	p1 =	slt.u32 s9, $0xF7A;
	s5 =	simm.s32 @!p2 $0x0  }
0x1d: {  	s5 =	simm.s32 @p1 $0x1;
	p0 =	seq.s32 s7, s2  }
0x1e: {  	s7 =	smul.u32 @!p0 $0xF7A, s2;
	p2 =	seq.s32 @!p0 s5, $0x0  }
0x1f: {  	s9 =	smul.u32 $0xF7A, s1;
	s8 =	simm.s32 @!p0 $0x1BF5;
	p2 =	por !p2, p0  }
0x20: {  	[sflag:s8] =	ssyncset.s32 @!p0 $0xFFFFF086;
	s6 =	sadd.s32 @!p0 s3, s7;
	s7 =	simm.s32 @!p0 $0x108  }
0x21: {  	s3 =	sadd.s32 s3, s9;
	s6 =	sadd.s32 @!p0 $0x88, s6;
	s7 =	simm.s32 @p2 $0x1082  }
0x22: {  	[simem:s7], [sflag:s8] =	dma.local @!p0 [hbm:s6], $0xF7A  }
0x23: {  	s9 =	sor.u32 $0xD0000000, s2;
	s6 =	simm.s32 $0x108;
	_ =	swait.ge @!p0 [sflag:s8], $0x0  }
0x24: {  	s3 =	sadd.s32 $0x88, s3;
	s6 =	simm.s32 @!p1 $0x1082;
	[sflag:s4] =	ssyncset.s32 $0xFFFFF086  }
0x25: {  	[simem:s6], [sflag:s4] =	dma.local [hbm:s3], $0xF7A  }
0x26: {  	[smem:$0x3F9E] =	sst s1;
	(tag) =	ssettag s2;
	_ =	strace s9  }
0x27: {  	s1 =	sld [smem:$0x3FAE]  }
0x28: {  	s2 =	sld [smem:$0x3FAF]  }
0x29: {  	s4 =	sld [smem:$0x3FB1]  }
0x2a: {  	p0 =	seq.s32 s5, $0x0;
	s5 =	sld [smem:$0x3FB2]  }
0x2b: {  	s6 =	sld [smem:$0x3FB3]  }
0x2c: {  	s7 =	sld [smem:$0x3FB4]  }
0x2d: {  	s3 =	simm.s32 $0x108;
	s8 =	sld [smem:$0x3FB5]  }
0x2e: {  	s3 =	simm.s32 @!p0 $0x1082;
	s9 =	sld [smem:$0x3FB6]  }
0x2f: {  	lr =	sadd.s32 s0, s3;
	s0 =	sld [smem:$0x3FAD]  }
0x30: {  	s3 =	sld [smem:$0x3FB0]  }
0x31: {  	[smem:$0x3FB9] =	sst s10  }
0x32: {  	s10 =	sld [smem:$0x3FB7];
	_ =	sdelay $0x3  }
0x33: {  	p0 =	seq.s32 s10, $0x1;
	s10 =	sld [smem:$0x3FB9];
	_ =	sdelay $0x3  }
0x34: {  	[smem:$0x3FB9] =	sst s10  }
0x35: {  	s10 =	sld [smem:$0x3FB8];
	_ =	sdelay $0x3  }
0x36: {  	p1 =	seq.s32 s10, $0x1;
	s10 =	sld [smem:$0x3FB9];
	_ =	sdelay $0x3  }
0x37: {  	[smem:$0x3FB9] =	sst s10  }
0x38: {  	s10 =	sld [smem:$0x3FBA]  }
0x39: {  	_ = 	snop;
	(pc) =	sbr.ind lr, $3  }
0x3a: {  	_ = 	snop  }
0x3b: {  	_ = 	snop  }
0x3c: {  	p2 =	seq.s32 s10, $0x1;
	s10 =	sld [smem:$0x3FB9]  }
0x3d: {  	_ =	shalt  }
0x3e: {  	_ =	shalt  }
0x3f: {  	_ =	shalt  }
0x40: {  	_ =	shalt  }
0x41: {  	_ =	shalt  }
0x42: {  	_ =	shalt  }
0x43: {  	_ =	shalt  }
0x44: {  	_ =	shalt  }
0x45: {  	_ =	shalt  }
0x46: {  	_ =	shalt  }
0x47: {  	_ =	shalt  }
0x48: {  	_ =	shalt  }
0x49: {  	_ =	shalt  }
0x4a: {  	_ =	shalt  }
0x4b: {  	_ =	shalt  }
0x4c: {  	_ =	shalt  }
0x4d: {  	_ =	shalt  }
0x4e: {  	_ =	shalt  }
0x4f: {  	_ =	shalt  }
0x50: {  	_ =	shalt  }
0x51: {  	_ =	shalt  }
0x52: {  	_ =	shalt  }
0x53: {  	_ =	shalt  }
0x54: {  	_ =	shalt  }
0x55: {  	_ =	shalt  }
0x56: {  	_ =	shalt  }
0x57: {  	_ =	shalt  }
0x58: {  	_ =	shalt  }
0x59: {  	_ =	shalt  }
0x5a: {  	_ =	shalt  }
0x5b: {  	_ =	shalt  }
0x5c: {  	_ =	shalt  }
0x5d: {  	_ =	shalt  }
0x5e: {  	_ =	shalt  }
0x5f: {  	_ =	shalt  }
0x60: {  	_ =	shalt  }
0x61: {  	_ =	shalt  }
0x62: {  	_ =	shalt  }
0x63: {  	_ =	shalt  }
0x64: {  	_ =	shalt  }
0x65: {  	_ =	shalt  }
0x66: {  	_ =	shalt  }
0x67: {  	_ =	shalt  }
0x68: {  	_ =	shalt  }
0x69: {  	_ =	shalt  }
0x6a: {  	_ =	shalt  }
0x6b: {  	_ =	shalt  }
0x6c: {  	_ =	shalt  }
0x6d: {  	_ =	shalt  }
0x6e: {  	_ =	shalt  }
0x6f: {  	_ =	shalt  }
0x70: {  	_ =	shalt  }
0x71: {  	_ =	shalt  }
0x72: {  	_ =	shalt  }
0x73: {  	_ =	shalt  }
0x74: {  	_ =	shalt  }
0x75: {  	_ =	shalt  }
0x76: {  	_ =	shalt  }
0x77: {  	_ =	shalt  }
0x78: {  	_ =	shalt  }
0x79: {  	_ =	shalt  }
0x7a: {  	_ =	shalt  }
0x7b: {  	_ =	shalt  }
0x7c: {  	_ =	shalt  }
0x7d: {  	_ =	shalt  }
0x7e: {  	_ =	shalt  }
0x7f: {  	_ =	shalt  }
0x80: {  	_ =	shalt  }
0x81: {  	_ =	shalt  }
0x82: {  	_ =	shalt  }
0x83: {  	_ =	shalt  }
0x84: {  	_ =	shalt  }
0x85: {  	_ =	shalt  }
0x86: {  	_ =	shalt  }
0x87: {  	_ =	shalt  }
.Lfunc_end0:
.L_simem_size_0:
called_computation_lowered:
.L_overlay_start_0:
0x88: {  	s2 =	sld [smem:$0x3FD9]  }
0x89: {  	s3 =	sld [smem:$0x3FFE];
	_ =	sdelay $0x1  }
0x8a: {  	s1 =	srdreg.scid  }
0x8b: {  	s0 =	sand.u32 $0x1, s1  }
0x8c: {  	s17 =	sshll.u32 s0, $0xA;
	s2 =	sadd.s32 s3, s2  }
0x8d: {  	s2 =	sadd.s32 s2, s17  }
0x8e: {  	[smem:$0x3FC5] =	sst s2  }
0x8f: {  	_ = 	snop  }
0x90: {  	s2 =	sld [smem:$0x3FC7]  }
0x91: {  	s18 =	sld [smem:$0x3FD0];
	(tm) =	ssettm $0x1  }
0x92: {  	s4 =	sld [smem:$0x3FFB];
	_ =	sdelay $0x3  }
0x93: {  	_ =	strace s4  }
0x94: {  	s4 =	sld [smem:$0x3FFC];
	_ =	sdelay $0x3  }
0x95: {  	_ =	strace s4  }
0x96: {  	s4 =	sld [smem:$0x3FFD];
	_ =	sdelay $0x3  }
0x97: {  	_ =	strace s4  }
0x98: {  	_ =	strace $0x8FFFFFFF  }
0x99: {  	s19 =	sld [smem:$0x3FDB];
	_ =	sdelay $0x1  }
0x9a: {  	s5 =	simm.s32 $_scs_section_size  }
0x9b: {  	s6 =	simm.s32 $_size__tile_overlayer_lowered;
	s7 =	simm.s32 $_tile_overlayer_lowered  }
0x9c: {  	s22 =	simm.s32 $0x1BFF;
	s21 =	sshll.u32 s7, $0x1;
	s4 =	sadd.s32 s5, s19  }
0x9d: {  	s8 =	simm.s32 $0x0;
	s20 =	sshll.u32 s6, $0x1;
	s6 =	sadd.s32 s21, s4  }
0x9e: {  	[timem:s8], [sflag:s22] =	dma.local [hbm:s6], s20  }
0x9f: {  	_ =	swait.ge [sflag:s22], s20  }
0xa0: {  	s5 =	ssub.s32 $0x0, s20;
	[sflag:s22] =	ssyncset.done $0x0  }
0xa1: {  	[sflag:s22] =	ssyncadd.s32 s5;
	_ =	sdelay $0x1  }
0xa2: {  	s23 =	simm.s32 $0x1B8B  }
0xa3: {  	_ =	swait.ge [sflag:s23], $0x1  }
0xa4: {  	[sflag:s23] =	ssyncset.done $0x0  }
0xa5: {  	s25 =	simm.s32 $0x1B8E;
	s24 =	sld [smem:$0x3FFE];
	[sflag:s23] =	ssyncadd.s32 $0xFFFFFFFF  }
0xa6: {  	s26 =	simm.s32 $execute0_lowered;
	[smem:$0x3FD2] =	sst s25  }
0xa7: {  	s6 =	sshll.u32 s26, $0x1;
	_ =	strace $0x80000046;
	[dreg:$0x1] =	wrdreg $0xFFFFFFFF  }
0xa8: {  	s28 =	simm.s32 $_size_execute0_lowered;
	s4 =	sadd.s32 s4, s6;
	[dreg:$0x0] =	wrdreg $0x0  }
0xa9: {  	s6 =	sshll.u32 s28, $0x1;
	[dreg:$0x2] =	wrdreg s4  }
0xaa: {  	[dreg:$0x3] =	wrdreg s6  }
0xab: {  	[dreg:$0x4] =	wrdreg $0xC0  }
0xac: {  	_ =	task [dreg:s8], $0x5FFFF  }
0xad: {  	[dreg:$0x1] =	wrdreg $0xFFFFFFFF  }
0xae: {  	[dreg:$0x0] =	wrdreg $0x60  }
0xaf: {  	[dreg:$0x2] =	wrdreg s24  }
0xb0: {  	[dreg:$0x3] =	wrdreg s2  }
0xb1: {  	[dreg:$0x4] =	wrdreg s18  }
0xb2: {  	[dreg:$0x5] =	wrdreg $0x9  }
0xb3: {  	_ =	task.clear_ibuf [dreg:s8], $0x6FFFF;
	_ =	strace $0x90000046  }
0xb4: {  	s29 =	simm.s32 $0x9;
	_ =	strace $0x80000048  }
0xb5: {  	_ =	swait.ge [sflag:s29], $0x1  }
0xb6: {  	[sflag:s29] =	ssyncadd.s32 $0xFFFFFFFF  }
0xb7: {  	_ =	strace $0x90000048  }
0xb8: {  	_ =	sfence  }
0xb9: {  	s30 =	sld [smem:$0x0];
	_ =	sdelay $0x2  }
0xba: {  	s31 =	sshll.u32 s1, $0xD;
	s1 =	sshrl.u32 s1, $0x2  }
0xbb: {  	s3 =	sand.u32 $0x4000, s31;
	s1 =	sadd.s32 s1, s30  }
0xbc: {  	s0 =	sor.u32 s3, s0;
	s1 =	sshll.u32 s1, $0x11  }
0xbd: {  	s0 =	sor.u32 s1, s0  }
0xbe: {  	s0 =	sadd.s32 $0x8F2B, s0  }
0xbf: {  	[sflag:s0] =	ssyncadd.remote.s32 $0x1  }
0xc0: {  	_ =	sfence.sel $0xFFFF  }
0xc1: {  	[dreg:$0x0] =	wrdreg $0xFFFFFFFF;
	(pc) =	sbr.abs _section_cstart, $3  }
0xc2: {  	[dreg:$0x1] =	wrdreg $0xFFFFFFFF  }
0xc3: {  	_ =	task.clear_ibuf [dreg:s8], $0x2FFFF;
	_ =	strace $0x9FFFFFFF  }
0xc4: {  	(tm) =	ssettm $0x7FFFFFFF  }
0xc5: {  	_ =	shalt  }
tec
execute0_lowered:
.L_overlay_start_1:
0x0: {  	(tag) =	ssettag $0x1  }
0x1: {  	s4 =	rddreg [dreg:$0x0]  }
0x2: {  	s1 =	srdreg.scid;
	s2 =	rddreg [dreg:$0x1]  }
0x3: {  	s0 =	stileid.u32;
	s6 =	rddreg [dreg:$0x2];
	s10 =	simm.s32 $0x80  }
0x4: {  	s11 =	simm.s32 $0x6400;
	s12 =	simm.s32 $0x48;
	s13 =	simm.s32 $0x8400  }
0x5: {  	s14 =	simm.s32 $0x9600;
	s15 =	simm.s32 $0xB600;
	s16 =	simm.s32 $0x1  }
0x6: {  	s17 =	simm.s32 $0x2;
	s18 =	simm.s32 $0x6338;
	s19 =	simm.s32 $0x63B8  }
0x7: {  	s20 =	simm.s32 $0xC800;
	s21 =	simm.s32 $0x0;
	s5 =	sand.u32 $0x1, s1  }
0x8: {  	s31 =	sshll.u32 s0, $0x8;
	s3 =	sshll.u32 s5, $0x7;
	s5 =	ssub.s32 $0x2, s5  }
0x9: {  	s7 =	sor.u32 s3, s31;
	s3 =	simm.s32 $0x0;
	s9 =	sshrl.u32 s5, $0x1  }
0xa: {  	s8 =	smul.u32 $0x19, s7;
	[smem:$0x7FF] =	sst s3;
	s7 =	sshll.u32 s7, $0x3  }
0xb: {  	s9 =	ssub.s32 s5, s9;
	_ =	strace $0x80000047;
	s6 =	sadd.s32 s6, s7  }
0xc: {  	s7 =	smax.u32 s9, $0x1;
	s9 =	simm.s32 $0x3;
	s8 =	sadd.s32 s8, s4  }
0xd: {  	v0 =	vimm.s32 $0x0;
	vm0 =	vcmask $0x3F20;
	s4 =	sadd.s32 $0xF42A00, s4;
	s5 =	sadd.s32 $0x600, s8;
	s8 =	simm.s32 $0xE800  }
.LBB2_1:
0xe: {  	[tilespmem:s8], [sflag:$0x3] =	stream.linear.gather [hbm4b:s2+s3], $0xD0, $0x38;
	[tilespmem:$0xE8D0] =	vst v63  }
0xf: {  	_ =	swait.ge [sflag:s9], $0xD0  }
0x10: {  	[sflag:s9] =	ssyncset.done $0x0  }
0x11: {  	[sflag:s9] =	ssyncadd.s32 $0xFFFFFF30  }
0x12: {  	[tilespmem:s3], [sflag:$0x3] =	stream.linear.gather [hbm4b:s5+s3], $0x6400, $0x38;
	[tilespmem:$0xE8D0] =	vst v63  }
0x13: {  	_ =	swait.ge [sflag:s9], $0x6400  }
0x14: {  	[sflag:s9] =	ssyncset.done $0x0  }
0x15: {  	[sflag:s9] =	ssyncadd.s32 $0xFFFF9C00  }
0x16: {  	[tilespmem:s11], [sflag:$0x1] =	stream.indirect.gather [hbm4b:s4+s10], $0x40, s3, s10, $0xb8;
	[tilespmem:$0xE8D0] =	vst v63  }
0x17: {  	s22 =	simm.s32 $0xC8;
	s23 =	simm.s32 $0x0;
	s24 =	simm.s32 $0x0  }
0x18: {  	[tilespmem:s13], [sflag:$0x1] =	stream.indirect.gather [hbm4b:s4+s12], $0x40, s10, s12, $0xb8;
	[tilespmem:$0xE8D0] =	vst v63  }
.LBB2_2:
0x19: {  	s25 =	sshllo.u32 s24, $0x1  }
0x1a: {  	s26 =	smul.u32 $0x320, s25;
	_ =	sdelay $0x1  }
0x1b: {  	s26 =	sshra.s32 s26, $0x2  }
0x1c: {  	[tilespmem:s14], [sflag:$0x2] =	stream.indirect.gather [hbm4b:s4+s10], $0x40, s26, s10, $0xb8;
	[tilespmem:$0xE8D0] =	vst v63  }
0x1d: {  	s28 =	sadd.s32 $0x80, s26  }
0x1e: {  	[tilespmem:s15], [sflag:$0x2] =	stream.indirect.gather [hbm4b:s4+s12], $0x40, s28, s12, $0xb8;
	[tilespmem:$0xE8D0] =	vst v63  }
0x1f: {  	_ =	swait.ge [sflag:s16], $0x3200  }
0x20: {  	[sflag:s16] =	ssyncset.done $0x0  }
0x21: {  	s29 =	simm.s32 $0x6600;
	[sflag:s16] =	ssyncadd.s32 $0xFFFFCE00  }
0x22: {  	v2 =	vld [tilespmem:s29+$0x1C0]  }
0x23: {  	v1 =	vld [tilespmem:s29+$0x1D0]  }
0x24: {  	v4 =	vld [tilespmem:s29+$0x180]  }
0x25: {  	v5 =	vld [tilespmem:s29+$0x190]  }
0x26: {  	v3 =	vld [tilespmem:s29+$0x1A0]  }
0x27: {  	v7 =	vld [tilespmem:s29+$0x140]  }
0x28: {  	v6 =	vld [tilespmem:s29+$0x150]  }
0x29: {  	v9 =	vld [tilespmem:s29+$0x100]  }
0x2a: {  	v8 =	vld [tilespmem:s29+$0x110]  }
0x2b: {  	v11 =	vld [tilespmem:s29+$0xC0]  }
0x2c: {  	v10 =	vld [tilespmem:s29+$0xD0]  }
0x2d: {  	v13 =	vld [tilespmem:s29+$0x80]  }
0x2e: {  	v12 =	vld [tilespmem:s29+$0x90]  }
0x2f: {  	v16 =	vld [tilespmem:s29+$0x40]  }
0x30: {  	v15 =	vld [tilespmem:s29+$0x50]  }
0x31: {  	v19 =	vld [tilespmem:s29+$0x0]  }
0x32: {  	v18 =	vld [tilespmem:s29+$0x10]  }
0x33: {  	v21 =	vld [tilespmem:s29+$0xFFFFFFC0]  }
0x34: {  	v20 =	vld [tilespmem:s29+$0xFFFFFFD0]  }
0x35: {  	v22 =	vld [tilespmem:s29+$0xFFFFFF80]  }
0x36: {  	v23 =	vld [tilespmem:s29+$0xFFFFFF90]  }
0x37: {  	v24 =	vld [tilespmem:s29+$0xFFFFFF40]  }
0x38: {  	v25 =	vld [tilespmem:s29+$0xFFFFFF50]  }
0x39: {  	v26 =	vld [tilespmem:s29+$0xFFFFFF00]  }
0x3a: {  	v27 =	vld [tilespmem:s29+$0xFFFFFF10]  }
0x3b: {  	v28 =	vld [tilespmem:s29+$0xFFFFFEC0]  }
0x3c: {  	v30 =	vld [tilespmem:s29+$0xFFFFFED0]  }
0x3d: {  	v34 =	vld [tilespmem:s29+$0xFFFFFE80]  }
0x3e: {  	v35 =	vld [tilespmem:s29+$0xFFFFFE90]  }
0x3f: {  	v36 =	vld [tilespmem:s29+$0xFFFFFE40]  }
0x40: {  	v37 =	vld [tilespmem:s29+$0xFFFFFE50]  }
0x41: {  	v38 =	vld [tilespmem:s29+$0xFFFFFE00]  }
0x42: {  	s28 =	smul.u32 $0x640, s24;
	v39 =	vld [tilespmem:s29+$0xFFFFFE10]  }
0x43: {  	v29 =	vimm.f32 $0.0e+00;
	v14 =	vimm.s32 $0x0;
	v17 =	vmov s23;
	v40 =	vld [tilespmem:s29+$0xFFFFFE20]  }
0x44: {  	s30 =	simm.s32 $0x0;
	s31 =	simm.s32 $0x40;
	v31 =	vimm.f32 $0.0e+00;
	v32 =	vimm.f32 $0.0e+00;
	v33 =	vimm.f32 $0.0e+00;
	s28 =	sshra.s32 s28, $0x2;
	v41 =	vld [tilespmem:s29+$0xFFFFFE30]  }
.LBB2_3:
0x45: {  	p0 =	sne.s32 s31, $0x2C0;
	v42 =	vld [tilespmem:s29+$0xFFFFFE60]  }
0x46: {  	v43 =	vld [tilespmem:s29+$0xFFFFFE70]  }
0x47: {  	v44 =	vld [tilespmem:s29+$0xFFFFFEA0]  }
0x48: {  	v29 =	vadd.f32 v38, v29;
	v31 =	vadd.f32 v39, v31;
	v38 =	vld [tilespmem:s29+$0xFFFFFEB0]  }
0x49: {  	v32 =	vadd.f32 v40, v32;
	v33 =	vadd.f32 v41, v33;
	v39 =	vld [tilespmem:s29+$0xFFFFFEE0]  }
0x4a: {  	v29 =	vadd.f32 v36, v29;
	v31 =	vadd.f32 v37, v31;
	v36 =	vld [tilespmem:s29+$0xFFFFFEF0]  }
0x4b: {  	v32 =	vadd.f32 v42, v32;
	v33 =	vadd.f32 v43, v33;
	v37 =	vld [tilespmem:s29+$0xFFFFFF20]  }
0x4c: {  	v29 =	vadd.f32 v34, v29;
	v31 =	vadd.f32 v35, v31;
	v34 =	vld [tilespmem:s29+$0xFFFFFF30]  }
0x4d: {  	v32 =	vadd.f32 v44, v32;
	v33 =	vadd.f32 v38, v33;
	v35 =	vld [tilespmem:s29+$0xFFFFFF60]  }
0x4e: {  	v28 =	vadd.f32 v28, v29;
	v29 =	vadd.f32 v30, v31;
	v30 =	vld [tilespmem:s29+$0xFFFFFF70]  }
0x4f: {  	v31 =	vadd.f32 v39, v32;
	v32 =	vadd.f32 v36, v33;
	v33 =	vld [tilespmem:s29+$0xFFFFFFA0]  }
0x50: {  	v26 =	vadd.f32 v26, v28;
	v27 =	vadd.f32 v27, v29;
	v28 =	vld [tilespmem:s29+$0xFFFFFFB0]  }
0x51: {  	v29 =	vadd.f32 v37, v31;
	v31 =	vadd.f32 v34, v32;
	v32 =	vld [tilespmem:s29+$0xFFFFFFE0]  }
0x52: {  	v24 =	vadd.f32 v24, v26;
	v25 =	vadd.f32 v25, v27;
	v26 =	vld [tilespmem:s29+$0xFFFFFFF0]  }
0x53: {  	v27 =	vadd.f32 v35, v29;
	v29 =	vadd.f32 v30, v31;
	v30 =	vld [tilespmem:s29+$0x20]  }
0x54: {  	v22 =	vadd.f32 v22, v24;
	v23 =	vadd.f32 v23, v25;
	v24 =	vld [tilespmem:s29+$0x30]  }
0x55: {  	v25 =	vadd.f32 v33, v27;
	v27 =	vadd.f32 v28, v29;
	v28 =	vld [tilespmem:s29+$0x60]  }
0x56: {  	v21 =	vadd.f32 v21, v22;
	v20 =	vadd.f32 v20, v23;
	v22 =	vld [tilespmem:s29+$0x70]  }
0x57: {  	v23 =	vadd.f32 v32, v25;
	v25 =	vadd.f32 v26, v27;
	v26 =	vld [tilespmem:s29+$0xA0]  }
0x58: {  	v19 =	vadd.f32 v19, v21;
	v18 =	vadd.f32 v18, v20;
	v20 =	vld [tilespmem:s29+$0xB0]  }
0x59: {  	v21 =	vadd.f32 v30, v23;
	v23 =	vadd.f32 v24, v25;
	v24 =	vld [tilespmem:s29+$0xE0]  }
0x5a: {  	v16 =	vadd.f32 v16, v19;
	v15 =	vadd.f32 v15, v18;
	v18 =	vld [tilespmem:s29+$0xF0]  }
0x5b: {  	v19 =	vadd.f32 v28, v21;
	v21 =	vadd.f32 v22, v23;
	v22 =	vld [tilespmem:s29+$0x120]  }
0x5c: {  	v13 =	vadd.f32 v13, v16;
	v12 =	vadd.f32 v12, v15;
	v15 =	vld [tilespmem:s29+$0x130]  }
0x5d: {  	v16 =	vadd.f32 v26, v19;
	v19 =	vadd.f32 v20, v21;
	v20 =	vld [tilespmem:s29+$0x160]  }
0x5e: {  	s1 =	sshra.s32 s30, $0x2;
	s30 =	smov.u32 s31;
	v11 =	vadd.f32 v11, v13;
	v10 =	vadd.f32 v10, v12;
	v12 =	vld [tilespmem:s29+$0x170]  }
0x5f: {  	v13 =	vadd.f32 v24, v16;
	v16 =	vadd.f32 v18, v19;
	v18 =	vld.idx.msk [tilespmem:v17+s1+$0x0 ss:$0x1], $0xffff  }
0x60: {  	v9 =	vadd.f32 v9, v11;
	v8 =	vadd.f32 v8, v10;
	v10 =	vld [tilespmem:s29+$0x1B0]  }
0x61: {  	v11 =	vadd.f32 v22, v13;
	v13 =	vadd.f32 v15, v16;
	v15 =	vld [tilespmem:s29+$0x1E0]  }
0x62: {  	v7 =	vadd.f32 v7, v9;
	v6 =	vadd.f32 v6, v8;
	v8 =	vld [tilespmem:s29+$0x1F0];
	s29 =	sadd.s32 $0x400, s29  }
0x63: {  	v11 =	vadd.f32 v20, v11;
	v9 =	vld [tilespmem:s29+$0x1C0];
	v12 =	vadd.f32 v12, v13  }
0x64: {  	v7 =	vadd.f32 v4, v7;
	v6 =	vadd.f32 v5, v6;
	v13 =	vld [tilespmem:s29+$0x1D0]  }
0x65: {  	v11 =	vadd.f32 v3, v11;
	vm1 =	vne.s32 v18, $0x0;
	v4 =	vld [tilespmem:s29+$0x180];
	v10 =	vadd.f32 v10, v12  }
0x66: {  	v29 =	vadd.f32 v2, v7;
	v31 =	vadd.f32 v1, v6;
	v1 =	vsel vm1, $0x1, v0;
	v5 =	vld [tilespmem:s29+$0x190]  }
0x67: {  	v32 =	vadd.f32 v15, v11;
	v14 =	vadd.s32 v1, v14;
	v3 =	vld [tilespmem:s29+$0x1A0];
	v33 =	vadd.f32 v8, v10  }
0x68: {  	v7 =	vld [tilespmem:s29+$0x140];
	v2 =	vmov v9  }
0x69: {  	v6 =	vld [tilespmem:s29+$0x150];
	v1 =	vmov v13  }
0x6a: {  	v9 =	vld [tilespmem:s29+$0x100]  }
0x6b: {  	v8 =	vld [tilespmem:s29+$0x110]  }
0x6c: {  	v11 =	vld [tilespmem:s29+$0xC0]  }
0x6d: {  	v10 =	vld [tilespmem:s29+$0xD0]  }
0x6e: {  	v13 =	vld [tilespmem:s29+$0x80]  }
0x6f: {  	v12 =	vld [tilespmem:s29+$0x90]  }
0x70: {  	v16 =	vld [tilespmem:s29+$0x40]  }
0x71: {  	v15 =	vld [tilespmem:s29+$0x50]  }
0x72: {  	v19 =	vld [tilespmem:s29+$0x0]  }
0x73: {  	v18 =	vld [tilespmem:s29+$0x10]  }
0x74: {  	v21 =	vld [tilespmem:s29+$0xFFFFFFC0]  }
0x75: {  	v20 =	vld [tilespmem:s29+$0xFFFFFFD0]  }
0x76: {  	v22 =	vld [tilespmem:s29+$0xFFFFFF80]  }
0x77: {  	v23 =	vld [tilespmem:s29+$0xFFFFFF90]  }
0x78: {  	v24 =	vld [tilespmem:s29+$0xFFFFFF40]  }
0x79: {  	v25 =	vld [tilespmem:s29+$0xFFFFFF50]  }
0x7a: {  	v26 =	vld [tilespmem:s29+$0xFFFFFF00]  }
0x7b: {  	v27 =	vld [tilespmem:s29+$0xFFFFFF10]  }
0x7c: {  	v28 =	vld [tilespmem:s29+$0xFFFFFEC0]  }
0x7d: {  	v30 =	vld [tilespmem:s29+$0xFFFFFED0]  }
0x7e: {  	v34 =	vld [tilespmem:s29+$0xFFFFFE80]  }
0x7f: {  	v35 =	vld [tilespmem:s29+$0xFFFFFE90]  }
0x80: {  	v36 =	vld [tilespmem:s29+$0xFFFFFE40]  }
.Ltmp0:
0x81: {  	v37 =	vld [tilespmem:s29+$0xFFFFFE50];
	(pc) =	sbr.rel @p0 .LBB2_3-.Ltmp0, $4  }
0x82: {  	v38 =	vld [tilespmem:s29+$0xFFFFFE00]  }
0x83: {  	v39 =	vld [tilespmem:s29+$0xFFFFFE10]  }
0x84: {  	v40 =	vld [tilespmem:s29+$0xFFFFFE20]  }
0x85: {  	s31 =	sadd.s32 $0x40, s31;
	v41 =	vld [tilespmem:s29+$0xFFFFFE30]  }
0x86: {  	v42 =	vld [tilespmem:s29+$0xFFFFFE60]  }
0x87: {  	v43 =	vld [tilespmem:s29+$0xFFFFFE70]  }
0x88: {  	v44 =	vld [tilespmem:s29+$0xFFFFFEA0]  }
0x89: {  	v45 =	vld [tilespmem:s29+$0xFFFFFEB0]  }
0x8a: {  	v46 =	vld [tilespmem:s29+$0xFFFFFEE0]  }
0x8b: {  	v47 =	vld [tilespmem:s29+$0xFFFFFEF0]  }
0x8c: {  	v48 =	vld [tilespmem:s29+$0xFFFFFF20]  }
0x8d: {  	v49 =	vld [tilespmem:s29+$0xFFFFFF30]  }
0x8e: {  	v50 =	vld [tilespmem:s29+$0xFFFFFF60]  }
0x8f: {  	v51 =	vld [tilespmem:s29+$0xFFFFFF70]  }
0x90: {  	v52 =	vld [tilespmem:s29+$0xFFFFFFA0]  }
0x91: {  	v53 =	vld [tilespmem:s29+$0xFFFFFFB0];
	v29 =	vadd.f32 v38, v29  }
0x92: {  	v62 =	vld [tilespmem:s29+$0xFFFFFFE0];
	v31 =	vadd.f32 v39, v31;
	v32 =	vadd.f32 v40, v32  }
0x93: {  	v63 =	vld [tilespmem:s29+$0xFFFFFFF0];
	v29 =	vadd.f32 v36, v29;
	v33 =	vadd.f32 v41, v33  }
0x94: {  	v54 =	vld [tilespmem:s29+$0x20];
	v31 =	vadd.f32 v37, v31;
	v32 =	vadd.f32 v42, v32  }
0x95: {  	v55 =	vld [tilespmem:s29+$0x30];
	v29 =	vadd.f32 v34, v29;
	v33 =	vadd.f32 v43, v33  }
0x96: {  	v56 =	vld [tilespmem:s29+$0x60];
	s1 =	sshra.s32 s30, $0x2;
	v31 =	vadd.f32 v35, v31;
	v32 =	vadd.f32 v44, v32  }
0x97: {  	v17 =	vld.idx.msk [tilespmem:v17+s1+$0x0 ss:$0x1], $0xffff;
	v28 =	vadd.f32 v28, v29;
	v33 =	vadd.f32 v45, v33  }
0x98: {  	v58 =	vld [tilespmem:s29+$0xA0];
	v29 =	vadd.f32 v30, v31;
	v31 =	vadd.f32 v46, v32  }
0x99: {  	v59 =	vld [tilespmem:s29+$0xE0];
	v26 =	vadd.f32 v26, v28;
	v57 =	vadd.f32 v47, v33  }
0x9a: {  	v60 =	vld [tilespmem:s29+$0x1E0];
	v27 =	vadd.f32 v27, v29;
	v29 =	vadd.f32 v48, v31  }
0x9b: {  	v30 =	vld [tilespmem:s29+$0x70];
	v24 =	vadd.f32 v24, v26;
	v31 =	vadd.f32 v49, v57  }
0x9c: {  	vm1 =	vne.s32 v17, $0x0;
	v28 =	vld [tilespmem:s29+$0xB0];
	v25 =	vadd.f32 v25, v27;
	v17 =	vadd.f32 v50, v29  }
0x9d: {  	v26 =	vld [tilespmem:s29+$0xF0];
	v22 =	vadd.f32 v22, v24;
	v27 =	vadd.f32 v51, v31;
	v31 =	vsel vm1, $0x1, v0  }
0x9e: {  	v24 =	vld [tilespmem:s28+$0xB8];
	v23 =	vadd.f32 v23, v25;
	v14 =	vadd.s32 v31, v14;
	v17 =	vadd.f32 v52, v17  }
0x9f: {  	v29 =	vld [tilespmem:s29+$0x120];
	v21 =	vadd.f32 v21, v22;
	(v2sf) =	vpush v14, $0x0  }
0xa0: {  	v25 =	vld [tilespmem:s29+$0x130];
	v27 =	vadd.f32 v53, v27;
	(v2sf) =	vpush v14, $0x1  }
0xa1: {  	v31 =	vld [tilespmem:s29+$0x160];
	v20 =	vadd.f32 v20, v23;
	(v2sf) =	vpush v14, $0x2  }
0xa2: {  	v22 =	vld [tilespmem:s29+$0x170];
	v17 =	vadd.f32 v62, v17;
	(v2sf) =	vpush v14, $0x3  }
0xa3: {  	v23 =	vld [tilespmem:s29+$0x1B0];
	v19 =	vadd.f32 v19, v21;
	vm1 =	vne.s32 v24, $0x0;
	(v2sf) =	vpush v14, $0x4  }
0xa4: {  	v21 =	vld [tilespmem:$0x9400];
	v24 =	vadd.f32 v63, v27;
	vm1 =	vmand vm1, vm0;
	(v2sf) =	vpush v14, $0x5  }
0xa5: {  	v62 =	vld [tilespmem:$0x9430];
	v18 =	vadd.f32 v18, v20;
	v61 =	vsel vm1, $0x1, v0;
	(v2sf) =	vpush v14, $0x6  }
0xa6: {  	v27 =	vld [tilespmem:s29+$0x1F0];
	v16 =	vadd.f32 v16, v19;
	v38 =	vadd.s32 v61, v14;
	(v2sf) =	vpush v14, $0x7  }
0xa7: {  	v20 =	vld [tilespmem:$0x9410];
	v24 =	vadd.f32 v55, v24;
	(v2sf) =	vpush v38, $0x8  }
0xa8: {  	v63 =	vld [tilespmem:$0x9460];
	v15 =	vadd.f32 v15, v18;
	(v2sf) =	vpush v38, $0x9  }
0xa9: {  	v19 =	vld [tilespmem:$0x9440];
	v13 =	vadd.f32 v13, v16;
	(v2sf) =	vpush v38, $0xA  }
0xaa: {  	v18 =	vld [tilespmem:$0x9450];
	v24 =	vadd.f32 v30, v24;
	(v2sf) =	vpush v38, $0xB  }
0xab: {  	v16 =	vld [tilespmem:$0x9480];
	v14 =	vadd.f32 v54, v17;
	(v2sf) =	vpush v38, $0xC  }
0xac: {  	v30 =	vld [tilespmem:$0x9470];
	v12 =	vadd.f32 v12, v15;
	(v2sf) =	vpush v38, $0xD  }
0xad: {  	v15 =	vld [tilespmem:$0x9490];
	v14 =	vadd.f32 v56, v14;
	(v2sf) =	vpush v38, $0xE  }
0xae: {  	v17 =	vld [tilespmem:$0x9420];
	v11 =	vadd.f32 v11, v13;
	s31 =	spop (v2sf);
	(v2sf) =	vpush v38, $0xF  }
0xaf: {  	v13 =	vld [tilespmem:$0x94A0];
	v10 =	vadd.f32 v10, v12;
	v14 =	vadd.f32 v58, v14;
	s29 =	spop (v2sf)  }
0xb0: {  	v24 =	vadd.f32 v28, v24;
	v12 =	vld [tilespmem:$0x94B0];
	v9 =	vadd.f32 v9, v11;
	s1 =	sadd.s32 s29, s31;
	s29 =	spop (v2sf)  }
0xb1: {  	v11 =	vld [tilespmem:$0x94C0];
	v8 =	vadd.f32 v8, v10;
	v14 =	vadd.f32 v59, v14;
	s1 =	sadd.s32 s29, s1;
	s29 =	spop (v2sf)  }
0xb2: {  	v24 =	vadd.f32 v26, v24;
	v10 =	vld [tilespmem:$0x94D0];
	v7 =	vadd.f32 v7, v9;
	s1 =	sadd.s32 s29, s1;
	s29 =	spop (v2sf)  }
0xb3: {  	v9 =	vld [tilespmem:$0x94E0];
	v6 =	vadd.f32 v6, v8;
	v14 =	vadd.f32 v29, v14;
	s1 =	sadd.s32 s29, s1;
	s29 =	spop (v2sf)  }
0xb4: {  	v24 =	vadd.f32 v25, v24;
	v8 =	vld [tilespmem:$0x94F0];
	v4 =	vadd.f32 v4, v7;
	s1 =	sadd.s32 s29, s1;
	s29 =	spop (v2sf)  }
0xb5: {  	v7 =	vld [tilespmem:$0x9500];
	v5 =	vadd.f32 v5, v6;
	v14 =	vadd.f32 v31, v14;
	s1 =	sadd.s32 s29, s1;
	s29 =	spop (v2sf)  }
0xb6: {  	v22 =	vadd.f32 v22, v24;
	v6 =	vld [tilespmem:$0x9510];
	v2 =	vadd.f32 v2, v4;
	s1 =	sadd.s32 s29, s1;
	s29 =	spop (v2sf)  }
0xb7: {  	v4 =	vld [tilespmem:$0x9520];
	v1 =	vadd.f32 v1, v5;
	v3 =	vadd.f32 v3, v14;
	s1 =	sadd.s32 s29, s1;
	s29 =	spop (v2sf)  }
0xb8: {  	v5 =	vld [tilespmem:$0x9530];
	v2 =	vadd.f32 v21, v2;
	v14 =	vadd.f32 v23, v22;
	s1 =	sadd.s32 s29, s1;
	s29 =	spop (v2sf)  }
0xb9: {  	v21 =	vld [tilespmem:$0x9540];
	v1 =	vadd.f32 v20, v1;
	v3 =	vadd.f32 v60, v3;
	s1 =	sadd.s32 s29, s1;
	s29 =	spop (v2sf)  }
0xba: {  	v20 =	vld [tilespmem:$0x9550];
	v2 =	vadd.f32 v19, v2;
	v14 =	vadd.f32 v27, v14;
	s1 =	sadd.s32 s29, s1;
	s29 =	spop (v2sf)  }
0xbb: {  	v1 =	vadd.f32 v18, v1;
	v18 =	vld [tilespmem:$0x9570];
	v3 =	vadd.f32 v17, v3;
	s1 =	sadd.s32 s29, s1;
	s29 =	spop (v2sf)  }
0xbc: {  	v2 =	vadd.f32 v16, v2;
	v16 =	vld [tilespmem:$0x9580];
	v14 =	vadd.f32 v62, v14;
	s1 =	sadd.s32 s29, s1;
	s29 =	spop (v2sf)  }
0xbd: {  	v1 =	vadd.f32 v15, v1;
	v15 =	vld [tilespmem:$0x9590];
	v3 =	vadd.f32 v63, v3;
	s1 =	sadd.s32 s29, s1;
	s29 =	spop (v2sf)  }
0xbe: {  	v17 =	vld [tilespmem:$0x9560];
	v14 =	vadd.f32 v30, v14;
	s1 =	sadd.s32 s29, s1  }
0xbf: {  	v2 =	vadd.f32 v11, v2;
	v11 =	vld [tilespmem:$0x95A0];
	v3 =	vadd.f32 v13, v3;
	v13 =	vmov s1  }
0xc0: {  	v1 =	vadd.f32 v10, v1;
	v10 =	vld [tilespmem:$0x95B0];
	v12 =	vadd.f32 v12, v14  }
0xc1: {  	v2 =	vadd.f32 v7, v2;
	v7 =	vld [tilespmem:$0x95C0];
	v3 =	vadd.f32 v9, v3  }
0xc2: {  	v1 =	vadd.f32 v6, v1;
	v6 =	vld [tilespmem:$0x95D0];
	v8 =	vadd.f32 v8, v12  }
0xc3: {  	v2 =	vadd.f32 v21, v2;
	v3 =	vadd.f32 v4, v3;
	v4 =	vld [tilespmem:$0x95E0]  }
0xc4: {  	v1 =	vadd.f32 v20, v1;
	v5 =	vadd.f32 v5, v8;
	v8 =	vld.idx.msk [tilespmem:v13+s8+$0x0], $0xffff  }
0xc5: {  	v2 =	vadd.f32 v16, v2;
	v9 =	vld [tilespmem:$0x95F0];
	v3 =	vadd.f32 v17, v3  }
0xc6: {  	v1 =	vadd.f32 v15, v1;
	v5 =	vadd.f32 v18, v5  }
0xc7: {  	v2 =	vadd.f32 v7, v2;
	v3 =	vadd.f32 v11, v3  }
0xc8: {  	v1 =	vadd.f32 v6, v1;
	v5 =	vadd.f32 v10, v5  }
0xc9: {  	s31 =	sshll.u32 s24, $0x7;
	v3 =	vadd.f32 v4, v3;
	v2 =	vmul.f32 v8, v2  }
0xca: {  	s1 =	sand.u32 $0x3FFFFF80, s31;
	v4 =	vadd.f32 v9, v5;
	v1 =	vmul.f32 v8, v1  }
0xcb: {  	[tilespmem:s1+$0xC800] =	vst v2;
	v2 =	vmul.f32 v8, v3  }
0xcc: {  	[tilespmem:s1+$0xC810] =	vst v1;
	v1 =	vmul.f32 v8, v4  }
0xcd: {  	[tilespmem:s1+$0xC820] =	vst v2  }
0xce: {  	s31 =	sadd.s32 $0x190, s28;
	[tilespmem:s1+$0xC830] =	vst v1  }
0xcf: {  	[tilespmem:s11], [sflag:$0x1] =	stream.indirect.gather [hbm4b:s4+s10], $0x40, s31, s10, $0xb8;
	[tilespmem:$0xE8D0] =	vst v63  }
0xd0: {  	s31 =	sadd.s32 $0x210, s28  }
0xd1: {  	[tilespmem:s13], [sflag:$0x1] =	stream.indirect.gather [hbm4b:s4+s12], $0x40, s31, s12, $0xb8;
	[tilespmem:$0xE8D0] =	vst v63  }
0xd2: {  	_ =	swait.ge [sflag:s17], $0x3200  }
0xd3: {  	[sflag:s17] =	ssyncset.done $0x0  }
0xd4: {  	s28 =	simm.s32 $0x9800;
	[sflag:s17] =	ssyncadd.s32 $0xFFFFCE00  }
0xd5: {  	v2 =	vld [tilespmem:s28+$0x1C0]  }
0xd6: {  	v1 =	vld [tilespmem:s28+$0x1D0]  }
0xd7: {  	v4 =	vld [tilespmem:s28+$0x180]  }
0xd8: {  	v5 =	vld [tilespmem:s28+$0x190]  }
0xd9: {  	v3 =	vld [tilespmem:s28+$0x1A0]  }
0xda: {  	v7 =	vld [tilespmem:s28+$0x140]  }
0xdb: {  	v6 =	vld [tilespmem:s28+$0x150]  }
0xdc: {  	v9 =	vld [tilespmem:s28+$0x100]  }
0xdd: {  	v8 =	vld [tilespmem:s28+$0x110]  }
0xde: {  	v11 =	vld [tilespmem:s28+$0xC0]  }
0xdf: {  	v10 =	vld [tilespmem:s28+$0xD0]  }
0xe0: {  	v13 =	vld [tilespmem:s28+$0x80]  }
0xe1: {  	v12 =	vld [tilespmem:s28+$0x90]  }
0xe2: {  	v16 =	vld [tilespmem:s28+$0x40]  }
0xe3: {  	v15 =	vld [tilespmem:s28+$0x50]  }
0xe4: {  	v19 =	vld [tilespmem:s28+$0x0]  }
0xe5: {  	v18 =	vld [tilespmem:s28+$0x10]  }
0xe6: {  	v21 =	vld [tilespmem:s28+$0xFFFFFFC0]  }
0xe7: {  	v20 =	vld [tilespmem:s28+$0xFFFFFFD0]  }
0xe8: {  	v22 =	vld [tilespmem:s28+$0xFFFFFF80]  }
0xe9: {  	v23 =	vld [tilespmem:s28+$0xFFFFFF90]  }
0xea: {  	v24 =	vld [tilespmem:s28+$0xFFFFFF40]  }
0xeb: {  	v25 =	vld [tilespmem:s28+$0xFFFFFF50]  }
0xec: {  	v26 =	vld [tilespmem:s28+$0xFFFFFF00]  }
0xed: {  	v27 =	vld [tilespmem:s28+$0xFFFFFF10]  }
0xee: {  	v28 =	vld [tilespmem:s28+$0xFFFFFEC0]  }
0xef: {  	v30 =	vld [tilespmem:s28+$0xFFFFFED0]  }
0xf0: {  	v34 =	vld [tilespmem:s28+$0xFFFFFE80]  }
0xf1: {  	v35 =	vld [tilespmem:s28+$0xFFFFFE90]  }
0xf2: {  	v36 =	vld [tilespmem:s28+$0xFFFFFE40]  }
0xf3: {  	v37 =	vld [tilespmem:s28+$0xFFFFFE50]  }
0xf4: {  	v38 =	vld [tilespmem:s28+$0xFFFFFE00]  }
0xf5: {  	v39 =	vld [tilespmem:s28+$0xFFFFFE10]  }
0xf6: {  	v32 =	vimm.f32 $0.0e+00;
	v33 =	vimm.f32 $0.0e+00;
	v29 =	vimm.f32 $0.0e+00;
	v40 =	vld [tilespmem:s28+$0xFFFFFE20]  }
0xf7: {  	s30 =	simm.s32 $0x40;
	v31 =	vimm.f32 $0.0e+00;
	v14 =	vimm.s32 $0x0;
	s29 =	simm.s32 $0x0;
	v17 =	vmov s22;
	v41 =	vld [tilespmem:s28+$0xFFFFFE30]  }
.LBB2_5:
0xf8: {  	p0 =	sne.s32 s30, $0x2C0;
	v42 =	vld [tilespmem:s28+$0xFFFFFE60]  }
0xf9: {  	v43 =	vld [tilespmem:s28+$0xFFFFFE70]  }
0xfa: {  	v44 =	vld [tilespmem:s28+$0xFFFFFEA0]  }
0xfb: {  	v29 =	vadd.f32 v38, v29;
	v31 =	vadd.f32 v39, v31;
	v38 =	vld [tilespmem:s28+$0xFFFFFEB0]  }
0xfc: {  	v32 =	vadd.f32 v40, v32;
	v33 =	vadd.f32 v41, v33;
	v39 =	vld [tilespmem:s28+$0xFFFFFEE0]  }
0xfd: {  	v29 =	vadd.f32 v36, v29;
	v31 =	vadd.f32 v37, v31;
	v36 =	vld [tilespmem:s28+$0xFFFFFEF0]  }
0xfe: {  	v32 =	vadd.f32 v42, v32;
	v33 =	vadd.f32 v43, v33;
	v37 =	vld [tilespmem:s28+$0xFFFFFF20]  }
0xff: {  	v29 =	vadd.f32 v34, v29;
	v31 =	vadd.f32 v35, v31;
	v34 =	vld [tilespmem:s28+$0xFFFFFF30]  }
0x100: {  	v32 =	vadd.f32 v44, v32;
	v33 =	vadd.f32 v38, v33;
	v35 =	vld [tilespmem:s28+$0xFFFFFF60]  }
0x101: {  	v28 =	vadd.f32 v28, v29;
	v29 =	vadd.f32 v30, v31;
	v30 =	vld [tilespmem:s28+$0xFFFFFF70]  }
0x102: {  	v31 =	vadd.f32 v39, v32;
	v32 =	vadd.f32 v36, v33;
	v33 =	vld [tilespmem:s28+$0xFFFFFFA0]  }
0x103: {  	v26 =	vadd.f32 v26, v28;
	v27 =	vadd.f32 v27, v29;
	v28 =	vld [tilespmem:s28+$0xFFFFFFB0]  }
0x104: {  	v29 =	vadd.f32 v37, v31;
	v31 =	vadd.f32 v34, v32;
	v32 =	vld [tilespmem:s28+$0xFFFFFFE0]  }
0x105: {  	v24 =	vadd.f32 v24, v26;
	v25 =	vadd.f32 v25, v27;
	v26 =	vld [tilespmem:s28+$0xFFFFFFF0]  }
0x106: {  	v27 =	vadd.f32 v35, v29;
	v29 =	vadd.f32 v30, v31;
	v30 =	vld [tilespmem:s28+$0x20]  }
0x107: {  	v22 =	vadd.f32 v22, v24;
	v23 =	vadd.f32 v23, v25;
	v24 =	vld [tilespmem:s28+$0x30]  }
0x108: {  	v25 =	vadd.f32 v33, v27;
	v27 =	vadd.f32 v28, v29;
	v28 =	vld [tilespmem:s28+$0x60]  }
0x109: {  	v21 =	vadd.f32 v21, v22;
	v20 =	vadd.f32 v20, v23;
	v22 =	vld [tilespmem:s28+$0x70]  }
0x10a: {  	v23 =	vadd.f32 v32, v25;
	v25 =	vadd.f32 v26, v27;
	v26 =	vld [tilespmem:s28+$0xA0]  }
0x10b: {  	v19 =	vadd.f32 v19, v21;
	v18 =	vadd.f32 v18, v20;
	v20 =	vld [tilespmem:s28+$0xB0]  }
0x10c: {  	v21 =	vadd.f32 v30, v23;
	v23 =	vadd.f32 v24, v25;
	v24 =	vld [tilespmem:s28+$0xE0]  }
0x10d: {  	v16 =	vadd.f32 v16, v19;
	v15 =	vadd.f32 v15, v18;
	v18 =	vld [tilespmem:s28+$0xF0]  }
0x10e: {  	v19 =	vadd.f32 v28, v21;
	v21 =	vadd.f32 v22, v23;
	v22 =	vld [tilespmem:s28+$0x120]  }
0x10f: {  	v13 =	vadd.f32 v13, v16;
	v12 =	vadd.f32 v12, v15;
	v15 =	vld [tilespmem:s28+$0x130]  }
0x110: {  	v16 =	vadd.f32 v26, v19;
	v19 =	vadd.f32 v20, v21;
	v20 =	vld [tilespmem:s28+$0x160]  }
0x111: {  	s1 =	sshra.s32 s29, $0x2;
	s29 =	smov.u32 s30;
	v11 =	vadd.f32 v11, v13;
	v10 =	vadd.f32 v10, v12;
	v12 =	vld [tilespmem:s28+$0x170]  }
0x112: {  	v13 =	vadd.f32 v24, v16;
	v16 =	vadd.f32 v18, v19;
	v18 =	vld.idx.msk [tilespmem:v17+s1+$0x0 ss:$0x1], $0xffff  }
0x113: {  	v9 =	vadd.f32 v9, v11;
	v8 =	vadd.f32 v8, v10;
	v10 =	vld [tilespmem:s28+$0x1B0]  }
0x114: {  	v11 =	vadd.f32 v22, v13;
	v13 =	vadd.f32 v15, v16;
	v15 =	vld [tilespmem:s28+$0x1E0]  }
0x115: {  	v7 =	vadd.f32 v7, v9;
	v6 =	vadd.f32 v6, v8;
	v8 =	vld [tilespmem:s28+$0x1F0];
	s28 =	sadd.s32 $0x400, s28  }
0x116: {  	v11 =	vadd.f32 v20, v11;
	v9 =	vld [tilespmem:s28+$0x1C0];
	v12 =	vadd.f32 v12, v13  }
0x117: {  	v7 =	vadd.f32 v4, v7;
	v6 =	vadd.f32 v5, v6;
	v13 =	vld [tilespmem:s28+$0x1D0]  }
0x118: {  	v11 =	vadd.f32 v3, v11;
	vm1 =	vne.s32 v18, $0x0;
	v4 =	vld [tilespmem:s28+$0x180];
	v10 =	vadd.f32 v10, v12  }
0x119: {  	v29 =	vadd.f32 v2, v7;
	v31 =	vadd.f32 v1, v6;
	v1 =	vsel vm1, $0x1, v0;
	v5 =	vld [tilespmem:s28+$0x190]  }
0x11a: {  	v32 =	vadd.f32 v15, v11;
	v14 =	vadd.s32 v1, v14;
	v3 =	vld [tilespmem:s28+$0x1A0];
	v33 =	vadd.f32 v8, v10  }
0x11b: {  	v7 =	vld [tilespmem:s28+$0x140];
	v2 =	vmov v9  }
0x11c: {  	v6 =	vld [tilespmem:s28+$0x150];
	v1 =	vmov v13  }
0x11d: {  	v9 =	vld [tilespmem:s28+$0x100]  }
0x11e: {  	v8 =	vld [tilespmem:s28+$0x110]  }
0x11f: {  	v11 =	vld [tilespmem:s28+$0xC0]  }
0x120: {  	v10 =	vld [tilespmem:s28+$0xD0]  }
0x121: {  	v13 =	vld [tilespmem:s28+$0x80]  }
0x122: {  	v12 =	vld [tilespmem:s28+$0x90]  }
0x123: {  	v16 =	vld [tilespmem:s28+$0x40]  }
0x124: {  	v15 =	vld [tilespmem:s28+$0x50]  }
0x125: {  	v19 =	vld [tilespmem:s28+$0x0]  }
0x126: {  	v18 =	vld [tilespmem:s28+$0x10]  }
0x127: {  	v21 =	vld [tilespmem:s28+$0xFFFFFFC0]  }
0x128: {  	v20 =	vld [tilespmem:s28+$0xFFFFFFD0]  }
0x129: {  	v22 =	vld [tilespmem:s28+$0xFFFFFF80]  }
0x12a: {  	v23 =	vld [tilespmem:s28+$0xFFFFFF90]  }
0x12b: {  	v24 =	vld [tilespmem:s28+$0xFFFFFF40]  }
0x12c: {  	v25 =	vld [tilespmem:s28+$0xFFFFFF50]  }
0x12d: {  	v26 =	vld [tilespmem:s28+$0xFFFFFF00]  }
0x12e: {  	v27 =	vld [tilespmem:s28+$0xFFFFFF10]  }
0x12f: {  	v28 =	vld [tilespmem:s28+$0xFFFFFEC0]  }
0x130: {  	v30 =	vld [tilespmem:s28+$0xFFFFFED0]  }
0x131: {  	v34 =	vld [tilespmem:s28+$0xFFFFFE80]  }
0x132: {  	v35 =	vld [tilespmem:s28+$0xFFFFFE90]  }
0x133: {  	v36 =	vld [tilespmem:s28+$0xFFFFFE40]  }
.Ltmp1:
0x134: {  	v37 =	vld [tilespmem:s28+$0xFFFFFE50];
	(pc) =	sbr.rel @p0 .LBB2_5-.Ltmp1, $4  }
0x135: {  	v38 =	vld [tilespmem:s28+$0xFFFFFE00]  }
0x136: {  	v39 =	vld [tilespmem:s28+$0xFFFFFE10]  }
0x137: {  	v40 =	vld [tilespmem:s28+$0xFFFFFE20]  }
0x138: {  	s30 =	sadd.s32 $0x40, s30;
	v41 =	vld [tilespmem:s28+$0xFFFFFE30]  }
0x139: {  	v42 =	vld [tilespmem:s28+$0xFFFFFE60]  }
0x13a: {  	v43 =	vld [tilespmem:s28+$0xFFFFFE70]  }
0x13b: {  	v44 =	vld [tilespmem:s28+$0xFFFFFEA0]  }
0x13c: {  	v45 =	vld [tilespmem:s28+$0xFFFFFEB0]  }
0x13d: {  	v46 =	vld [tilespmem:s28+$0xFFFFFEE0]  }
0x13e: {  	v47 =	vld [tilespmem:s28+$0xFFFFFEF0]  }
0x13f: {  	v48 =	vld [tilespmem:s28+$0xFFFFFF20]  }
0x140: {  	v49 =	vld [tilespmem:s28+$0xFFFFFF30]  }
0x141: {  	v50 =	vld [tilespmem:s28+$0xFFFFFF60]  }
0x142: {  	v51 =	vld [tilespmem:s28+$0xFFFFFF70]  }
0x143: {  	v52 =	vld [tilespmem:s28+$0xFFFFFFA0]  }
0x144: {  	v53 =	vld [tilespmem:s28+$0xFFFFFFB0];
	s1 =	sshra.s32 s29, $0x2;
	v29 =	vadd.f32 v38, v29  }
0x145: {  	v17 =	vld.idx.msk [tilespmem:v17+s1+$0x0 ss:$0x1], $0xffff;
	v31 =	vadd.f32 v39, v31  }
0x146: {  	v55 =	vld [tilespmem:s28+$0xFFFFFFE0];
	v32 =	vadd.f32 v40, v32;
	v29 =	vadd.f32 v36, v29  }
0x147: {  	v56 =	vld [tilespmem:s28+$0xFFFFFFF0];
	v33 =	vadd.f32 v41, v33;
	v31 =	vadd.f32 v37, v31  }
0x148: {  	v57 =	vld [tilespmem:s28+$0x20];
	v32 =	vadd.f32 v42, v32;
	v29 =	vadd.f32 v34, v29  }
0x149: {  	v58 =	vld [tilespmem:s28+$0x30];
	v33 =	vadd.f32 v43, v33;
	v31 =	vadd.f32 v35, v31  }
0x14a: {  	v39 =	vld [tilespmem:$0xC6B0];
	vm1 =	vne.s32 v17, $0x0;
	v32 =	vadd.f32 v44, v32;
	v28 =	vadd.f32 v28, v29  }
0x14b: {  	v40 =	vld [tilespmem:s28+$0xE0];
	v44 =	vsel vm1, $0x1, v0;
	v33 =	vadd.f32 v45, v33;
	v59 =	vadd.f32 v30, v31  }
0x14c: {  	v37 =	vld [tilespmem:$0xC690];
	v14 =	vadd.s32 v44, v14;
	v60 =	vadd.f32 v46, v32;
	v26 =	vadd.f32 v26, v28  }
0x14d: {  	v34 =	vld [tilespmem:s28+$0x60];
	(v2sf) =	vpush v14, $0x0;
	v61 =	vadd.f32 v47, v33  }
0x14e: {  	v43 =	vld [tilespmem:s28+$0x120];
	v27 =	vadd.f32 v27, v59;
	(v2sf) =	vpush v14, $0x1  }
0x14f: {  	v30 =	vld [tilespmem:s28+$0x70];
	v62 =	vadd.f32 v48, v60;
	v24 =	vadd.f32 v24, v26  }
0x150: {  	v45 =	vld [tilespmem:s26+$0xB8];
	(v2sf) =	vpush v14, $0x2;
	v63 =	vadd.f32 v49, v61  }
0x151: {  	v44 =	vld [tilespmem:$0xC700];
	v25 =	vadd.f32 v25, v27;
	(v2sf) =	vpush v14, $0x3  }
0x152: {  	v28 =	vld [tilespmem:s28+$0xB0];
	v41 =	vadd.f32 v50, v62;
	v22 =	vadd.f32 v22, v24  }
0x153: {  	v46 =	vld [tilespmem:s28+$0x130];
	(v2sf) =	vpush v14, $0x4;
	v42 =	vadd.f32 v51, v63  }
0x154: {  	v33 =	vld [tilespmem:s28+$0xA0];
	v23 =	vadd.f32 v23, v25;
	(v2sf) =	vpush v14, $0x5  }
0x155: {  	v47 =	vld [tilespmem:s28+$0x160];
	vm1 =	vne.s32 v45, $0x0;
	v17 =	vadd.f32 v52, v41;
	v21 =	vadd.f32 v21, v22  }
0x156: {  	v59 =	vld [tilespmem:$0xC640];
	vm1 =	vmand vm1, vm0;
	(v2sf) =	vpush v14, $0x6;
	v27 =	vadd.f32 v53, v42  }
0x157: {  	v26 =	vld [tilespmem:s28+$0xF0];
	v54 =	vsel vm1, $0x1, v0;
	v20 =	vadd.f32 v20, v23;
	(v2sf) =	vpush v14, $0x7  }
0x158: {  	v48 =	vld [tilespmem:s28+$0x170];
	v38 =	vadd.s32 v54, v14;
	v17 =	vadd.f32 v55, v17;
	v19 =	vadd.f32 v19, v21  }
0x159: {  	v60 =	vld [tilespmem:$0xC650];
	(v2sf) =	vpush v38, $0x8;
	v51 =	vadd.f32 v56, v27  }
0x15a: {  	v49 =	vld [tilespmem:s28+$0x1B0];
	v18 =	vadd.f32 v18, v20;
	(v2sf) =	vpush v38, $0x9  }
0x15b: {  	v61 =	vld [tilespmem:$0xC660];
	v56 =	vadd.f32 v57, v17;
	v16 =	vadd.f32 v16, v19  }
0x15c: {  	v50 =	vld [tilespmem:s28+$0x1E0];
	(v2sf) =	vpush v38, $0xA;
	v24 =	vadd.f32 v58, v51  }
0x15d: {  	v62 =	vld [tilespmem:$0xC670];
	v15 =	vadd.f32 v15, v18;
	(v2sf) =	vpush v38, $0xB  }
0x15e: {  	v45 =	vld [tilespmem:$0xC710];
	v14 =	vadd.f32 v34, v56;
	(v2sf) =	vpush v38, $0xC  }
0x15f: {  	v63 =	vld [tilespmem:$0xC680];
	v13 =	vadd.f32 v13, v16;
	(v2sf) =	vpush v38, $0xD  }
0x160: {  	v52 =	vld [tilespmem:s28+$0x1F0];
	v24 =	vadd.f32 v30, v24;
	(v2sf) =	vpush v38, $0xE  }
0x161: {  	v41 =	vld [tilespmem:$0xC6D0];
	v12 =	vadd.f32 v12, v15;
	s30 =	spop (v2sf);
	(v2sf) =	vpush v38, $0xF  }
0x162: {  	v53 =	vld [tilespmem:$0xC600];
	v14 =	vadd.f32 v33, v14;
	v11 =	vadd.f32 v11, v13;
	s31 =	spop (v2sf)  }
0x163: {  	v42 =	vld [tilespmem:$0xC6E0];
	v24 =	vadd.f32 v28, v24;
	v10 =	vadd.f32 v10, v12;
	s29 =	spop (v2sf);
	s1 =	sadd.s32 s31, s30  }
0x164: {  	v54 =	vld [tilespmem:$0xC790];
	v14 =	vadd.f32 v40, v14;
	v9 =	vadd.f32 v9, v11;
	s30 =	spop (v2sf);
	s1 =	sadd.s32 s29, s1  }
0x165: {  	v55 =	vld [tilespmem:$0xC610];
	v24 =	vadd.f32 v26, v24;
	v8 =	vadd.f32 v8, v10;
	s31 =	spop (v2sf);
	s1 =	sadd.s32 s30, s1  }
0x166: {  	v57 =	vld [tilespmem:$0xC620];
	v14 =	vadd.f32 v43, v14;
	v7 =	vadd.f32 v7, v9;
	s29 =	spop (v2sf);
	s1 =	sadd.s32 s31, s1  }
0x167: {  	v58 =	vld [tilespmem:$0xC630];
	v24 =	vadd.f32 v46, v24;
	v6 =	vadd.f32 v6, v8;
	s30 =	spop (v2sf);
	s1 =	sadd.s32 s29, s1  }
0x168: {  	v51 =	vld [tilespmem:$0xC760];
	v14 =	vadd.f32 v47, v14;
	v4 =	vadd.f32 v4, v7;
	s31 =	spop (v2sf);
	s1 =	sadd.s32 s30, s1  }
0x169: {  	v38 =	vld [tilespmem:$0xC6A0];
	v22 =	vadd.f32 v48, v24;
	v5 =	vadd.f32 v5, v6;
	s29 =	spop (v2sf);
	s1 =	sadd.s32 s31, s1  }
0x16a: {  	v40 =	vld [tilespmem:$0xC6C0];
	v3 =	vadd.f32 v3, v14;
	v2 =	vadd.f32 v2, v4;
	s30 =	spop (v2sf);
	s1 =	sadd.s32 s29, s1  }
0x16b: {  	v43 =	vld [tilespmem:$0xC6F0];
	v47 =	vadd.f32 v49, v22;
	v1 =	vadd.f32 v1, v5;
	s31 =	spop (v2sf);
	s1 =	sadd.s32 s30, s1  }
0x16c: {  	v46 =	vld [tilespmem:$0xC720];
	v3 =	vadd.f32 v50, v3;
	v2 =	vadd.f32 v53, v2;
	s29 =	spop (v2sf);
	s1 =	sadd.s32 s31, s1  }
0x16d: {  	v48 =	vld [tilespmem:$0xC730];
	v14 =	vadd.f32 v52, v47;
	v1 =	vadd.f32 v55, v1;
	s30 =	spop (v2sf);
	s1 =	sadd.s32 s29, s1  }
0x16e: {  	v49 =	vld [tilespmem:$0xC740];
	v3 =	vadd.f32 v57, v3;
	v2 =	vadd.f32 v59, v2;
	s31 =	spop (v2sf);
	s1 =	sadd.s32 s30, s1  }
0x16f: {  	v50 =	vld [tilespmem:$0xC750];
	v14 =	vadd.f32 v58, v14;
	v1 =	vadd.f32 v60, v1;
	s29 =	spop (v2sf);
	s1 =	sadd.s32 s31, s1  }
0x170: {  	v53 =	vld [tilespmem:$0xC780];
	v3 =	vadd.f32 v61, v3;
	v2 =	vadd.f32 v63, v2;
	s1 =	sadd.s32 s29, s1;
	s30 =	spop (v2sf)  }
0x171: {  	v52 =	vld [tilespmem:$0xC770];
	v14 =	vadd.f32 v62, v14;
	v1 =	vadd.f32 v37, v1;
	s1 =	sadd.s32 s30, s1  }
0x172: {  	v55 =	vld [tilespmem:$0xC7A0];
	v3 =	vadd.f32 v38, v3;
	v2 =	vadd.f32 v40, v2;
	v56 =	vmov s1  }
0x173: {  	v57 =	vld [tilespmem:$0xC7B0];
	v12 =	vadd.f32 v39, v14;
	v1 =	vadd.f32 v41, v1  }
0x174: {  	v59 =	vld [tilespmem:$0xC7D0];
	v3 =	vadd.f32 v42, v3;
	v2 =	vadd.f32 v44, v2  }
0x175: {  	v58 =	vld [tilespmem:$0xC7C0];
	v8 =	vadd.f32 v43, v12;
	v1 =	vadd.f32 v45, v1  }
0x176: {  	v60 =	vld [tilespmem:$0xC7E0];
	v3 =	vadd.f32 v46, v3;
	v2 =	vadd.f32 v49, v2  }
0x177: {  	v5 =	vadd.f32 v48, v8;
	v1 =	vadd.f32 v50, v1;
	v61 =	vld.idx.msk [tilespmem:v56+s8+$0x0], $0xffff  }
0x178: {  	v62 =	vld [tilespmem:$0xC7F0];
	v3 =	vadd.f32 v51, v3;
	v2 =	vadd.f32 v53, v2  }
0x179: {  	v5 =	vadd.f32 v52, v5;
	v1 =	vadd.f32 v54, v1  }
0x17a: {  	v3 =	vadd.f32 v55, v3;
	v2 =	vadd.f32 v58, v2  }
0x17b: {  	s24 =	sadd.s32 $0x1, s24;
	v5 =	vadd.f32 v57, v5;
	v1 =	vadd.f32 v59, v1  }
0x17c: {  	p0 =	sne.s32 s24, $0x3F;
	s31 =	sshll.u32 s25, $0x6;
	v3 =	vadd.f32 v60, v3;
	v2 =	vmul.f32 v61, v2  }
.Ltmp2:
0x17d: {  	s1 =	sand.u32 $0x3FFFFFC0, s31;
	v63 =	vadd.f32 v62, v5;
	v1 =	vmul.f32 v61, v1;
	(pc) =	sbr.rel @p0 .LBB2_2-.Ltmp2, $4  }
0x17e: {  	[tilespmem:s1+$0xC800] =	vst v2;
	v2 =	vmul.f32 v61, v3  }
0x17f: {  	[tilespmem:s1+$0xC810] =	vst v1;
	v1 =	vmul.f32 v61, v63  }
0x180: {  	[tilespmem:s1+$0xC820] =	vst v2  }
0x181: {  	s23 =	sadd.s32 $0x190, s23;
	s22 =	sadd.s32 $0x190, s22;
	[tilespmem:s1+$0xC830] =	vst v1  }
0x182: {  	[tilespmem:s14], [sflag:$0x2] =	stream.indirect.gather [hbm4b:s4+s10], $0x40, s18, s10, $0xb8;
	[tilespmem:$0xE8D0] =	vst v63  }
0x183: {  	_ = 	snop  }
0x184: {  	[tilespmem:s15], [sflag:$0x2] =	stream.indirect.gather [hbm4b:s4+s12], $0x40, s19, s12, $0xb8;
	[tilespmem:$0xE8D0] =	vst v63  }
0x185: {  	_ =	swait.ge [sflag:s16], $0x3200  }
0x186: {  	[sflag:s16] =	ssyncset.done $0x0  }
0x187: {  	s22 =	simm.s32 $0x6600;
	[sflag:s16] =	ssyncadd.s32 $0xFFFFCE00  }
0x188: {  	v2 =	vld [tilespmem:s22+$0x1C0]  }
0x189: {  	v1 =	vld [tilespmem:s22+$0x1D0]  }
0x18a: {  	v4 =	vld [tilespmem:s22+$0x180]  }
0x18b: {  	v5 =	vld [tilespmem:s22+$0x190]  }
0x18c: {  	v3 =	vld [tilespmem:s22+$0x1A0]  }
0x18d: {  	v7 =	vld [tilespmem:s22+$0x140]  }
0x18e: {  	v6 =	vld [tilespmem:s22+$0x150]  }
0x18f: {  	v9 =	vld [tilespmem:s22+$0x100]  }
0x190: {  	v8 =	vld [tilespmem:s22+$0x110]  }
0x191: {  	v11 =	vld [tilespmem:s22+$0xC0]  }
0x192: {  	v10 =	vld [tilespmem:s22+$0xD0]  }
0x193: {  	v13 =	vld [tilespmem:s22+$0x80]  }
0x194: {  	v12 =	vld [tilespmem:s22+$0x90]  }
0x195: {  	v16 =	vld [tilespmem:s22+$0x40]  }
0x196: {  	v15 =	vld [tilespmem:s22+$0x50]  }
0x197: {  	v18 =	vld [tilespmem:s22+$0x0]  }
0x198: {  	v17 =	vld [tilespmem:s22+$0x10]  }
0x199: {  	v20 =	vld [tilespmem:s22+$0xFFFFFFC0]  }
0x19a: {  	v19 =	vld [tilespmem:s22+$0xFFFFFFD0]  }
0x19b: {  	v21 =	vld [tilespmem:s22+$0xFFFFFF80]  }
0x19c: {  	v22 =	vld [tilespmem:s22+$0xFFFFFF90]  }
0x19d: {  	v23 =	vld [tilespmem:s22+$0xFFFFFF40]  }
0x19e: {  	v24 =	vld [tilespmem:s22+$0xFFFFFF50]  }
0x19f: {  	v25 =	vld [tilespmem:s22+$0xFFFFFF00]  }
0x1a0: {  	v26 =	vld [tilespmem:s22+$0xFFFFFF10]  }
0x1a1: {  	v28 =	vld [tilespmem:s22+$0xFFFFFEC0]  }
0x1a2: {  	v29 =	vld [tilespmem:s22+$0xFFFFFED0]  }
0x1a3: {  	v33 =	vld [tilespmem:s22+$0xFFFFFE80]  }
0x1a4: {  	v34 =	vld [tilespmem:s22+$0xFFFFFE90]  }
0x1a5: {  	v35 =	vld [tilespmem:s22+$0xFFFFFE40]  }
0x1a6: {  	v36 =	vld [tilespmem:s22+$0xFFFFFE50]  }
0x1a7: {  	v37 =	vld [tilespmem:s22+$0xFFFFFE00]  }
0x1a8: {  	v38 =	vld [tilespmem:s22+$0xFFFFFE10]  }
0x1a9: {  	v27 =	vimm.f32 $0.0e+00;
	v14 =	vimm.s32 $0x0;
	v39 =	vld [tilespmem:s22+$0xFFFFFE20]  }
0x1aa: {  	s23 =	simm.s32 $0x0;
	s24 =	simm.s32 $0x40;
	v30 =	vimm.f32 $0.0e+00;
	v31 =	vimm.f32 $0.0e+00;
	v32 =	vimm.f32 $0.0e+00;
	v40 =	vld [tilespmem:s22+$0xFFFFFE30]  }
.LBB2_8:
0x1ab: {  	p0 =	sne.s32 s24, $0x2C0;
	v41 =	vld [tilespmem:s22+$0xFFFFFE60]  }
0x1ac: {  	v42 =	vld [tilespmem:s22+$0xFFFFFE70]  }
0x1ad: {  	v43 =	vld [tilespmem:s22+$0xFFFFFEA0]  }
0x1ae: {  	v27 =	vadd.f32 v37, v27;
	v30 =	vadd.f32 v38, v30;
	v37 =	vld [tilespmem:s22+$0xFFFFFEB0]  }
0x1af: {  	v31 =	vadd.f32 v39, v31;
	v32 =	vadd.f32 v40, v32;
	v38 =	vld [tilespmem:s22+$0xFFFFFEE0]  }
0x1b0: {  	v27 =	vadd.f32 v35, v27;
	v30 =	vadd.f32 v36, v30;
	v35 =	vld [tilespmem:s22+$0xFFFFFEF0]  }
0x1b1: {  	v31 =	vadd.f32 v41, v31;
	v32 =	vadd.f32 v42, v32;
	v36 =	vld [tilespmem:s22+$0xFFFFFF20]  }
0x1b2: {  	v27 =	vadd.f32 v33, v27;
	v30 =	vadd.f32 v34, v30;
	v33 =	vld [tilespmem:s22+$0xFFFFFF30]  }
0x1b3: {  	v31 =	vadd.f32 v43, v31;
	v32 =	vadd.f32 v37, v32;
	v34 =	vld [tilespmem:s22+$0xFFFFFF60]  }
0x1b4: {  	v27 =	vadd.f32 v28, v27;
	v28 =	vadd.f32 v29, v30;
	v29 =	vld [tilespmem:s22+$0xFFFFFF70]  }
0x1b5: {  	v30 =	vadd.f32 v38, v31;
	v31 =	vadd.f32 v35, v32;
	v32 =	vld [tilespmem:s22+$0xFFFFFFA0]  }
0x1b6: {  	v25 =	vadd.f32 v25, v27;
	v26 =	vadd.f32 v26, v28;
	v27 =	vld [tilespmem:s22+$0xFFFFFFB0]  }
0x1b7: {  	v28 =	vadd.f32 v36, v30;
	v30 =	vadd.f32 v33, v31;
	v31 =	vld [tilespmem:s22+$0xFFFFFFE0]  }
0x1b8: {  	v23 =	vadd.f32 v23, v25;
	v24 =	vadd.f32 v24, v26;
	v25 =	vld [tilespmem:s22+$0xFFFFFFF0]  }
0x1b9: {  	v26 =	vadd.f32 v34, v28;
	v28 =	vadd.f32 v29, v30;
	v29 =	vld [tilespmem:s22+$0x20]  }
0x1ba: {  	v21 =	vadd.f32 v21, v23;
	v22 =	vadd.f32 v22, v24;
	v23 =	vld [tilespmem:s22+$0x30]  }
0x1bb: {  	v24 =	vadd.f32 v32, v26;
	v26 =	vadd.f32 v27, v28;
	v27 =	vld [tilespmem:s22+$0x60]  }
0x1bc: {  	v20 =	vadd.f32 v20, v21;
	v19 =	vadd.f32 v19, v22;
	v21 =	vld [tilespmem:s22+$0x70]  }
0x1bd: {  	v22 =	vadd.f32 v31, v24;
	v24 =	vadd.f32 v25, v26;
	v25 =	vld [tilespmem:s22+$0xA0]  }
0x1be: {  	v18 =	vadd.f32 v18, v20;
	v17 =	vadd.f32 v17, v19;
	v19 =	vld [tilespmem:s22+$0xB0]  }
0x1bf: {  	v20 =	vadd.f32 v29, v22;
	v22 =	vadd.f32 v23, v24;
	v23 =	vld [tilespmem:s22+$0xE0]  }
0x1c0: {  	v16 =	vadd.f32 v16, v18;
	v15 =	vadd.f32 v15, v17;
	v17 =	vld [tilespmem:s22+$0xF0]  }
0x1c1: {  	v18 =	vadd.f32 v27, v20;
	v20 =	vadd.f32 v21, v22;
	v21 =	vld [tilespmem:s22+$0x120]  }
0x1c2: {  	v13 =	vadd.f32 v13, v16;
	v12 =	vadd.f32 v12, v15;
	v15 =	vld [tilespmem:s22+$0x130]  }
0x1c3: {  	v16 =	vadd.f32 v25, v18;
	v18 =	vadd.f32 v19, v20;
	v19 =	vld [tilespmem:s22+$0x160]  }
0x1c4: {  	v11 =	vadd.f32 v11, v13;
	v10 =	vadd.f32 v10, v12;
	v12 =	vld [tilespmem:s22+$0x170]  }
0x1c5: {  	s1 =	sshra.s32 s23, $0x2;
	s23 =	smov.u32 s24;
	v13 =	vadd.f32 v23, v16;
	v16 =	vadd.f32 v17, v18;
	v17 =	vld [tilespmem:s22+$0x1B0]  }
0x1c6: {  	v9 =	vadd.f32 v9, v11;
	v8 =	vadd.f32 v8, v10;
	v10 =	vld [tilespmem:s1+$0x6270]  }
0x1c7: {  	v11 =	vadd.f32 v21, v13;
	v13 =	vadd.f32 v15, v16;
	v15 =	vld [tilespmem:s22+$0x1E0]  }
0x1c8: {  	v7 =	vadd.f32 v7, v9;
	v6 =	vadd.f32 v6, v8;
	v8 =	vld [tilespmem:s22+$0x1F0];
	s22 =	sadd.s32 $0x400, s22  }
0x1c9: {  	v11 =	vadd.f32 v19, v11;
	v9 =	vld [tilespmem:s22+$0x1C0];
	v12 =	vadd.f32 v12, v13  }
0x1ca: {  	v7 =	vadd.f32 v4, v7;
	v6 =	vadd.f32 v5, v6;
	v13 =	vld [tilespmem:s22+$0x1D0]  }
0x1cb: {  	v11 =	vadd.f32 v3, v11;
	v4 =	vld [tilespmem:s22+$0x180];
	v12 =	vadd.f32 v17, v12;
	vm1 =	vne.s32 v10, $0x0  }
0x1cc: {  	v27 =	vadd.f32 v2, v7;
	v30 =	vadd.f32 v1, v6;
	v5 =	vld [tilespmem:s22+$0x190];
	v1 =	vsel vm1, $0x1, v0  }
0x1cd: {  	v31 =	vadd.f32 v15, v11;
	v3 =	vld [tilespmem:s22+$0x1A0];
	v32 =	vadd.f32 v8, v12;
	v14 =	vadd.s32 v1, v14  }
0x1ce: {  	v7 =	vld [tilespmem:s22+$0x140];
	v2 =	vmov v9  }
0x1cf: {  	v6 =	vld [tilespmem:s22+$0x150];
	v1 =	vmov v13  }
0x1d0: {  	v9 =	vld [tilespmem:s22+$0x100]  }
0x1d1: {  	v8 =	vld [tilespmem:s22+$0x110]  }
0x1d2: {  	v11 =	vld [tilespmem:s22+$0xC0]  }
0x1d3: {  	v10 =	vld [tilespmem:s22+$0xD0]  }
0x1d4: {  	v13 =	vld [tilespmem:s22+$0x80]  }
0x1d5: {  	v12 =	vld [tilespmem:s22+$0x90]  }
0x1d6: {  	v16 =	vld [tilespmem:s22+$0x40]  }
0x1d7: {  	v15 =	vld [tilespmem:s22+$0x50]  }
0x1d8: {  	v18 =	vld [tilespmem:s22+$0x0]  }
0x1d9: {  	v17 =	vld [tilespmem:s22+$0x10]  }
0x1da: {  	v20 =	vld [tilespmem:s22+$0xFFFFFFC0]  }
0x1db: {  	v19 =	vld [tilespmem:s22+$0xFFFFFFD0]  }
0x1dc: {  	v21 =	vld [tilespmem:s22+$0xFFFFFF80]  }
0x1dd: {  	v22 =	vld [tilespmem:s22+$0xFFFFFF90]  }
0x1de: {  	v23 =	vld [tilespmem:s22+$0xFFFFFF40]  }
0x1df: {  	v24 =	vld [tilespmem:s22+$0xFFFFFF50]  }
0x1e0: {  	v25 =	vld [tilespmem:s22+$0xFFFFFF00]  }
0x1e1: {  	v26 =	vld [tilespmem:s22+$0xFFFFFF10]  }
0x1e2: {  	v28 =	vld [tilespmem:s22+$0xFFFFFEC0]  }
0x1e3: {  	v29 =	vld [tilespmem:s22+$0xFFFFFED0]  }
0x1e4: {  	v33 =	vld [tilespmem:s22+$0xFFFFFE80]  }
0x1e5: {  	v34 =	vld [tilespmem:s22+$0xFFFFFE90]  }
0x1e6: {  	v35 =	vld [tilespmem:s22+$0xFFFFFE40]  }
.Ltmp3:
0x1e7: {  	v36 =	vld [tilespmem:s22+$0xFFFFFE50];
	(pc) =	sbr.rel @p0 .LBB2_8-.Ltmp3, $4  }
0x1e8: {  	v37 =	vld [tilespmem:s22+$0xFFFFFE00]  }
0x1e9: {  	v38 =	vld [tilespmem:s22+$0xFFFFFE10]  }
0x1ea: {  	v39 =	vld [tilespmem:s22+$0xFFFFFE20]  }
0x1eb: {  	s24 =	sadd.s32 $0x40, s24;
	v40 =	vld [tilespmem:s22+$0xFFFFFE30]  }
0x1ec: {  	v41 =	vld [tilespmem:s22+$0xFFFFFE60]  }
0x1ed: {  	v42 =	vld [tilespmem:s22+$0xFFFFFE70]  }
0x1ee: {  	v43 =	vld [tilespmem:s22+$0xFFFFFEA0]  }
0x1ef: {  	v44 =	vld [tilespmem:s22+$0xFFFFFEB0]  }
0x1f0: {  	v45 =	vld [tilespmem:s22+$0xFFFFFEE0]  }
0x1f1: {  	v46 =	vld [tilespmem:s22+$0xFFFFFEF0]  }
0x1f2: {  	v47 =	vld [tilespmem:s22+$0xFFFFFF20]  }
0x1f3: {  	v48 =	vld [tilespmem:s22+$0xFFFFFF30]  }
0x1f4: {  	v49 =	vld [tilespmem:s22+$0xFFFFFF60]  }
0x1f5: {  	v50 =	vld [tilespmem:s22+$0xFFFFFF70]  }
0x1f6: {  	v51 =	vld [tilespmem:s22+$0xFFFFFFA0]  }
0x1f7: {  	v52 =	vld [tilespmem:s22+$0xFFFFFFB0];
	s1 =	sshra.s32 s23, $0x2;
	v27 =	vadd.f32 v37, v27  }
0x1f8: {  	v57 =	vld [tilespmem:s1+$0x6270];
	v30 =	vadd.f32 v38, v30  }
0x1f9: {  	v63 =	vld [tilespmem:s22+$0xFFFFFFE0];
	v31 =	vadd.f32 v39, v31;
	v27 =	vadd.f32 v35, v27  }
0x1fa: {  	v53 =	vld [tilespmem:s22+$0xFFFFFFF0];
	v32 =	vadd.f32 v40, v32;
	v30 =	vadd.f32 v36, v30  }
0x1fb: {  	v54 =	vld [tilespmem:s22+$0x20];
	v31 =	vadd.f32 v41, v31;
	v27 =	vadd.f32 v33, v27  }
0x1fc: {  	v55 =	vld [tilespmem:s22+$0x30];
	v32 =	vadd.f32 v42, v32;
	v30 =	vadd.f32 v34, v30  }
0x1fd: {  	v56 =	vld [tilespmem:s22+$0x60];
	vm1 =	vne.s32 v57, $0x0;
	v31 =	vadd.f32 v43, v31;
	v27 =	vadd.f32 v28, v27  }
0x1fe: {  	v58 =	vld [tilespmem:s22+$0xA0];
	v34 =	vsel vm1, $0x1, v0;
	v32 =	vadd.f32 v44, v32;
	v28 =	vadd.f32 v29, v30  }
0x1ff: {  	v59 =	vld [tilespmem:s22+$0x160];
	v14 =	vadd.s32 v34, v14;
	v30 =	vadd.f32 v45, v31;
	v25 =	vadd.f32 v25, v27  }
0x200: {  	v60 =	vld [tilespmem:s22+$0x1E0];
	(v2sf) =	vpush v14, $0x0;
	v31 =	vadd.f32 v46, v32  }
0x201: {  	v62 =	vld [tilespmem:$0x9430];
	v26 =	vadd.f32 v26, v28;
	(v2sf) =	vpush v14, $0x1  }
0x202: {  	v29 =	vld [tilespmem:s22+$0x70];
	v28 =	vadd.f32 v47, v30;
	v23 =	vadd.f32 v23, v25  }
0x203: {  	v27 =	vld [tilespmem:s22+$0xB0];
	(v2sf) =	vpush v14, $0x2;
	v30 =	vadd.f32 v48, v31  }
0x204: {  	v24 =	vadd.f32 v24, v26;
	v21 =	vadd.f32 v21, v23;
	v23 =	vld [tilespmem:$0x6328]  }
0x205: {  	v25 =	vld [tilespmem:s22+$0xF0];
	(v2sf) =	vpush v14, $0x3;
	v26 =	vadd.f32 v49, v28  }
0x206: {  	v31 =	vld [tilespmem:s22+$0xE0];
	(v2sf) =	vpush v14, $0x4;
	v28 =	vadd.f32 v50, v30  }
0x207: {  	v30 =	vld [tilespmem:s22+$0x120];
	v22 =	vadd.f32 v22, v24;
	(v2sf) =	vpush v14, $0x5  }
0x208: {  	v24 =	vadd.f32 v51, v26;
	v26 =	vld [tilespmem:s22+$0x130];
	v20 =	vadd.f32 v20, v21  }
0x209: {  	v21 =	vld [tilespmem:s22+$0x170];
	(v2sf) =	vpush v14, $0x6;
	v28 =	vadd.f32 v52, v28;
	vm1 =	vne.s32 v23, $0x0  }
0x20a: {  	v19 =	vadd.f32 v19, v22;
	v22 =	vld [tilespmem:s22+$0x1B0];
	(v2sf) =	vpush v14, $0x7;
	vm1 =	vmand vm1, vm0  }
0x20b: {  	v24 =	vadd.f32 v63, v24;
	v18 =	vadd.f32 v18, v20;
	v20 =	vld [tilespmem:$0x9400];
	v61 =	vsel vm1, $0x1, v0  }
0x20c: {  	v63 =	vld [tilespmem:$0x9460];
	v23 =	vadd.f32 v53, v28;
	v17 =	vadd.f32 v17, v19;
	v38 =	vadd.s32 v61, v14  }
0x20d: {  	v28 =	vld [tilespmem:s22+$0x1F0];
	v16 =	vadd.f32 v16, v18;
	(v2sf) =	vpush v38, $0x8  }
0x20e: {  	v19 =	vld [tilespmem:$0x9410];
	v23 =	vadd.f32 v55, v23;
	(v2sf) =	vpush v38, $0x9  }
0x20f: {  	v18 =	vld [tilespmem:$0x9440];
	v15 =	vadd.f32 v15, v17;
	(v2sf) =	vpush v38, $0xA  }
0x210: {  	v17 =	vld [tilespmem:$0x9450];
	v14 =	vadd.f32 v54, v24;
	(v2sf) =	vpush v38, $0xB  }
0x211: {  	v24 =	vld [tilespmem:$0x9420];
	v13 =	vadd.f32 v13, v16;
	(v2sf) =	vpush v38, $0xC  }
0x212: {  	v16 =	vld [tilespmem:$0x9480];
	v23 =	vadd.f32 v29, v23;
	(v2sf) =	vpush v38, $0xD  }
0x213: {  	v29 =	vld [tilespmem:$0x9470];
	v14 =	vadd.f32 v56, v14;
	(v2sf) =	vpush v38, $0xE  }
0x214: {  	v12 =	vadd.f32 v12, v15;
	v15 =	vld [tilespmem:$0x9490];
	s22 =	spop (v2sf);
	(v2sf) =	vpush v38, $0xF  }
0x215: {  	v11 =	vadd.f32 v11, v13;
	v13 =	vld [tilespmem:$0x94A0];
	s23 =	spop (v2sf);
	v14 =	vadd.f32 v58, v14  }
0x216: {  	v23 =	vadd.f32 v27, v23;
	v10 =	vadd.f32 v10, v12;
	v12 =	vld [tilespmem:$0x94B0];
	s24 =	spop (v2sf);
	s1 =	sadd.s32 s23, s22  }
0x217: {  	v9 =	vadd.f32 v9, v11;
	v11 =	vld [tilespmem:$0x94C0];
	s25 =	spop (v2sf);
	v14 =	vadd.f32 v31, v14;
	s1 =	sadd.s32 s24, s1  }
0x218: {  	v23 =	vadd.f32 v25, v23;
	v8 =	vadd.f32 v8, v10;
	v10 =	vld [tilespmem:$0x94D0];
	s26 =	spop (v2sf);
	s1 =	sadd.s32 s25, s1  }
0x219: {  	v7 =	vadd.f32 v7, v9;
	v9 =	vld [tilespmem:$0x94E0];
	s28 =	spop (v2sf);
	v14 =	vadd.f32 v30, v14;
	s1 =	sadd.s32 s26, s1  }
0x21a: {  	v23 =	vadd.f32 v26, v23;
	v6 =	vadd.f32 v6, v8;
	v8 =	vld [tilespmem:$0x94F0];
	s29 =	spop (v2sf);
	s1 =	sadd.s32 s28, s1  }
0x21b: {  	v4 =	vadd.f32 v4, v7;
	v7 =	vld [tilespmem:$0x9500];
	s30 =	spop (v2sf);
	v14 =	vadd.f32 v59, v14;
	s1 =	sadd.s32 s29, s1  }
0x21c: {  	v21 =	vadd.f32 v21, v23;
	v5 =	vadd.f32 v5, v6;
	v6 =	vld [tilespmem:$0x9510];
	s1 =	sadd.s32 s30, s1;
	s31 =	spop (v2sf)  }
0x21d: {  	v2 =	vadd.f32 v2, v4;
	v4 =	vld [tilespmem:$0x9520];
	v3 =	vadd.f32 v3, v14;
	s24 =	spop (v2sf);
	s1 =	sadd.s32 s31, s1  }
0x21e: {  	v1 =	vadd.f32 v1, v5;
	v5 =	vld [tilespmem:$0x9530];
	v14 =	vadd.f32 v22, v21;
	s25 =	spop (v2sf);
	s1 =	sadd.s32 s24, s1  }
0x21f: {  	v2 =	vadd.f32 v20, v2;
	v20 =	vld [tilespmem:$0x9540];
	v3 =	vadd.f32 v60, v3;
	s26 =	spop (v2sf);
	s1 =	sadd.s32 s25, s1  }
0x220: {  	v1 =	vadd.f32 v19, v1;
	v19 =	vld [tilespmem:$0x9550];
	v14 =	vadd.f32 v28, v14;
	s28 =	spop (v2sf);
	s1 =	sadd.s32 s26, s1  }
0x221: {  	v2 =	vadd.f32 v18, v2;
	v18 =	vld [tilespmem:$0x9560];
	v3 =	vadd.f32 v24, v3;
	s29 =	spop (v2sf);
	s1 =	sadd.s32 s28, s1  }
0x222: {  	v1 =	vadd.f32 v17, v1;
	v17 =	vld [tilespmem:$0x9570];
	v14 =	vadd.f32 v62, v14;
	s30 =	spop (v2sf);
	s1 =	sadd.s32 s29, s1  }
0x223: {  	v2 =	vadd.f32 v16, v2;
	v16 =	vld [tilespmem:$0x9580];
	v3 =	vadd.f32 v63, v3;
	s1 =	sadd.s32 s30, s1;
	s31 =	spop (v2sf)  }
0x224: {  	v1 =	vadd.f32 v15, v1;
	v15 =	vld [tilespmem:$0x9590];
	v14 =	vadd.f32 v29, v14;
	s1 =	sadd.s32 s31, s1  }
0x225: {  	v2 =	vadd.f32 v11, v2;
	v11 =	vld [tilespmem:$0x95A0];
	v3 =	vadd.f32 v13, v3;
	v13 =	vmov s1  }
0x226: {  	v1 =	vadd.f32 v10, v1;
	v10 =	vld [tilespmem:$0x95B0];
	v12 =	vadd.f32 v12, v14  }
0x227: {  	v2 =	vadd.f32 v7, v2;
	v7 =	vld [tilespmem:$0x95C0];
	v3 =	vadd.f32 v9, v3  }
0x228: {  	v1 =	vadd.f32 v6, v1;
	v6 =	vld [tilespmem:$0x95D0];
	v8 =	vadd.f32 v8, v12  }
0x229: {  	v2 =	vadd.f32 v20, v2;
	v3 =	vadd.f32 v4, v3;
	v4 =	vld [tilespmem:$0x95E0]  }
0x22a: {  	v1 =	vadd.f32 v19, v1;
	v5 =	vadd.f32 v5, v8;
	v8 =	vld.idx.msk [tilespmem:v13+s8+$0x0], $0xffff  }
0x22b: {  	v9 =	vld [tilespmem:$0x95F0];
	v2 =	vadd.f32 v16, v2;
	v3 =	vadd.f32 v18, v3  }
0x22c: {  	v1 =	vadd.f32 v15, v1;
	v5 =	vadd.f32 v17, v5  }
0x22d: {  	v2 =	vadd.f32 v7, v2;
	v3 =	vadd.f32 v11, v3  }
0x22e: {  	v1 =	vadd.f32 v6, v1;
	v5 =	vadd.f32 v10, v5  }
0x22f: {  	v3 =	vadd.f32 v4, v3;
	v2 =	vmul.f32 v8, v2  }
0x230: {  	v4 =	vadd.f32 v9, v5;
	v1 =	vmul.f32 v8, v1  }
0x231: {  	[tilespmem:$0xE780] =	vst v2;
	v2 =	vmul.f32 v8, v3  }
0x232: {  	[tilespmem:$0xE790] =	vst v1;
	v1 =	vmul.f32 v8, v4  }
0x233: {  	[tilespmem:$0xE7A0] =	vst v2  }
0x234: {  	[tilespmem:$0xE7B0] =	vst v1  }
0x235: {  	_ =	swait.ge [sflag:s17], $0x3200  }
0x236: {  	[sflag:s17] =	ssyncset.done $0x0  }
0x237: {  	s22 =	simm.s32 $0x9800;
	[sflag:s17] =	ssyncadd.s32 $0xFFFFCE00  }
0x238: {  	v2 =	vld [tilespmem:s22+$0x1C0]  }
0x239: {  	v1 =	vld [tilespmem:s22+$0x1D0]  }
0x23a: {  	v4 =	vld [tilespmem:s22+$0x180]  }
0x23b: {  	v5 =	vld [tilespmem:s22+$0x190]  }
0x23c: {  	v3 =	vld [tilespmem:s22+$0x1A0]  }
0x23d: {  	v7 =	vld [tilespmem:s22+$0x140]  }
0x23e: {  	v6 =	vld [tilespmem:s22+$0x150]  }
0x23f: {  	v9 =	vld [tilespmem:s22+$0x100]  }
0x240: {  	v8 =	vld [tilespmem:s22+$0x110]  }
0x241: {  	v11 =	vld [tilespmem:s22+$0xC0]  }
0x242: {  	v10 =	vld [tilespmem:s22+$0xD0]  }
0x243: {  	v13 =	vld [tilespmem:s22+$0x80]  }
0x244: {  	v12 =	vld [tilespmem:s22+$0x90]  }
0x245: {  	v16 =	vld [tilespmem:s22+$0x40]  }
0x246: {  	v15 =	vld [tilespmem:s22+$0x50]  }
0x247: {  	v18 =	vld [tilespmem:s22+$0x0]  }
0x248: {  	v17 =	vld [tilespmem:s22+$0x10]  }
0x249: {  	v20 =	vld [tilespmem:s22+$0xFFFFFFC0]  }
0x24a: {  	v19 =	vld [tilespmem:s22+$0xFFFFFFD0]  }
0x24b: {  	v21 =	vld [tilespmem:s22+$0xFFFFFF80]  }
0x24c: {  	v22 =	vld [tilespmem:s22+$0xFFFFFF90]  }
0x24d: {  	v23 =	vld [tilespmem:s22+$0xFFFFFF40]  }
0x24e: {  	v24 =	vld [tilespmem:s22+$0xFFFFFF50]  }
0x24f: {  	v25 =	vld [tilespmem:s22+$0xFFFFFF00]  }
0x250: {  	v26 =	vld [tilespmem:s22+$0xFFFFFF10]  }
0x251: {  	v27 =	vld [tilespmem:s22+$0xFFFFFEC0]  }
0x252: {  	v29 =	vld [tilespmem:s22+$0xFFFFFED0]  }
0x253: {  	v33 =	vld [tilespmem:s22+$0xFFFFFE80]  }
0x254: {  	v34 =	vld [tilespmem:s22+$0xFFFFFE90]  }
0x255: {  	v35 =	vld [tilespmem:s22+$0xFFFFFE40]  }
0x256: {  	v36 =	vld [tilespmem:s22+$0xFFFFFE50]  }
0x257: {  	v37 =	vld [tilespmem:s22+$0xFFFFFE00]  }
0x258: {  	v38 =	vld [tilespmem:s22+$0xFFFFFE10]  }
0x259: {  	v32 =	vimm.f32 $0.0e+00;
	v31 =	vimm.f32 $0.0e+00;
	v39 =	vld [tilespmem:s22+$0xFFFFFE20]  }
0x25a: {  	s23 =	simm.s32 $0x0;
	v30 =	vimm.f32 $0.0e+00;
	v28 =	vimm.f32 $0.0e+00;
	s24 =	simm.s32 $0x40;
	v14 =	vimm.s32 $0x0;
	v40 =	vld [tilespmem:s22+$0xFFFFFE30]  }
.LBB2_10:
0x25b: {  	p0 =	sne.s32 s24, $0x2C0;
	v41 =	vld [tilespmem:s22+$0xFFFFFE60]  }
0x25c: {  	v42 =	vld [tilespmem:s22+$0xFFFFFE70]  }
0x25d: {  	v43 =	vld [tilespmem:s22+$0xFFFFFEA0]  }
0x25e: {  	v28 =	vadd.f32 v37, v28;
	v30 =	vadd.f32 v38, v30;
	v37 =	vld [tilespmem:s22+$0xFFFFFEB0]  }
0x25f: {  	v31 =	vadd.f32 v39, v31;
	v32 =	vadd.f32 v40, v32;
	v38 =	vld [tilespmem:s22+$0xFFFFFEE0]  }
0x260: {  	v28 =	vadd.f32 v35, v28;
	v30 =	vadd.f32 v36, v30;
	v35 =	vld [tilespmem:s22+$0xFFFFFEF0]  }
0x261: {  	v31 =	vadd.f32 v41, v31;
	v32 =	vadd.f32 v42, v32;
	v36 =	vld [tilespmem:s22+$0xFFFFFF20]  }
0x262: {  	v28 =	vadd.f32 v33, v28;
	v30 =	vadd.f32 v34, v30;
	v33 =	vld [tilespmem:s22+$0xFFFFFF30]  }
0x263: {  	v31 =	vadd.f32 v43, v31;
	v32 =	vadd.f32 v37, v32;
	v34 =	vld [tilespmem:s22+$0xFFFFFF60]  }
0x264: {  	v27 =	vadd.f32 v27, v28;
	v28 =	vadd.f32 v29, v30;
	v29 =	vld [tilespmem:s22+$0xFFFFFF70]  }
0x265: {  	v30 =	vadd.f32 v38, v31;
	v31 =	vadd.f32 v35, v32;
	v32 =	vld [tilespmem:s22+$0xFFFFFFA0]  }
0x266: {  	v25 =	vadd.f32 v25, v27;
	v26 =	vadd.f32 v26, v28;
	v27 =	vld [tilespmem:s22+$0xFFFFFFB0]  }
0x267: {  	v28 =	vadd.f32 v36, v30;
	v30 =	vadd.f32 v33, v31;
	v31 =	vld [tilespmem:s22+$0xFFFFFFE0]  }
0x268: {  	v23 =	vadd.f32 v23, v25;
	v24 =	vadd.f32 v24, v26;
	v25 =	vld [tilespmem:s22+$0xFFFFFFF0]  }
0x269: {  	v26 =	vadd.f32 v34, v28;
	v28 =	vadd.f32 v29, v30;
	v29 =	vld [tilespmem:s22+$0x20]  }
0x26a: {  	v21 =	vadd.f32 v21, v23;
	v22 =	vadd.f32 v22, v24;
	v23 =	vld [tilespmem:s22+$0x30]  }
0x26b: {  	v24 =	vadd.f32 v32, v26;
	v26 =	vadd.f32 v27, v28;
	v27 =	vld [tilespmem:s22+$0x60]  }
0x26c: {  	v20 =	vadd.f32 v20, v21;
	v19 =	vadd.f32 v19, v22;
	v21 =	vld [tilespmem:s22+$0x70]  }
0x26d: {  	v22 =	vadd.f32 v31, v24;
	v24 =	vadd.f32 v25, v26;
	v25 =	vld [tilespmem:s22+$0xA0]  }
0x26e: {  	v18 =	vadd.f32 v18, v20;
	v17 =	vadd.f32 v17, v19;
	v19 =	vld [tilespmem:s22+$0xB0]  }
0x26f: {  	v20 =	vadd.f32 v29, v22;
	v22 =	vadd.f32 v23, v24;
	v23 =	vld [tilespmem:s22+$0xE0]  }
0x270: {  	v16 =	vadd.f32 v16, v18;
	v15 =	vadd.f32 v15, v17;
	v17 =	vld [tilespmem:s22+$0xF0]  }
0x271: {  	v18 =	vadd.f32 v27, v20;
	v20 =	vadd.f32 v21, v22;
	v21 =	vld [tilespmem:s22+$0x120]  }
0x272: {  	v13 =	vadd.f32 v13, v16;
	v12 =	vadd.f32 v12, v15;
	v15 =	vld [tilespmem:s22+$0x130]  }
0x273: {  	v16 =	vadd.f32 v25, v18;
	v18 =	vadd.f32 v19, v20;
	v19 =	vld [tilespmem:s22+$0x160]  }
0x274: {  	v11 =	vadd.f32 v11, v13;
	v10 =	vadd.f32 v10, v12;
	v12 =	vld [tilespmem:s22+$0x170]  }
0x275: {  	s1 =	sshra.s32 s23, $0x2;
	s23 =	smov.u32 s24;
	v13 =	vadd.f32 v23, v16;
	v16 =	vadd.f32 v17, v18;
	v17 =	vld [tilespmem:s22+$0x1B0]  }
0x276: {  	v9 =	vadd.f32 v9, v11;
	v8 =	vadd.f32 v8, v10;
	v10 =	vld [tilespmem:s1+$0x6338]  }
0x277: {  	v11 =	vadd.f32 v21, v13;
	v13 =	vadd.f32 v15, v16;
	v15 =	vld [tilespmem:s22+$0x1E0]  }
0x278: {  	v7 =	vadd.f32 v7, v9;
	v6 =	vadd.f32 v6, v8;
	v8 =	vld [tilespmem:s22+$0x1F0];
	s22 =	sadd.s32 $0x400, s22  }
0x279: {  	v11 =	vadd.f32 v19, v11;
	v9 =	vld [tilespmem:s22+$0x1C0];
	v12 =	vadd.f32 v12, v13  }
0x27a: {  	v7 =	vadd.f32 v4, v7;
	v6 =	vadd.f32 v5, v6;
	v13 =	vld [tilespmem:s22+$0x1D0]  }
0x27b: {  	v11 =	vadd.f32 v3, v11;
	v4 =	vld [tilespmem:s22+$0x180];
	v12 =	vadd.f32 v17, v12;
	vm1 =	vne.s32 v10, $0x0  }
0x27c: {  	v28 =	vadd.f32 v2, v7;
	v30 =	vadd.f32 v1, v6;
	v5 =	vld [tilespmem:s22+$0x190];
	v1 =	vsel vm1, $0x1, v0  }
0x27d: {  	v31 =	vadd.f32 v15, v11;
	v3 =	vld [tilespmem:s22+$0x1A0];
	v32 =	vadd.f32 v8, v12;
	v14 =	vadd.s32 v1, v14  }
0x27e: {  	v7 =	vld [tilespmem:s22+$0x140];
	v2 =	vmov v9  }
0x27f: {  	v6 =	vld [tilespmem:s22+$0x150];
	v1 =	vmov v13  }
0x280: {  	v9 =	vld [tilespmem:s22+$0x100]  }
0x281: {  	v8 =	vld [tilespmem:s22+$0x110]  }
0x282: {  	v11 =	vld [tilespmem:s22+$0xC0]  }
0x283: {  	v10 =	vld [tilespmem:s22+$0xD0]  }
0x284: {  	v13 =	vld [tilespmem:s22+$0x80]  }
0x285: {  	v12 =	vld [tilespmem:s22+$0x90]  }
0x286: {  	v16 =	vld [tilespmem:s22+$0x40]  }
0x287: {  	v15 =	vld [tilespmem:s22+$0x50]  }
0x288: {  	v18 =	vld [tilespmem:s22+$0x0]  }
0x289: {  	v17 =	vld [tilespmem:s22+$0x10]  }
0x28a: {  	v20 =	vld [tilespmem:s22+$0xFFFFFFC0]  }
0x28b: {  	v19 =	vld [tilespmem:s22+$0xFFFFFFD0]  }
0x28c: {  	v21 =	vld [tilespmem:s22+$0xFFFFFF80]  }
0x28d: {  	v22 =	vld [tilespmem:s22+$0xFFFFFF90]  }
0x28e: {  	v23 =	vld [tilespmem:s22+$0xFFFFFF40]  }
0x28f: {  	v24 =	vld [tilespmem:s22+$0xFFFFFF50]  }
0x290: {  	v25 =	vld [tilespmem:s22+$0xFFFFFF00]  }
0x291: {  	v26 =	vld [tilespmem:s22+$0xFFFFFF10]  }
0x292: {  	v27 =	vld [tilespmem:s22+$0xFFFFFEC0]  }
0x293: {  	v29 =	vld [tilespmem:s22+$0xFFFFFED0]  }
0x294: {  	v33 =	vld [tilespmem:s22+$0xFFFFFE80]  }
0x295: {  	v34 =	vld [tilespmem:s22+$0xFFFFFE90]  }
0x296: {  	v35 =	vld [tilespmem:s22+$0xFFFFFE40]  }
.Ltmp4:
0x297: {  	v36 =	vld [tilespmem:s22+$0xFFFFFE50];
	(pc) =	sbr.rel @p0 .LBB2_10-.Ltmp4, $4  }
0x298: {  	v37 =	vld [tilespmem:s22+$0xFFFFFE00]  }
0x299: {  	v38 =	vld [tilespmem:s22+$0xFFFFFE10]  }
0x29a: {  	v39 =	vld [tilespmem:s22+$0xFFFFFE20]  }
0x29b: {  	s24 =	sadd.s32 $0x40, s24;
	v40 =	vld [tilespmem:s22+$0xFFFFFE30]  }
0x29c: {  	v41 =	vld [tilespmem:s22+$0xFFFFFE60]  }
0x29d: {  	v42 =	vld [tilespmem:s22+$0xFFFFFE70]  }
0x29e: {  	v43 =	vld [tilespmem:s22+$0xFFFFFEA0]  }
0x29f: {  	v44 =	vld [tilespmem:s22+$0xFFFFFEB0]  }
0x2a0: {  	v45 =	vld [tilespmem:s22+$0xFFFFFEE0]  }
0x2a1: {  	v46 =	vld [tilespmem:s22+$0xFFFFFEF0]  }
0x2a2: {  	v47 =	vld [tilespmem:s22+$0xFFFFFF20]  }
0x2a3: {  	v48 =	vld [tilespmem:s22+$0xFFFFFF30]  }
0x2a4: {  	v49 =	vld [tilespmem:s22+$0xFFFFFF60]  }
0x2a5: {  	v50 =	vld [tilespmem:s22+$0xFFFFFF70]  }
0x2a6: {  	v51 =	vld [tilespmem:s22+$0xFFFFFFA0]  }
0x2a7: {  	v52 =	vld [tilespmem:s22+$0xFFFFFFB0];
	s1 =	sshra.s32 s23, $0x2;
	v28 =	vadd.f32 v37, v28  }
0x2a8: {  	v59 =	vld [tilespmem:s1+$0x6338];
	v30 =	vadd.f32 v38, v30  }
0x2a9: {  	v55 =	vld [tilespmem:s22+$0xFFFFFFE0];
	v31 =	vadd.f32 v39, v31;
	v28 =	vadd.f32 v35, v28  }
0x2aa: {  	v56 =	vld [tilespmem:s22+$0xFFFFFFF0];
	v32 =	vadd.f32 v40, v32;
	v30 =	vadd.f32 v36, v30  }
0x2ab: {  	v57 =	vld [tilespmem:s22+$0x20];
	v31 =	vadd.f32 v41, v31;
	v28 =	vadd.f32 v33, v28  }
0x2ac: {  	v58 =	vld [tilespmem:s22+$0x30];
	v32 =	vadd.f32 v42, v32;
	v30 =	vadd.f32 v34, v30  }
0x2ad: {  	v53 =	vld [tilespmem:$0xC600];
	vm1 =	vne.s32 v59, $0x0;
	v31 =	vadd.f32 v43, v31;
	v27 =	vadd.f32 v27, v28  }
0x2ae: {  	v40 =	vld [tilespmem:s22+$0xE0];
	v34 =	vsel vm1, $0x1, v0;
	v32 =	vadd.f32 v44, v32;
	v60 =	vadd.f32 v29, v30  }
0x2af: {  	v36 =	vld [tilespmem:$0xC690];
	v14 =	vadd.s32 v34, v14;
	v61 =	vadd.f32 v45, v31;
	v25 =	vadd.f32 v25, v27  }
0x2b0: {  	v33 =	vld [tilespmem:s22+$0x60];
	(v2sf) =	vpush v14, $0x0;
	v62 =	vadd.f32 v46, v32  }
0x2b1: {  	v59 =	vld [tilespmem:$0xC640];
	v26 =	vadd.f32 v26, v60;
	(v2sf) =	vpush v14, $0x1  }
0x2b2: {  	v43 =	vld [tilespmem:s22+$0x120];
	v63 =	vadd.f32 v47, v61;
	v23 =	vadd.f32 v23, v25  }
0x2b3: {  	v44 =	vld [tilespmem:$0x63F0];
	(v2sf) =	vpush v14, $0x2;
	v39 =	vadd.f32 v48, v62  }
0x2b4: {  	v29 =	vld [tilespmem:s22+$0x70];
	v24 =	vadd.f32 v24, v26;
	(v2sf) =	vpush v14, $0x3  }
0x2b5: {  	v27 =	vld [tilespmem:s22+$0xB0];
	v41 =	vadd.f32 v49, v63;
	v21 =	vadd.f32 v21, v23  }
0x2b6: {  	v32 =	vld [tilespmem:s22+$0xA0];
	(v2sf) =	vpush v14, $0x4;
	v42 =	vadd.f32 v50, v39  }
0x2b7: {  	v46 =	vld [tilespmem:s22+$0x130];
	v22 =	vadd.f32 v22, v24;
	(v2sf) =	vpush v14, $0x5  }
0x2b8: {  	v60 =	vld [tilespmem:$0xC650];
	vm1 =	vne.s32 v44, $0x0;
	v45 =	vadd.f32 v51, v41;
	v20 =	vadd.f32 v20, v21  }
0x2b9: {  	v25 =	vld [tilespmem:s22+$0xF0];
	vm1 =	vmand vm1, vm0;
	(v2sf) =	vpush v14, $0x6;
	v28 =	vadd.f32 v52, v42  }
0x2ba: {  	v47 =	vld [tilespmem:s22+$0x160];
	v54 =	vsel vm1, $0x1, v0;
	v19 =	vadd.f32 v19, v22;
	(v2sf) =	vpush v14, $0x7  }
0x2bb: {  	v61 =	vld [tilespmem:$0xC660];
	v38 =	vadd.s32 v54, v14;
	v24 =	vadd.f32 v55, v45;
	v18 =	vadd.f32 v18, v20  }
0x2bc: {  	v48 =	vld [tilespmem:s22+$0x170];
	(v2sf) =	vpush v38, $0x8;
	v51 =	vadd.f32 v56, v28  }
0x2bd: {  	v62 =	vld [tilespmem:$0xC670];
	v17 =	vadd.f32 v17, v19;
	(v2sf) =	vpush v38, $0x9  }
0x2be: {  	v49 =	vld [tilespmem:s22+$0x1B0];
	v56 =	vadd.f32 v57, v24;
	v16 =	vadd.f32 v16, v18  }
0x2bf: {  	v63 =	vld [tilespmem:$0xC680];
	(v2sf) =	vpush v38, $0xA;
	v23 =	vadd.f32 v58, v51  }
0x2c0: {  	v44 =	vld [tilespmem:$0xC700];
	v15 =	vadd.f32 v15, v17;
	(v2sf) =	vpush v38, $0xB  }
0x2c1: {  	v50 =	vld [tilespmem:s22+$0x1E0];
	v14 =	vadd.f32 v33, v56;
	(v2sf) =	vpush v38, $0xC  }
0x2c2: {  	v39 =	vld [tilespmem:$0xC6B0];
	v13 =	vadd.f32 v13, v16;
	(v2sf) =	vpush v38, $0xD  }
0x2c3: {  	v41 =	vld [tilespmem:$0xC6D0];
	v23 =	vadd.f32 v29, v23;
	(v2sf) =	vpush v38, $0xE  }
0x2c4: {  	v52 =	vld [tilespmem:s22+$0x1F0];
	v12 =	vadd.f32 v12, v15;
	s23 =	spop (v2sf);
	(v2sf) =	vpush v38, $0xF  }
0x2c5: {  	v42 =	vld [tilespmem:$0xC6E0];
	v14 =	vadd.f32 v32, v14;
	v11 =	vadd.f32 v11, v13;
	s24 =	spop (v2sf)  }
0x2c6: {  	v54 =	vld [tilespmem:$0xC790];
	v23 =	vadd.f32 v27, v23;
	v10 =	vadd.f32 v10, v12;
	s1 =	sadd.s32 s24, s23;
	s25 =	spop (v2sf)  }
0x2c7: {  	v55 =	vld [tilespmem:$0xC610];
	v14 =	vadd.f32 v40, v14;
	v9 =	vadd.f32 v9, v11;
	s1 =	sadd.s32 s25, s1;
	s26 =	spop (v2sf)  }
0x2c8: {  	v45 =	vld [tilespmem:$0xC710];
	v23 =	vadd.f32 v25, v23;
	v8 =	vadd.f32 v8, v10;
	s1 =	sadd.s32 s26, s1;
	s28 =	spop (v2sf)  }
0x2c9: {  	v57 =	vld [tilespmem:$0xC620];
	v14 =	vadd.f32 v43, v14;
	v7 =	vadd.f32 v7, v9;
	s1 =	sadd.s32 s28, s1;
	s29 =	spop (v2sf)  }
0x2ca: {  	v58 =	vld [tilespmem:$0xC630];
	v23 =	vadd.f32 v46, v23;
	v6 =	vadd.f32 v6, v8;
	s1 =	sadd.s32 s29, s1;
	s30 =	spop (v2sf)  }
0x2cb: {  	v51 =	vld [tilespmem:$0xC760];
	v14 =	vadd.f32 v47, v14;
	v4 =	vadd.f32 v4, v7;
	s1 =	sadd.s32 s30, s1;
	s31 =	spop (v2sf)  }
0x2cc: {  	v38 =	vld [tilespmem:$0xC6A0];
	v21 =	vadd.f32 v48, v23;
	v5 =	vadd.f32 v5, v6;
	s1 =	sadd.s32 s31, s1;
	s23 =	spop (v2sf)  }
0x2cd: {  	v40 =	vld [tilespmem:$0xC6C0];
	v3 =	vadd.f32 v3, v14;
	v2 =	vadd.f32 v2, v4;
	s1 =	sadd.s32 s23, s1;
	s24 =	spop (v2sf)  }
0x2ce: {  	v43 =	vld [tilespmem:$0xC6F0];
	v47 =	vadd.f32 v49, v21;
	v1 =	vadd.f32 v1, v5;
	s1 =	sadd.s32 s24, s1;
	s25 =	spop (v2sf)  }
0x2cf: {  	v46 =	vld [tilespmem:$0xC720];
	v3 =	vadd.f32 v50, v3;
	v2 =	vadd.f32 v53, v2;
	s1 =	sadd.s32 s25, s1;
	s26 =	spop (v2sf)  }
0x2d0: {  	v48 =	vld [tilespmem:$0xC730];
	v14 =	vadd.f32 v52, v47;
	v1 =	vadd.f32 v55, v1;
	s1 =	sadd.s32 s26, s1;
	s28 =	spop (v2sf)  }
0x2d1: {  	v49 =	vld [tilespmem:$0xC740];
	v3 =	vadd.f32 v57, v3;
	v2 =	vadd.f32 v59, v2;
	s1 =	sadd.s32 s28, s1;
	s29 =	spop (v2sf)  }
0x2d2: {  	v50 =	vld [tilespmem:$0xC750];
	v14 =	vadd.f32 v58, v14;
	v1 =	vadd.f32 v60, v1;
	s1 =	sadd.s32 s29, s1;
	s30 =	spop (v2sf)  }
0x2d3: {  	v53 =	vld [tilespmem:$0xC780];
	v3 =	vadd.f32 v61, v3;
	v2 =	vadd.f32 v63, v2;
	s1 =	sadd.s32 s30, s1;
	s31 =	spop (v2sf)  }
0x2d4: {  	v52 =	vld [tilespmem:$0xC770];
	v14 =	vadd.f32 v62, v14;
	v1 =	vadd.f32 v36, v1;
	s1 =	sadd.s32 s31, s1  }
0x2d5: {  	v55 =	vld [tilespmem:$0xC7A0];
	v3 =	vadd.f32 v38, v3;
	v2 =	vadd.f32 v40, v2;
	v56 =	vmov s1  }
0x2d6: {  	v57 =	vld [tilespmem:$0xC7B0];
	v12 =	vadd.f32 v39, v14;
	v1 =	vadd.f32 v41, v1  }
0x2d7: {  	v59 =	vld [tilespmem:$0xC7D0];
	v3 =	vadd.f32 v42, v3;
	v2 =	vadd.f32 v44, v2  }
0x2d8: {  	v58 =	vld [tilespmem:$0xC7C0];
	v8 =	vadd.f32 v43, v12;
	v1 =	vadd.f32 v45, v1  }
0x2d9: {  	v60 =	vld [tilespmem:$0xC7E0];
	v3 =	vadd.f32 v46, v3;
	v2 =	vadd.f32 v49, v2  }
0x2da: {  	v5 =	vadd.f32 v48, v8;
	v1 =	vadd.f32 v50, v1;
	v61 =	vld.idx.msk [tilespmem:v56+s8+$0x0], $0xffff  }
0x2db: {  	v62 =	vld [tilespmem:$0xC7F0];
	v3 =	vadd.f32 v51, v3;
	v2 =	vadd.f32 v53, v2  }
0x2dc: {  	v5 =	vadd.f32 v52, v5;
	v1 =	vadd.f32 v54, v1  }
0x2dd: {  	v3 =	vadd.f32 v55, v3;
	v2 =	vadd.f32 v58, v2  }
0x2de: {  	v5 =	vadd.f32 v57, v5;
	v1 =	vadd.f32 v59, v1  }
0x2df: {  	v3 =	vadd.f32 v60, v3;
	v2 =	vmul.f32 v61, v2  }
0x2e0: {  	v63 =	vadd.f32 v62, v5;
	v1 =	vmul.f32 v61, v1  }
0x2e1: {  	[tilespmem:$0xE7C0] =	vst v2;
	v2 =	vmul.f32 v61, v3  }
0x2e2: {  	s21 =	sadd.s32 $0x1, s21;
	[tilespmem:$0xE7D0] =	vst v1;
	v1 =	vmul.f32 v61, v63  }
0x2e3: {  	p0 =	sne.s32 s21, s7;
	[tilespmem:$0xE7E0] =	vst v2  }
.Ltmp5:
0x2e4: {  	[tilespmem:$0xE7F0] =	vst v1;
	(pc) =	sbr.rel @p0 .LBB2_1-.Ltmp5, $4  }
0x2e5: {  	[hbm4b:s6+s3] =	stream.linear.scatter [tilespmem:s20], [sflag:$0x3], $0x2000, $0x38;
	[tilespmem:$0xE8D0] =	vst v63  }
0x2e6: {  	_ =	swait.ge [sflag:s9], $0x2000  }
0x2e7: {  	[sflag:s9] =	ssyncset.done $0x0  }
0x2e8: {  	[sflag:s9] =	ssyncadd.s32 $0xFFFFE000  }
0x2e9: {  	_ =	sfence.sel $0x180000  }
0x2ea: {  	[bflag:$0x0] =	sbarrier.arrive $0xFFFF  }
0x2eb: {  	_ =	strace $0x90000047  }
0x2ec: {  	[bflag:$0x2] =	sbarrier.arrive $0xFFFF  }
0x2ed: {  	p0 =	sne.s32 s0, $0x0;
	s0 =	rddreg [dreg:$0x3]  }
0x2ee: {  	s0 =	sadd.s32 @!p0 $0x100000, s0  }
0x2ef: {  	[sflag:s0] =	ssyncadd.tile.s32 @!p0 $0x1;
	_ =	shalt  }
.Lfunc_end2:
_tile_overlayer_lowered:
.L_overlay_start_2:
0x2f0: {  	(tag) =	ssettag $0x2  }
0x2f1: {  	s0 =	rddreg [dreg:$0x0];
	s2 =	stileid.u32  }
0x2f2: {  	s1 =	rddreg [dreg:$0x1];
	p0 =	sne.s32 s2, $0x0  }
0x2f3: {  	s3 =	rddreg [dreg:$0x2];
	[bflag:$0x3] =	sbarrier.arrive $0xFFFF;
	s2 =	simm.s32 @!p0 $0x1C03  }
0x2f4: {  	[timem:s3], [sflag:s2] =	dma.local @!p0 [hbm:s0], s1  }
0x2f5: {  	s0 =	simm.s32 @!p0 $0x3  }
0x2f6: {  	_ =	swait.ge @!p0 [sflag:s0], s1  }
0x2f7: {  	s1 =	ssub.s32 @!p0 $0x0, s1;
	[sflag:s0] =	ssyncset.done @!p0 $0x0  }
0x2f8: {  	[sflag:s0] =	ssyncadd.s32 @!p0 s1  }
0x2f9: {  	[bflag:$0x3] =	sbarrier.arrive $0xFFFF  }
0x2fa: {  	_ =	shalt  }

</sc_bundles>
